<compile_context>
chip_gen: v7x
topology: tpu7x:2x2x1
jax: 0.10.2.dev20260603
libtpu: 0.0.44.dev20260713+nightly
codegen_flags: <defaults>
</compile_context>

<pallas_src>
import functools
import math

import jax
import jax.numpy as jnp
import numpy as np
from jax import lax
from jax.experimental import pallas as pl
from jax.experimental.pallas import tpu as pltpu
from jax.experimental.pallas import tpu_sc as plsc

VOCAB = 1000000
D_MODEL = 64
B = 4096
L = 200
N = B * L

NUM_CORES = 2
NUM_SUBCORES = 16
NUM_WORKERS = NUM_CORES * NUM_SUBCORES
ROWS_PER_WORKER = N // NUM_WORKERS
NCHUNK = ROWS_PER_WORKER // L
LANES = 16
PADDED_D = 128
SPLIT_A = 104
SPLIT_B = L - SPLIT_A


def _make_pe(max_len, d_model):
    pos = np.arange(max_len, dtype=np.float32)[:, None]
    div = np.exp(
        np.arange(0, d_model, 2, dtype=np.float32) * (-math.log(10000.0) / d_model)
    )
    pe = np.zeros((max_len, d_model), dtype=np.float32)
    pe[:, 0::2] = np.sin(pos * div)
    pe[:, 1::2] = np.cos(pos * div)
    return pe


_PE = _make_pe(L, D_MODEL)


@functools.partial(
    pl.kernel,
    mesh=plsc.VectorSubcoreMesh(core_axis_name="c", subcore_axis_name="s"),
    compiler_params=pltpu.CompilerParams(use_tc_tiling_on_sc=True),
    out_type=jax.ShapeDtypeStruct((N, D_MODEL), jnp.float32),
    scratch_types=[
        pltpu.VMEM((ROWS_PER_WORKER // 2,), jnp.int32),
        [pltpu.VMEM((L, PADDED_D), jnp.float32)] * 2,
        [pltpu.VMEM((L, D_MODEL), jnp.float32)] * 2,
        pltpu.VMEM((L * D_MODEL,), jnp.float32),
        [pltpu.SemaphoreType.DMA] * 2,
        [pltpu.SemaphoreType.DMA] * 2,
        [pltpu.SemaphoreType.DMA] * 2,
    ],
)
def _emb_lookup(ids_hbm, table_hbm, pe_hbm, out_hbm,
                idx_v, rows_v, stage_v, pe_v, sem_ga, sem_gb, sem_out):
    wid = lax.axis_index("s") * NUM_CORES + lax.axis_index("c")
    base = wid * ROWS_PER_WORKER

    pltpu.sync_copy(pe_hbm, pe_v)

    def issue_gather(g, b):
        loc = g * L
        pltpu.async_copy(
            table_hbm.at[idx_v.at[pl.ds(loc, SPLIT_A)]],
            rows_v[b].at[pl.ds(0, SPLIT_A)], sem_ga[b])
        pltpu.async_copy(
            table_hbm.at[idx_v.at[pl.ds(loc + SPLIT_A, SPLIT_B)]],
            rows_v[b].at[pl.ds(SPLIT_A, SPLIT_B)], sem_gb[b])

    def wait_gather(b):
        pltpu.make_async_copy(
            table_hbm.at[pl.ds(0, SPLIT_A)],
            rows_v[b].at[pl.ds(0, SPLIT_A)], sem_ga[b]).wait()
        pltpu.make_async_copy(
            table_hbm.at[pl.ds(0, SPLIT_B)],
            rows_v[b].at[pl.ds(SPLIT_A, SPLIT_B)], sem_gb[b]).wait()

    def wait_out(b):
        pltpu.make_async_copy(
            stage_v[b], out_hbm.at[pl.ds(0, L)], sem_out[b]).wait()

    HCHUNK = NCHUNK // 2

    def make_process(half_base):
        def process(g, b, drain_out):
            wait_gather(b)
            if drain_out:
                wait_out(b)

            def row_body(p, _):
                o = p * D_MODEL
                for j in range(D_MODEL // LANES):
                    c = j * LANES
                    stage_v[b][p, pl.ds(c, LANES)] = (
                        rows_v[b][p, pl.ds(c, LANES)] * 8.0
                        + pe_v[pl.ds(o + c, LANES)])
                return _

            lax.fori_loop(0, L, row_body, None, unroll=False)
            off = pl.multiple_of(half_base + g * L, L)
            pltpu.async_copy(stage_v[b], out_hbm.at[pl.ds(off, L)],
                             sem_out[b])
        return process

    for h in range(2):
        half_base = base + h * HCHUNK * L
        pltpu.sync_copy(
            ids_hbm.at[pl.ds(half_base, HCHUNK * L)], idx_v)
        process = make_process(half_base)

        issue_gather(0, 0)
        issue_gather(1, 1)
        process(0, 0, drain_out=False)
        issue_gather(2, 0)
        process(1, 1, drain_out=False)
        issue_gather(3, 1)

        def pair_body(tt, _):
            g0 = tt * 2
            process(g0, 0, drain_out=True)
            issue_gather(g0 + 2, 0)
            process(g0 + 1, 1, drain_out=True)
            issue_gather(g0 + 3, 1)
            return _

        lax.fori_loop(1, HCHUNK // 2 - 1, pair_body, None, unroll=False)

        process(HCHUNK - 2, 0, drain_out=True)
        process(HCHUNK - 1, 1, drain_out=True)
        wait_out(0)
        wait_out(1)


def kernel(input_ids, W):
    ids_flat = input_ids.reshape(-1).astype(jnp.int32)
    table = jnp.pad(W, ((0, 0), (0, PADDED_D - D_MODEL)))
    out = _emb_lookup(ids_flat, table, jnp.asarray(_PE).reshape(-1))
    return out.reshape(B, L, D_MODEL)

# --- scband reference (transcript-rebuilt; emitter-appended) ---
"""Pipeline reference for scband-token-embedding-22728966930696 (READ-ONLY COPY).

The authoritative reference and input builder live on the scoring server;
editing this copy changes nothing except your own understanding.
"""

import math
import jax, jax.numpy as jnp
import numpy as np

VOCAB = 1000000
D_MODEL = 64
MAX_LEN = 512
B = 4096
L = 200


def make_pos_encoding(max_len, d_model):
    pos = np.arange(max_len, dtype=np.float32)[:, None]
    div = np.exp(np.arange(0, d_model, 2, dtype=np.float32) * (-math.log(10000.0) / d_model))
    pe = np.zeros((max_len, d_model), dtype=np.float32)
    pe[:, 0::2] = np.sin(pos * div)
    pe[:, 1::2] = np.cos(pos * div)
    return jnp.asarray(pe)


def setup_inputs(seed: int = 0) -> dict:
    key = jax.random.key(seed)
    k1, k2 = jax.random.split(key)
    input_ids = jax.random.randint(k1, (B, L), 0, VOCAB, dtype=jnp.int64)
    # learned embedding table, init like nn.Embedding (N(0,1))
    W = jax.random.normal(k2, (VOCAB, D_MODEL), dtype=jnp.float32)
    return {"input_ids": input_ids, "W": W}


def reference(input_ids, W):
    d_model = W.shape[1]
    scale = math.sqrt(d_model)
    pe = make_pos_encoding(MAX_LEN, d_model)
    x = jnp.take(W, input_ids, axis=0) * scale  # embedding lookup (gather)
    seq_len = input_ids.shape[1]
    return x + pe[:seq_len][None, :, :]

if __name__ == "__main__":
    import jax
    _d = setup_inputs()
    print(jax.jit(kernel)(*tuple(_d.values())))

</pallas_src>

<mosaic_0001>
#map = affine_map<(d0, d1) -> (0)>
#map1 = affine_map<(d0, d1) -> (0, 0)>
module attributes {stable_mosaic.version = 14 : i64} {
  func.func @_emb_lookup(%arg0: i32, %arg1: i32, %arg2: memref<819200xi32, #tpu.memory_space<hbm>>, %arg3: memref<1000000x128xf32, #tpu.memory_space<hbm>>, %arg4: memref<12800xf32, #tpu.memory_space<hbm>>, %arg5: memref<819200x64xf32, #tpu.memory_space<hbm>>, %arg6: memref<12800xi32, #tpu.memory_space<vmem>>, %arg7: memref<200x128xf32, #tpu.memory_space<vmem>>, %arg8: memref<200x128xf32, #tpu.memory_space<vmem>>, %arg9: memref<200x64xf32, #tpu.memory_space<vmem>>, %arg10: memref<200x64xf32, #tpu.memory_space<vmem>>, %arg11: memref<12800xf32, #tpu.memory_space<vmem>>, %arg12: memref<!tpu.dma_semaphore, #tpu.memory_space<semaphore_mem>>, %arg13: memref<!tpu.dma_semaphore, #tpu.memory_space<semaphore_mem>>, %arg14: memref<!tpu.dma_semaphore, #tpu.memory_space<semaphore_mem>>, %arg15: memref<!tpu.dma_semaphore, #tpu.memory_space<semaphore_mem>>, %arg16: memref<!tpu.dma_semaphore, #tpu.memory_space<semaphore_mem>>, %arg17: memref<!tpu.dma_semaphore, #tpu.memory_space<semaphore_mem>>) attributes {dimension_semantics = [#tpu.dimension_semantics<core_parallel>, #tpu.dimension_semantics<subcore_parallel>], iteration_bounds = array<i64: 2, 16>, scalar_prefetch = 0 : i64, scratch_operands = 12 : i64, tpu.core_type = #tpu.core_type<sc_vector_subcore>, window_params = [{transform_indices = #map}, {transform_indices = #map1}, {transform_indices = #map}, {transform_indices = #map1}]} {
    %mul3A = arith.constant 2 : i32
    %mul3A_0 = arith.muli %arg1, %mul3A : i32
    %add3A = arith.addi %mul3A_0, %arg0 : i32
    %mul3A_1 = arith.constant 25600 : i32
    %mul3A_2 = arith.muli %add3A, %mul3A_1 : i32
    "tpu.region"() ({
      %run_scoped3A = tpu.sem_alloc : memref<!tpu.dma_semaphore, #tpu.memory_space<semaphore_mem>>
      tpu.enqueue_dma source(%arg4 : memref<12800xf32, #tpu.memory_space<hbm>>) target(%arg11 : memref<12800xf32, #tpu.memory_space<vmem>>) target_semaphore(%run_scoped3A : memref<!tpu.dma_semaphore, #tpu.memory_space<semaphore_mem>>)
      tpu.wait_dma2 semaphore(%run_scoped3A : memref<!tpu.dma_semaphore, #tpu.memory_space<semaphore_mem>>) src(%arg4 : memref<12800xf32, #tpu.memory_space<hbm>>) dst(%arg11 : memref<12800xf32, #tpu.memory_space<vmem>>)
      tpu.yield
    }) : () -> ()
    %add3A_3 = arith.constant 0 : i32
    %add3A_4 = arith.addi %mul3A_2, %add3A_3 : i32
    "tpu.region"() ({
      %run_scoped3A = tpu.sem_alloc : memref<!tpu.dma_semaphore, #tpu.memory_space<semaphore_mem>>
      %dma_start3A_477 = tpu.memref_slice %arg2[%add3A_4] : memref<819200xi32, #tpu.memory_space<hbm>> -> memref<12800xi32, #tpu.memory_space<hbm>>
      %dma_start3A_478 = tpu.memref_slice %arg2[%add3A_4] : memref<819200xi32, #tpu.memory_space<hbm>> -> memref<12800xi32, #tpu.memory_space<hbm>>
      tpu.enqueue_dma source(%dma_start3A_478 : memref<12800xi32, #tpu.memory_space<hbm>>) target(%arg6 : memref<12800xi32, #tpu.memory_space<vmem>>) target_semaphore(%run_scoped3A : memref<!tpu.dma_semaphore, #tpu.memory_space<semaphore_mem>>)
      %dma_wait3A_479 = tpu.memref_slice %arg2[%add3A_4] : memref<819200xi32, #tpu.memory_space<hbm>> -> memref<12800xi32, #tpu.memory_space<hbm>>
      %dma_wait3A_480 = tpu.memref_slice %arg2[%add3A_4] : memref<819200xi32, #tpu.memory_space<hbm>> -> memref<12800xi32, #tpu.memory_space<hbm>>
      tpu.wait_dma2 semaphore(%run_scoped3A : memref<!tpu.dma_semaphore, #tpu.memory_space<semaphore_mem>>) src(%dma_wait3A_480 : memref<12800xi32, #tpu.memory_space<hbm>>) dst(%arg6 : memref<12800xi32, #tpu.memory_space<vmem>>)
      tpu.yield
    }) : () -> ()
    %dma_start3A = arith.constant 0 : i32
    %dma_start3A_5 = arith.constant 0 : i32
    %dma_start3A_6 = tpu.memref_slice %arg7[%dma_start3A, %dma_start3A_5] : memref<200x128xf32, #tpu.memory_space<vmem>> -> memref<104x128xf32, #tpu.memory_space<vmem>>
    %dma_start3A_7 = arith.constant 0 : i32
    %dma_start3A_8 = tpu.memref_slice %arg6[%dma_start3A_7] : memref<12800xi32, #tpu.memory_space<vmem>> -> memref<104xi32, #tpu.memory_space<vmem>>
    %dma_start3A_9 = arith.constant 0 : i32
    %dma_start3A_10 = arith.constant 0 : i32
    %dma_start3A_11 = tpu.memref_slice %arg3[%dma_start3A_9, %dma_start3A_10] : memref<1000000x128xf32, #tpu.memory_space<hbm>> -> memref<1000000x128xf32, #tpu.memory_space<hbm>>
    tpu.enqueue_indirect_dma source(%dma_start3A_11 : memref<1000000x128xf32, #tpu.memory_space<hbm>>) target(%dma_start3A_6 : memref<104x128xf32, #tpu.memory_space<vmem>>) offsets(%dma_start3A_8 : memref<104xi32, #tpu.memory_space<vmem>>) semaphore(%arg12 : memref<!tpu.dma_semaphore, #tpu.memory_space<semaphore_mem>>)
    %dma_start3A_12 = arith.constant 104 : i32
    %dma_start3A_13 = arith.constant 0 : i32
    %dma_start3A_14 = tpu.memref_slice %arg7[%dma_start3A_12, %dma_start3A_13] : memref<200x128xf32, #tpu.memory_space<vmem>> -> memref<96x128xf32, #tpu.memory_space<vmem>>
    %dma_start3A_15 = arith.constant 104 : i32
    %dma_start3A_16 = tpu.memref_slice %arg6[%dma_start3A_15] : memref<12800xi32, #tpu.memory_space<vmem>> -> memref<96xi32, #tpu.memory_space<vmem>>
    %dma_start3A_17 = arith.constant 0 : i32
    %dma_start3A_18 = arith.constant 0 : i32
    %dma_start3A_19 = tpu.memref_slice %arg3[%dma_start3A_17, %dma_start3A_18] : memref<1000000x128xf32, #tpu.memory_space<hbm>> -> memref<1000000x128xf32, #tpu.memory_space<hbm>>
    tpu.enqueue_indirect_dma source(%dma_start3A_19 : memref<1000000x128xf32, #tpu.memory_space<hbm>>) target(%dma_start3A_14 : memref<96x128xf32, #tpu.memory_space<vmem>>) offsets(%dma_start3A_16 : memref<96xi32, #tpu.memory_space<vmem>>) semaphore(%arg14 : memref<!tpu.dma_semaphore, #tpu.memory_space<semaphore_mem>>)
    %dma_start3A_20 = arith.constant 0 : i32
    %dma_start3A_21 = arith.constant 0 : i32
    %dma_start3A_22 = tpu.memref_slice %arg8[%dma_start3A_20, %dma_start3A_21] : memref<200x128xf32, #tpu.memory_space<vmem>> -> memref<104x128xf32, #tpu.memory_space<vmem>>
    %dma_start3A_23 = arith.constant 200 : i32
    %dma_start3A_24 = tpu.memref_slice %arg6[%dma_start3A_23] : memref<12800xi32, #tpu.memory_space<vmem>> -> memref<104xi32, #tpu.memory_space<vmem>>
    %dma_start3A_25 = arith.constant 0 : i32
    %dma_start3A_26 = arith.constant 0 : i32
    %dma_start3A_27 = tpu.memref_slice %arg3[%dma_start3A_25, %dma_start3A_26] : memref<1000000x128xf32, #tpu.memory_space<hbm>> -> memref<1000000x128xf32, #tpu.memory_space<hbm>>
    tpu.enqueue_indirect_dma source(%dma_start3A_27 : memref<1000000x128xf32, #tpu.memory_space<hbm>>) target(%dma_start3A_22 : memref<104x128xf32, #tpu.memory_space<vmem>>) offsets(%dma_start3A_24 : memref<104xi32, #tpu.memory_space<vmem>>) semaphore(%arg13 : memref<!tpu.dma_semaphore, #tpu.memory_space<semaphore_mem>>)
    %dma_start3A_28 = arith.constant 104 : i32
    %dma_start3A_29 = arith.constant 0 : i32
    %dma_start3A_30 = tpu.memref_slice %arg8[%dma_start3A_28, %dma_start3A_29] : memref<200x128xf32, #tpu.memory_space<vmem>> -> memref<96x128xf32, #tpu.memory_space<vmem>>
    %dma_start3A_31 = arith.constant 304 : i32
    %dma_start3A_32 = tpu.memref_slice %arg6[%dma_start3A_31] : memref<12800xi32, #tpu.memory_space<vmem>> -> memref<96xi32, #tpu.memory_space<vmem>>
    %dma_start3A_33 = arith.constant 0 : i32
    %dma_start3A_34 = arith.constant 0 : i32
    %dma_start3A_35 = tpu.memref_slice %arg3[%dma_start3A_33, %dma_start3A_34] : memref<1000000x128xf32, #tpu.memory_space<hbm>> -> memref<1000000x128xf32, #tpu.memory_space<hbm>>
    tpu.enqueue_indirect_dma source(%dma_start3A_35 : memref<1000000x128xf32, #tpu.memory_space<hbm>>) target(%dma_start3A_30 : memref<96x128xf32, #tpu.memory_space<vmem>>) offsets(%dma_start3A_32 : memref<96xi32, #tpu.memory_space<vmem>>) semaphore(%arg15 : memref<!tpu.dma_semaphore, #tpu.memory_space<semaphore_mem>>)
    %dma_wait3A = arith.constant 0 : i32
    %dma_wait3A_36 = arith.constant 0 : i32
    %dma_wait3A_37 = tpu.memref_slice %arg7[%dma_wait3A, %dma_wait3A_36] : memref<200x128xf32, #tpu.memory_space<vmem>> -> memref<104x128xf32, #tpu.memory_space<vmem>>
    %dma_wait3A_38 = arith.constant 0 : i32
    %dma_wait3A_39 = arith.constant 0 : i32
    %dma_wait3A_40 = tpu.memref_slice %arg3[%dma_wait3A_38, %dma_wait3A_39] : memref<1000000x128xf32, #tpu.memory_space<hbm>> -> memref<104x128xf32, #tpu.memory_space<hbm>>
    %dma_wait3A_41 = arith.constant 0 : i32
    %dma_wait3A_42 = arith.constant 0 : i32
    %dma_wait3A_43 = tpu.memref_slice %arg7[%dma_wait3A_41, %dma_wait3A_42] : memref<200x128xf32, #tpu.memory_space<vmem>> -> memref<104x128xf32, #tpu.memory_space<vmem>>
    %dma_wait3A_44 = arith.constant 0 : i32
    %dma_wait3A_45 = arith.constant 0 : i32
    %dma_wait3A_46 = tpu.memref_slice %arg3[%dma_wait3A_44, %dma_wait3A_45] : memref<1000000x128xf32, #tpu.memory_space<hbm>> -> memref<104x128xf32, #tpu.memory_space<hbm>>
    tpu.wait_dma2 semaphore(%arg12 : memref<!tpu.dma_semaphore, #tpu.memory_space<semaphore_mem>>) src(%dma_wait3A_46 : memref<104x128xf32, #tpu.memory_space<hbm>>) dst(%dma_wait3A_43 : memref<104x128xf32, #tpu.memory_space<vmem>>)
    %dma_wait3A_47 = arith.constant 104 : i32
    %dma_wait3A_48 = arith.constant 0 : i32
    %dma_wait3A_49 = tpu.memref_slice %arg7[%dma_wait3A_47, %dma_wait3A_48] : memref<200x128xf32, #tpu.memory_space<vmem>> -> memref<96x128xf32, #tpu.memory_space<vmem>>
    %dma_wait3A_50 = arith.constant 0 : i32
    %dma_wait3A_51 = arith.constant 0 : i32
    %dma_wait3A_52 = tpu.memref_slice %arg3[%dma_wait3A_50, %dma_wait3A_51] : memref<1000000x128xf32, #tpu.memory_space<hbm>> -> memref<96x128xf32, #tpu.memory_space<hbm>>
    %dma_wait3A_53 = arith.constant 104 : i32
    %dma_wait3A_54 = arith.constant 0 : i32
    %dma_wait3A_55 = tpu.memref_slice %arg7[%dma_wait3A_53, %dma_wait3A_54] : memref<200x128xf32, #tpu.memory_space<vmem>> -> memref<96x128xf32, #tpu.memory_space<vmem>>
    %dma_wait3A_56 = arith.constant 0 : i32
    %dma_wait3A_57 = arith.constant 0 : i32
    %dma_wait3A_58 = tpu.memref_slice %arg3[%dma_wait3A_56, %dma_wait3A_57] : memref<1000000x128xf32, #tpu.memory_space<hbm>> -> memref<96x128xf32, #tpu.memory_space<hbm>>
    tpu.wait_dma2 semaphore(%arg14 : memref<!tpu.dma_semaphore, #tpu.memory_space<semaphore_mem>>) src(%dma_wait3A_58 : memref<96x128xf32, #tpu.memory_space<hbm>>) dst(%dma_wait3A_55 : memref<96x128xf32, #tpu.memory_space<vmem>>)
    %scan3A = arith.constant 0 : i32
    %scan3A_59 = arith.constant 200 : i32
    %scan3A_60 = arith.addi %scan3A, %scan3A_59 : i32
    %scan3A_61 = arith.constant 1 : i32
    scf.for %scan3A_477 = %scan3A to %scan3A_60 step %scan3A_61  : i32 {
      %mul3A_478 = arith.constant 64 : i32
      %mul3A_479 = arith.muli %scan3A_477, %mul3A_478 : i32
      %get3A = arith.index_cast %scan3A_477 : i32 to index
      %get3A_480 = arith.constant 0 : index
      %get3A_481 = tpu.vector_load %arg7[%get3A, %get3A_480] {strides = array<i32>} : memref<200x128xf32, #tpu.memory_space<vmem>>, vector<1x16xf32>,
      %get3A_482 = vector.shape_cast %get3A_481 : vector<1x16xf32> to vector<16xf32>
      %mul3A_483 = arith.constant 8.000000e+00 : f32
      %mul3A_484 = vector.broadcast %mul3A_483 : f32 to vector<16xf32>
      %mul3A_485 = arith.mulf %get3A_482, %mul3A_484 : vector<16xf32>
      %add3A_486 = arith.constant 0 : i32
      %add3A_487 = arith.addi %mul3A_479, %add3A_486 : i32
      %get3A_488 = arith.index_cast %add3A_487 : i32 to index
      %get3A_489 = tpu.vector_load %arg11[%get3A_488] {strides = array<i32>} : memref<12800xf32, #tpu.memory_space<vmem>>, vector<16xf32>,
      %get3A_490 = vector.shape_cast %get3A_489 : vector<16xf32> to vector<16xf32>
      %add3A_491 = arith.addf %mul3A_485, %get3A_490 : vector<16xf32>
      %swap3A = arith.index_cast %scan3A_477 : i32 to index
      %swap3A_492 = arith.constant 0 : index
      %swap3A_493 = tpu.vector_load %arg9[%swap3A, %swap3A_492] {strides = array<i32>} : memref<200x64xf32, #tpu.memory_space<vmem>>, vector<1x16xf32>,
      %swap3A_494 = vector.shape_cast %swap3A_493 : vector<1x16xf32> to vector<16xf32>
      %swap3A_495 = vector.shape_cast %add3A_491 : vector<16xf32> to vector<1x16xf32>
      tpu.vector_store %arg9[%swap3A, %swap3A_492], %swap3A_495 {strides = array<i32>} : memref<200x64xf32, #tpu.memory_space<vmem>>, vector<1x16xf32>,
      %get3A_496 = arith.index_cast %scan3A_477 : i32 to index
      %get3A_497 = arith.constant 16 : index
      %get3A_498 = tpu.vector_load %arg7[%get3A_496, %get3A_497] {strides = array<i32>} : memref<200x128xf32, #tpu.memory_space<vmem>>, vector<1x16xf32>,
      %get3A_499 = vector.shape_cast %get3A_498 : vector<1x16xf32> to vector<16xf32>
      %mul3A_500 = arith.constant 8.000000e+00 : f32
      %mul3A_501 = vector.broadcast %mul3A_500 : f32 to vector<16xf32>
      %mul3A_502 = arith.mulf %get3A_499, %mul3A_501 : vector<16xf32>
      %add3A_503 = arith.constant 16 : i32
      %add3A_504 = arith.addi %mul3A_479, %add3A_503 : i32
      %get3A_505 = arith.index_cast %add3A_504 : i32 to index
      %get3A_506 = tpu.vector_load %arg11[%get3A_505] {strides = array<i32>} : memref<12800xf32, #tpu.memory_space<vmem>>, vector<16xf32>,
      %get3A_507 = vector.shape_cast %get3A_506 : vector<16xf32> to vector<16xf32>
      %add3A_508 = arith.addf %mul3A_502, %get3A_507 : vector<16xf32>
      %swap3A_509 = arith.index_cast %scan3A_477 : i32 to index
      %swap3A_510 = arith.constant 16 : index
      %swap3A_511 = tpu.vector_load %arg9[%swap3A_509, %swap3A_510] {strides = array<i32>} : memref<200x64xf32, #tpu.memory_space<vmem>>, vector<1x16xf32>,
      %swap3A_512 = vector.shape_cast %swap3A_511 : vector<1x16xf32> to vector<16xf32>
      %swap3A_513 = vector.shape_cast %add3A_508 : vector<16xf32> to vector<1x16xf32>
      tpu.vector_store %arg9[%swap3A_509, %swap3A_510], %swap3A_513 {strides = array<i32>} : memref<200x64xf32, #tpu.memory_space<vmem>>, vector<1x16xf32>,
      %get3A_514 = arith.index_cast %scan3A_477 : i32 to index
      %get3A_515 = arith.constant 32 : index
      %get3A_516 = tpu.vector_load %arg7[%get3A_514, %get3A_515] {strides = array<i32>} : memref<200x128xf32, #tpu.memory_space<vmem>>, vector<1x16xf32>,
      %get3A_517 = vector.shape_cast %get3A_516 : vector<1x16xf32> to vector<16xf32>
      %mul3A_518 = arith.constant 8.000000e+00 : f32
      %mul3A_519 = vector.broadcast %mul3A_518 : f32 to vector<16xf32>
      %mul3A_520 = arith.mulf %get3A_517, %mul3A_519 : vector<16xf32>
      %add3A_521 = arith.constant 32 : i32
      %add3A_522 = arith.addi %mul3A_479, %add3A_521 : i32
      %get3A_523 = arith.index_cast %add3A_522 : i32 to index
      %get3A_524 = tpu.vector_load %arg11[%get3A_523] {strides = array<i32>} : memref<12800xf32, #tpu.memory_space<vmem>>, vector<16xf32>,
      %get3A_525 = vector.shape_cast %get3A_524 : vector<16xf32> to vector<16xf32>
      %add3A_526 = arith.addf %mul3A_520, %get3A_525 : vector<16xf32>
      %swap3A_527 = arith.index_cast %scan3A_477 : i32 to index
      %swap3A_528 = arith.constant 32 : index
      %swap3A_529 = tpu.vector_load %arg9[%swap3A_527, %swap3A_528] {strides = array<i32>} : memref<200x64xf32, #tpu.memory_space<vmem>>, vector<1x16xf32>,
      %swap3A_530 = vector.shape_cast %swap3A_529 : vector<1x16xf32> to vector<16xf32>
      %swap3A_531 = vector.shape_cast %add3A_526 : vector<16xf32> to vector<1x16xf32>
      tpu.vector_store %arg9[%swap3A_527, %swap3A_528], %swap3A_531 {strides = array<i32>} : memref<200x64xf32, #tpu.memory_space<vmem>>, vector<1x16xf32>,
      %get3A_532 = arith.index_cast %scan3A_477 : i32 to index
      %get3A_533 = arith.constant 48 : index
      %get3A_534 = tpu.vector_load %arg7[%get3A_532, %get3A_533] {strides = array<i32>} : memref<200x128xf32, #tpu.memory_space<vmem>>, vector<1x16xf32>,
      %get3A_535 = vector.shape_cast %get3A_534 : vector<1x16xf32> to vector<16xf32>
      %mul3A_536 = arith.constant 8.000000e+00 : f32
      %mul3A_537 = vector.broadcast %mul3A_536 : f32 to vector<16xf32>
      %mul3A_538 = arith.mulf %get3A_535, %mul3A_537 : vector<16xf32>
      %add3A_539 = arith.constant 48 : i32
      %add3A_540 = arith.addi %mul3A_479, %add3A_539 : i32
      %get3A_541 = arith.index_cast %add3A_540 : i32 to index
      %get3A_542 = tpu.vector_load %arg11[%get3A_541] {strides = array<i32>} : memref<12800xf32, #tpu.memory_space<vmem>>, vector<16xf32>,
      %get3A_543 = vector.shape_cast %get3A_542 : vector<16xf32> to vector<16xf32>
      %add3A_544 = arith.addf %mul3A_538, %get3A_543 : vector<16xf32>
      %swap3A_545 = arith.index_cast %scan3A_477 : i32 to index
      %swap3A_546 = arith.constant 48 : index
      %swap3A_547 = tpu.vector_load %arg9[%swap3A_545, %swap3A_546] {strides = array<i32>} : memref<200x64xf32, #tpu.memory_space<vmem>>, vector<1x16xf32>,
      %swap3A_548 = vector.shape_cast %swap3A_547 : vector<1x16xf32> to vector<16xf32>
      %swap3A_549 = vector.shape_cast %add3A_544 : vector<16xf32> to vector<1x16xf32>
      tpu.vector_store %arg9[%swap3A_545, %swap3A_546], %swap3A_549 {strides = array<i32>} : memref<200x64xf32, #tpu.memory_space<vmem>>, vector<1x16xf32>,
    }
    %scan3A_62 = arith.constant 200 : i32
    %add3A_63 = arith.constant 0 : i32
    %add3A_64 = arith.addi %add3A_4, %add3A_63 : i32
    %multiple_of3A = tpu.assume_multiple %add3A_64, 200 : i32
    %dma_start3A_65 = arith.constant 0 : i32
    %dma_start3A_66 = tpu.memref_slice %arg5[%multiple_of3A, %dma_start3A_65] : memref<819200x64xf32, #tpu.memory_space<hbm>> -> memref<200x64xf32, #tpu.memory_space<hbm>>
    %dma_start3A_67 = arith.constant 0 : i32
    %dma_start3A_68 = tpu.memref_slice %arg5[%multiple_of3A, %dma_start3A_67] : memref<819200x64xf32, #tpu.memory_space<hbm>> -> memref<200x64xf32, #tpu.memory_space<hbm>>
    tpu.enqueue_dma source(%arg9 : memref<200x64xf32, #tpu.memory_space<vmem>>) target(%dma_start3A_68 : memref<200x64xf32, #tpu.memory_space<hbm>>) target_semaphore(%arg16 : memref<!tpu.dma_semaphore, #tpu.memory_space<semaphore_mem>>)
    %dma_start3A_69 = arith.constant 0 : i32
    %dma_start3A_70 = arith.constant 0 : i32
    %dma_start3A_71 = tpu.memref_slice %arg7[%dma_start3A_69, %dma_start3A_70] : memref<200x128xf32, #tpu.memory_space<vmem>> -> memref<104x128xf32, #tpu.memory_space<vmem>>
    %dma_start3A_72 = arith.constant 400 : i32
    %dma_start3A_73 = tpu.memref_slice %arg6[%dma_start3A_72] : memref<12800xi32, #tpu.memory_space<vmem>> -> memref<104xi32, #tpu.memory_space<vmem>>
    %dma_start3A_74 = arith.constant 0 : i32
    %dma_start3A_75 = arith.constant 0 : i32
    %dma_start3A_76 = tpu.memref_slice %arg3[%dma_start3A_74, %dma_start3A_75] : memref<1000000x128xf32, #tpu.memory_space<hbm>> -> memref<1000000x128xf32, #tpu.memory_space<hbm>>
    tpu.enqueue_indirect_dma source(%dma_start3A_76 : memref<1000000x128xf32, #tpu.memory_space<hbm>>) target(%dma_start3A_71 : memref<104x128xf32, #tpu.memory_space<vmem>>) offsets(%dma_start3A_73 : memref<104xi32, #tpu.memory_space<vmem>>) semaphore(%arg12 : memref<!tpu.dma_semaphore, #tpu.memory_space<semaphore_mem>>)
    %dma_start3A_77 = arith.constant 104 : i32
    %dma_start3A_78 = arith.constant 0 : i32
    %dma_start3A_79 = tpu.memref_slice %arg7[%dma_start3A_77, %dma_start3A_78] : memref<200x128xf32, #tpu.memory_space<vmem>> -> memref<96x128xf32, #tpu.memory_space<vmem>>
    %dma_start3A_80 = arith.constant 504 : i32
    %dma_start3A_81 = tpu.memref_slice %arg6[%dma_start3A_80] : memref<12800xi32, #tpu.memory_space<vmem>> -> memref<96xi32, #tpu.memory_space<vmem>>
    %dma_start3A_82 = arith.constant 0 : i32
    %dma_start3A_83 = arith.constant 0 : i32
    %dma_start3A_84 = tpu.memref_slice %arg3[%dma_start3A_82, %dma_start3A_83] : memref<1000000x128xf32, #tpu.memory_space<hbm>> -> memref<1000000x128xf32, #tpu.memory_space<hbm>>
    tpu.enqueue_indirect_dma source(%dma_start3A_84 : memref<1000000x128xf32, #tpu.memory_space<hbm>>) target(%dma_start3A_79 : memref<96x128xf32, #tpu.memory_space<vmem>>) offsets(%dma_start3A_81 : memref<96xi32, #tpu.memory_space<vmem>>) semaphore(%arg14 : memref<!tpu.dma_semaphore, #tpu.memory_space<semaphore_mem>>)
    %dma_wait3A_85 = arith.constant 0 : i32
    %dma_wait3A_86 = arith.constant 0 : i32
    %dma_wait3A_87 = tpu.memref_slice %arg8[%dma_wait3A_85, %dma_wait3A_86] : memref<200x128xf32, #tpu.memory_space<vmem>> -> memref<104x128xf32, #tpu.memory_space<vmem>>
    %dma_wait3A_88 = arith.constant 0 : i32
    %dma_wait3A_89 = arith.constant 0 : i32
    %dma_wait3A_90 = tpu.memref_slice %arg3[%dma_wait3A_88, %dma_wait3A_89] : memref<1000000x128xf32, #tpu.memory_space<hbm>> -> memref<104x128xf32, #tpu.memory_space<hbm>>
    %dma_wait3A_91 = arith.constant 0 : i32
    %dma_wait3A_92 = arith.constant 0 : i32
    %dma_wait3A_93 = tpu.memref_slice %arg8[%dma_wait3A_91, %dma_wait3A_92] : memref<200x128xf32, #tpu.memory_space<vmem>> -> memref<104x128xf32, #tpu.memory_space<vmem>>
    %dma_wait3A_94 = arith.constant 0 : i32
    %dma_wait3A_95 = arith.constant 0 : i32
    %dma_wait3A_96 = tpu.memref_slice %arg3[%dma_wait3A_94, %dma_wait3A_95] : memref<1000000x128xf32, #tpu.memory_space<hbm>> -> memref<104x128xf32, #tpu.memory_space<hbm>>
    tpu.wait_dma2 semaphore(%arg13 : memref<!tpu.dma_semaphore, #tpu.memory_space<semaphore_mem>>) src(%dma_wait3A_96 : memref<104x128xf32, #tpu.memory_space<hbm>>) dst(%dma_wait3A_93 : memref<104x128xf32, #tpu.memory_space<vmem>>)
    %dma_wait3A_97 = arith.constant 104 : i32
    %dma_wait3A_98 = arith.constant 0 : i32
    %dma_wait3A_99 = tpu.memref_slice %arg8[%dma_wait3A_97, %dma_wait3A_98] : memref<200x128xf32, #tpu.memory_space<vmem>> -> memref<96x128xf32, #tpu.memory_space<vmem>>
    %dma_wait3A_100 = arith.constant 0 : i32
    %dma_wait3A_101 = arith.constant 0 : i32
    %dma_wait3A_102 = tpu.memref_slice %arg3[%dma_wait3A_100, %dma_wait3A_101] : memref<1000000x128xf32, #tpu.memory_space<hbm>> -> memref<96x128xf32, #tpu.memory_space<hbm>>
    %dma_wait3A_103 = arith.constant 104 : i32
    %dma_wait3A_104 = arith.constant 0 : i32
    %dma_wait3A_105 = tpu.memref_slice %arg8[%dma_wait3A_103, %dma_wait3A_104] : memref<200x128xf32, #tpu.memory_space<vmem>> -> memref<96x128xf32, #tpu.memory_space<vmem>>
    %dma_wait3A_106 = arith.constant 0 : i32
    %dma_wait3A_107 = arith.constant 0 : i32
    %dma_wait3A_108 = tpu.memref_slice %arg3[%dma_wait3A_106, %dma_wait3A_107] : memref<1000000x128xf32, #tpu.memory_space<hbm>> -> memref<96x128xf32, #tpu.memory_space<hbm>>
    tpu.wait_dma2 semaphore(%arg15 : memref<!tpu.dma_semaphore, #tpu.memory_space<semaphore_mem>>) src(%dma_wait3A_108 : memref<96x128xf32, #tpu.memory_space<hbm>>) dst(%dma_wait3A_105 : memref<96x128xf32, #tpu.memory_space<vmem>>)
    %scan3A_109 = arith.constant 0 : i32
    %scan3A_110 = arith.constant 200 : i32
    %scan3A_111 = arith.addi %scan3A_109, %scan3A_110 : i32
    %scan3A_112 = arith.constant 1 : i32
    scf.for %scan3A_477 = %scan3A_109 to %scan3A_111 step %scan3A_112  : i32 {
      %mul3A_478 = arith.constant 64 : i32
      %mul3A_479 = arith.muli %scan3A_477, %mul3A_478 : i32
      %get3A = arith.index_cast %scan3A_477 : i32 to index
      %get3A_480 = arith.constant 0 : index
      %get3A_481 = tpu.vector_load %arg8[%get3A, %get3A_480] {strides = array<i32>} : memref<200x128xf32, #tpu.memory_space<vmem>>, vector<1x16xf32>,
      %get3A_482 = vector.shape_cast %get3A_481 : vector<1x16xf32> to vector<16xf32>
      %mul3A_483 = arith.constant 8.000000e+00 : f32
      %mul3A_484 = vector.broadcast %mul3A_483 : f32 to vector<16xf32>
      %mul3A_485 = arith.mulf %get3A_482, %mul3A_484 : vector<16xf32>
      %add3A_486 = arith.constant 0 : i32
      %add3A_487 = arith.addi %mul3A_479, %add3A_486 : i32
      %get3A_488 = arith.index_cast %add3A_487 : i32 to index
      %get3A_489 = tpu.vector_load %arg11[%get3A_488] {strides = array<i32>} : memref<12800xf32, #tpu.memory_space<vmem>>, vector<16xf32>,
      %get3A_490 = vector.shape_cast %get3A_489 : vector<16xf32> to vector<16xf32>
      %add3A_491 = arith.addf %mul3A_485, %get3A_490 : vector<16xf32>
      %swap3A = arith.index_cast %scan3A_477 : i32 to index
      %swap3A_492 = arith.constant 0 : index
      %swap3A_493 = tpu.vector_load %arg10[%swap3A, %swap3A_492] {strides = array<i32>} : memref<200x64xf32, #tpu.memory_space<vmem>>, vector<1x16xf32>,
      %swap3A_494 = vector.shape_cast %swap3A_493 : vector<1x16xf32> to vector<16xf32>
      %swap3A_495 = vector.shape_cast %add3A_491 : vector<16xf32> to vector<1x16xf32>
      tpu.vector_store %arg10[%swap3A, %swap3A_492], %swap3A_495 {strides = array<i32>} : memref<200x64xf32, #tpu.memory_space<vmem>>, vector<1x16xf32>,
      %get3A_496 = arith.index_cast %scan3A_477 : i32 to index
      %get3A_497 = arith.constant 16 : index
      %get3A_498 = tpu.vector_load %arg8[%get3A_496, %get3A_497] {strides = array<i32>} : memref<200x128xf32, #tpu.memory_space<vmem>>, vector<1x16xf32>,
      %get3A_499 = vector.shape_cast %get3A_498 : vector<1x16xf32> to vector<16xf32>
      %mul3A_500 = arith.constant 8.000000e+00 : f32
      %mul3A_501 = vector.broadcast %mul3A_500 : f32 to vector<16xf32>
      %mul3A_502 = arith.mulf %get3A_499, %mul3A_501 : vector<16xf32>
      %add3A_503 = arith.constant 16 : i32
      %add3A_504 = arith.addi %mul3A_479, %add3A_503 : i32
      %get3A_505 = arith.index_cast %add3A_504 : i32 to index
      %get3A_506 = tpu.vector_load %arg11[%get3A_505] {strides = array<i32>} : memref<12800xf32, #tpu.memory_space<vmem>>, vector<16xf32>,
      %get3A_507 = vector.shape_cast %get3A_506 : vector<16xf32> to vector<16xf32>
      %add3A_508 = arith.addf %mul3A_502, %get3A_507 : vector<16xf32>
      %swap3A_509 = arith.index_cast %scan3A_477 : i32 to index
      %swap3A_510 = arith.constant 16 : index
      %swap3A_511 = tpu.vector_load %arg10[%swap3A_509, %swap3A_510] {strides = array<i32>} : memref<200x64xf32, #tpu.memory_space<vmem>>, vector<1x16xf32>,
      %swap3A_512 = vector.shape_cast %swap3A_511 : vector<1x16xf32> to vector<16xf32>
      %swap3A_513 = vector.shape_cast %add3A_508 : vector<16xf32> to vector<1x16xf32>
      tpu.vector_store %arg10[%swap3A_509, %swap3A_510], %swap3A_513 {strides = array<i32>} : memref<200x64xf32, #tpu.memory_space<vmem>>, vector<1x16xf32>,
      %get3A_514 = arith.index_cast %scan3A_477 : i32 to index
      %get3A_515 = arith.constant 32 : index
      %get3A_516 = tpu.vector_load %arg8[%get3A_514, %get3A_515] {strides = array<i32>} : memref<200x128xf32, #tpu.memory_space<vmem>>, vector<1x16xf32>,
      %get3A_517 = vector.shape_cast %get3A_516 : vector<1x16xf32> to vector<16xf32>
      %mul3A_518 = arith.constant 8.000000e+00 : f32
      %mul3A_519 = vector.broadcast %mul3A_518 : f32 to vector<16xf32>
      %mul3A_520 = arith.mulf %get3A_517, %mul3A_519 : vector<16xf32>
      %add3A_521 = arith.constant 32 : i32
      %add3A_522 = arith.addi %mul3A_479, %add3A_521 : i32
      %get3A_523 = arith.index_cast %add3A_522 : i32 to index
      %get3A_524 = tpu.vector_load %arg11[%get3A_523] {strides = array<i32>} : memref<12800xf32, #tpu.memory_space<vmem>>, vector<16xf32>,
      %get3A_525 = vector.shape_cast %get3A_524 : vector<16xf32> to vector<16xf32>
      %add3A_526 = arith.addf %mul3A_520, %get3A_525 : vector<16xf32>
      %swap3A_527 = arith.index_cast %scan3A_477 : i32 to index
      %swap3A_528 = arith.constant 32 : index
      %swap3A_529 = tpu.vector_load %arg10[%swap3A_527, %swap3A_528] {strides = array<i32>} : memref<200x64xf32, #tpu.memory_space<vmem>>, vector<1x16xf32>,
      %swap3A_530 = vector.shape_cast %swap3A_529 : vector<1x16xf32> to vector<16xf32>
      %swap3A_531 = vector.shape_cast %add3A_526 : vector<16xf32> to vector<1x16xf32>
      tpu.vector_store %arg10[%swap3A_527, %swap3A_528], %swap3A_531 {strides = array<i32>} : memref<200x64xf32, #tpu.memory_space<vmem>>, vector<1x16xf32>,
      %get3A_532 = arith.index_cast %scan3A_477 : i32 to index
      %get3A_533 = arith.constant 48 : index
      %get3A_534 = tpu.vector_load %arg8[%get3A_532, %get3A_533] {strides = array<i32>} : memref<200x128xf32, #tpu.memory_space<vmem>>, vector<1x16xf32>,
      %get3A_535 = vector.shape_cast %get3A_534 : vector<1x16xf32> to vector<16xf32>
      %mul3A_536 = arith.constant 8.000000e+00 : f32
      %mul3A_537 = vector.broadcast %mul3A_536 : f32 to vector<16xf32>
      %mul3A_538 = arith.mulf %get3A_535, %mul3A_537 : vector<16xf32>
      %add3A_539 = arith.constant 48 : i32
      %add3A_540 = arith.addi %mul3A_479, %add3A_539 : i32
      %get3A_541 = arith.index_cast %add3A_540 : i32 to index
      %get3A_542 = tpu.vector_load %arg11[%get3A_541] {strides = array<i32>} : memref<12800xf32, #tpu.memory_space<vmem>>, vector<16xf32>,
      %get3A_543 = vector.shape_cast %get3A_542 : vector<16xf32> to vector<16xf32>
      %add3A_544 = arith.addf %mul3A_538, %get3A_543 : vector<16xf32>
      %swap3A_545 = arith.index_cast %scan3A_477 : i32 to index
      %swap3A_546 = arith.constant 48 : index
      %swap3A_547 = tpu.vector_load %arg10[%swap3A_545, %swap3A_546] {strides = array<i32>} : memref<200x64xf32, #tpu.memory_space<vmem>>, vector<1x16xf32>,
      %swap3A_548 = vector.shape_cast %swap3A_547 : vector<1x16xf32> to vector<16xf32>
      %swap3A_549 = vector.shape_cast %add3A_544 : vector<16xf32> to vector<1x16xf32>
      tpu.vector_store %arg10[%swap3A_545, %swap3A_546], %swap3A_549 {strides = array<i32>} : memref<200x64xf32, #tpu.memory_space<vmem>>, vector<1x16xf32>,
    }
    %scan3A_113 = arith.constant 200 : i32
    %add3A_114 = arith.constant 200 : i32
    %add3A_115 = arith.addi %add3A_4, %add3A_114 : i32
    %multiple_of3A_116 = tpu.assume_multiple %add3A_115, 200 : i32
    %dma_start3A_117 = arith.constant 0 : i32
    %dma_start3A_118 = tpu.memref_slice %arg5[%multiple_of3A_116, %dma_start3A_117] : memref<819200x64xf32, #tpu.memory_space<hbm>> -> memref<200x64xf32, #tpu.memory_space<hbm>>
    %dma_start3A_119 = arith.constant 0 : i32
    %dma_start3A_120 = tpu.memref_slice %arg5[%multiple_of3A_116, %dma_start3A_119] : memref<819200x64xf32, #tpu.memory_space<hbm>> -> memref<200x64xf32, #tpu.memory_space<hbm>>
    tpu.enqueue_dma source(%arg10 : memref<200x64xf32, #tpu.memory_space<vmem>>) target(%dma_start3A_120 : memref<200x64xf32, #tpu.memory_space<hbm>>) target_semaphore(%arg17 : memref<!tpu.dma_semaphore, #tpu.memory_space<semaphore_mem>>)
    %dma_start3A_121 = arith.constant 0 : i32
    %dma_start3A_122 = arith.constant 0 : i32
    %dma_start3A_123 = tpu.memref_slice %arg8[%dma_start3A_121, %dma_start3A_122] : memref<200x128xf32, #tpu.memory_space<vmem>> -> memref<104x128xf32, #tpu.memory_space<vmem>>
    %dma_start3A_124 = arith.constant 600 : i32
    %dma_start3A_125 = tpu.memref_slice %arg6[%dma_start3A_124] : memref<12800xi32, #tpu.memory_space<vmem>> -> memref<104xi32, #tpu.memory_space<vmem>>
    %dma_start3A_126 = arith.constant 0 : i32
    %dma_start3A_127 = arith.constant 0 : i32
    %dma_start3A_128 = tpu.memref_slice %arg3[%dma_start3A_126, %dma_start3A_127] : memref<1000000x128xf32, #tpu.memory_space<hbm>> -> memref<1000000x128xf32, #tpu.memory_space<hbm>>
    tpu.enqueue_indirect_dma source(%dma_start3A_128 : memref<1000000x128xf32, #tpu.memory_space<hbm>>) target(%dma_start3A_123 : memref<104x128xf32, #tpu.memory_space<vmem>>) offsets(%dma_start3A_125 : memref<104xi32, #tpu.memory_space<vmem>>) semaphore(%arg13 : memref<!tpu.dma_semaphore, #tpu.memory_space<semaphore_mem>>)
    %dma_start3A_129 = arith.constant 104 : i32
    %dma_start3A_130 = arith.constant 0 : i32
    %dma_start3A_131 = tpu.memref_slice %arg8[%dma_start3A_129, %dma_start3A_130] : memref<200x128xf32, #tpu.memory_space<vmem>> -> memref<96x128xf32, #tpu.memory_space<vmem>>
    %dma_start3A_132 = arith.constant 704 : i32
    %dma_start3A_133 = tpu.memref_slice %arg6[%dma_start3A_132] : memref<12800xi32, #tpu.memory_space<vmem>> -> memref<96xi32, #tpu.memory_space<vmem>>
    %dma_start3A_134 = arith.constant 0 : i32
    %dma_start3A_135 = arith.constant 0 : i32
    %dma_start3A_136 = tpu.memref_slice %arg3[%dma_start3A_134, %dma_start3A_135] : memref<1000000x128xf32, #tpu.memory_space<hbm>> -> memref<1000000x128xf32, #tpu.memory_space<hbm>>
    tpu.enqueue_indirect_dma source(%dma_start3A_136 : memref<1000000x128xf32, #tpu.memory_space<hbm>>) target(%dma_start3A_131 : memref<96x128xf32, #tpu.memory_space<vmem>>) offsets(%dma_start3A_133 : memref<96xi32, #tpu.memory_space<vmem>>) semaphore(%arg15 : memref<!tpu.dma_semaphore, #tpu.memory_space<semaphore_mem>>)
    %scan3A_137 = arith.constant 1 : i32
    %scan3A_138 = arith.constant 30 : i32
    %scan3A_139 = arith.addi %scan3A_137, %scan3A_138 : i32
    %scan3A_140 = arith.constant 1 : i32
    scf.for %scan3A_477 = %scan3A_137 to %scan3A_139 step %scan3A_140  : i32 {
      %mul3A_478 = arith.constant 2 : i32
      %mul3A_479 = arith.muli %scan3A_477, %mul3A_478 : i32
      %dma_wait3A_480 = arith.constant 0 : i32
      %dma_wait3A_481 = arith.constant 0 : i32
      %dma_wait3A_482 = tpu.memref_slice %arg7[%dma_wait3A_480, %dma_wait3A_481] : memref<200x128xf32, #tpu.memory_space<vmem>> -> memref<104x128xf32, #tpu.memory_space<vmem>>
      %dma_wait3A_483 = arith.constant 0 : i32
      %dma_wait3A_484 = arith.constant 0 : i32
      %dma_wait3A_485 = tpu.memref_slice %arg3[%dma_wait3A_483, %dma_wait3A_484] : memref<1000000x128xf32, #tpu.memory_space<hbm>> -> memref<104x128xf32, #tpu.memory_space<hbm>>
      %dma_wait3A_486 = arith.constant 0 : i32
      %dma_wait3A_487 = arith.constant 0 : i32
      %dma_wait3A_488 = tpu.memref_slice %arg7[%dma_wait3A_486, %dma_wait3A_487] : memref<200x128xf32, #tpu.memory_space<vmem>> -> memref<104x128xf32, #tpu.memory_space<vmem>>
      %dma_wait3A_489 = arith.constant 0 : i32
      %dma_wait3A_490 = arith.constant 0 : i32
      %dma_wait3A_491 = tpu.memref_slice %arg3[%dma_wait3A_489, %dma_wait3A_490] : memref<1000000x128xf32, #tpu.memory_space<hbm>> -> memref<104x128xf32, #tpu.memory_space<hbm>>
      tpu.wait_dma2 semaphore(%arg12 : memref<!tpu.dma_semaphore, #tpu.memory_space<semaphore_mem>>) src(%dma_wait3A_491 : memref<104x128xf32, #tpu.memory_space<hbm>>) dst(%dma_wait3A_488 : memref<104x128xf32, #tpu.memory_space<vmem>>)
      %dma_wait3A_492 = arith.constant 104 : i32
      %dma_wait3A_493 = arith.constant 0 : i32
      %dma_wait3A_494 = tpu.memref_slice %arg7[%dma_wait3A_492, %dma_wait3A_493] : memref<200x128xf32, #tpu.memory_space<vmem>> -> memref<96x128xf32, #tpu.memory_space<vmem>>
      %dma_wait3A_495 = arith.constant 0 : i32
      %dma_wait3A_496 = arith.constant 0 : i32
      %dma_wait3A_497 = tpu.memref_slice %arg3[%dma_wait3A_495, %dma_wait3A_496] : memref<1000000x128xf32, #tpu.memory_space<hbm>> -> memref<96x128xf32, #tpu.memory_space<hbm>>
      %dma_wait3A_498 = arith.constant 104 : i32
      %dma_wait3A_499 = arith.constant 0 : i32
      %dma_wait3A_500 = tpu.memref_slice %arg7[%dma_wait3A_498, %dma_wait3A_499] : memref<200x128xf32, #tpu.memory_space<vmem>> -> memref<96x128xf32, #tpu.memory_space<vmem>>
      %dma_wait3A_501 = arith.constant 0 : i32
      %dma_wait3A_502 = arith.constant 0 : i32
      %dma_wait3A_503 = tpu.memref_slice %arg3[%dma_wait3A_501, %dma_wait3A_502] : memref<1000000x128xf32, #tpu.memory_space<hbm>> -> memref<96x128xf32, #tpu.memory_space<hbm>>
      tpu.wait_dma2 semaphore(%arg14 : memref<!tpu.dma_semaphore, #tpu.memory_space<semaphore_mem>>) src(%dma_wait3A_503 : memref<96x128xf32, #tpu.memory_space<hbm>>) dst(%dma_wait3A_500 : memref<96x128xf32, #tpu.memory_space<vmem>>)
      %dma_wait3A_504 = arith.constant 0 : i32
      %dma_wait3A_505 = arith.constant 0 : i32
      %dma_wait3A_506 = tpu.memref_slice %arg5[%dma_wait3A_504, %dma_wait3A_505] : memref<819200x64xf32, #tpu.memory_space<hbm>> -> memref<200x64xf32, #tpu.memory_space<hbm>>
      %dma_wait3A_507 = arith.constant 0 : i32
      %dma_wait3A_508 = arith.constant 0 : i32
      %dma_wait3A_509 = tpu.memref_slice %arg5[%dma_wait3A_507, %dma_wait3A_508] : memref<819200x64xf32, #tpu.memory_space<hbm>> -> memref<200x64xf32, #tpu.memory_space<hbm>>
      tpu.wait_dma2 semaphore(%arg16 : memref<!tpu.dma_semaphore, #tpu.memory_space<semaphore_mem>>) src(%arg9 : memref<200x64xf32, #tpu.memory_space<vmem>>) dst(%dma_wait3A_509 : memref<200x64xf32, #tpu.memory_space<hbm>>)
      %scan3A_510 = arith.constant 0 : i32
      %scan3A_511 = arith.constant 200 : i32
      %scan3A_512 = arith.addi %scan3A_510, %scan3A_511 : i32
      %scan3A_513 = arith.constant 1 : i32
      scf.for %scan3A_608 = %scan3A_510 to %scan3A_512 step %scan3A_513  : i32 {
        %mul3A_609 = arith.constant 64 : i32
        %mul3A_610 = arith.muli %scan3A_608, %mul3A_609 : i32
        %get3A = arith.index_cast %scan3A_608 : i32 to index
        %get3A_611 = arith.constant 0 : index
        %get3A_612 = tpu.vector_load %arg7[%get3A, %get3A_611] {strides = array<i32>} : memref<200x128xf32, #tpu.memory_space<vmem>>, vector<1x16xf32>,
        %get3A_613 = vector.shape_cast %get3A_612 : vector<1x16xf32> to vector<16xf32>
        %mul3A_614 = arith.constant 8.000000e+00 : f32
        %mul3A_615 = vector.broadcast %mul3A_614 : f32 to vector<16xf32>
        %mul3A_616 = arith.mulf %get3A_613, %mul3A_615 : vector<16xf32>
        %add3A_617 = arith.constant 0 : i32
        %add3A_618 = arith.addi %mul3A_610, %add3A_617 : i32
        %get3A_619 = arith.index_cast %add3A_618 : i32 to index
        %get3A_620 = tpu.vector_load %arg11[%get3A_619] {strides = array<i32>} : memref<12800xf32, #tpu.memory_space<vmem>>, vector<16xf32>,
        %get3A_621 = vector.shape_cast %get3A_620 : vector<16xf32> to vector<16xf32>
        %add3A_622 = arith.addf %mul3A_616, %get3A_621 : vector<16xf32>
        %swap3A = arith.index_cast %scan3A_608 : i32 to index
        %swap3A_623 = arith.constant 0 : index
        %swap3A_624 = tpu.vector_load %arg9[%swap3A, %swap3A_623] {strides = array<i32>} : memref<200x64xf32, #tpu.memory_space<vmem>>, vector<1x16xf32>,
        %swap3A_625 = vector.shape_cast %swap3A_624 : vector<1x16xf32> to vector<16xf32>
        %swap3A_626 = vector.shape_cast %add3A_622 : vector<16xf32> to vector<1x16xf32>
        tpu.vector_store %arg9[%swap3A, %swap3A_623], %swap3A_626 {strides = array<i32>} : memref<200x64xf32, #tpu.memory_space<vmem>>, vector<1x16xf32>,
        %get3A_627 = arith.index_cast %scan3A_608 : i32 to index
        %get3A_628 = arith.constant 16 : index
        %get3A_629 = tpu.vector_load %arg7[%get3A_627, %get3A_628] {strides = array<i32>} : memref<200x128xf32, #tpu.memory_space<vmem>>, vector<1x16xf32>,
        %get3A_630 = vector.shape_cast %get3A_629 : vector<1x16xf32> to vector<16xf32>
        %mul3A_631 = arith.constant 8.000000e+00 : f32
        %mul3A_632 = vector.broadcast %mul3A_631 : f32 to vector<16xf32>
        %mul3A_633 = arith.mulf %get3A_630, %mul3A_632 : vector<16xf32>
        %add3A_634 = arith.constant 16 : i32
        %add3A_635 = arith.addi %mul3A_610, %add3A_634 : i32
        %get3A_636 = arith.index_cast %add3A_635 : i32 to index
        %get3A_637 = tpu.vector_load %arg11[%get3A_636] {strides = array<i32>} : memref<12800xf32, #tpu.memory_space<vmem>>, vector<16xf32>,
        %get3A_638 = vector.shape_cast %get3A_637 : vector<16xf32> to vector<16xf32>
        %add3A_639 = arith.addf %mul3A_633, %get3A_638 : vector<16xf32>
        %swap3A_640 = arith.index_cast %scan3A_608 : i32 to index
        %swap3A_641 = arith.constant 16 : index
        %swap3A_642 = tpu.vector_load %arg9[%swap3A_640, %swap3A_641] {strides = array<i32>} : memref<200x64xf32, #tpu.memory_space<vmem>>, vector<1x16xf32>,
        %swap3A_643 = vector.shape_cast %swap3A_642 : vector<1x16xf32> to vector<16xf32>
        %swap3A_644 = vector.shape_cast %add3A_639 : vector<16xf32> to vector<1x16xf32>
        tpu.vector_store %arg9[%swap3A_640, %swap3A_641], %swap3A_644 {strides = array<i32>} : memref<200x64xf32, #tpu.memory_space<vmem>>, vector<1x16xf32>,
        %get3A_645 = arith.index_cast %scan3A_608 : i32 to index
        %get3A_646 = arith.constant 32 : index
        %get3A_647 = tpu.vector_load %arg7[%get3A_645, %get3A_646] {strides = array<i32>} : memref<200x128xf32, #tpu.memory_space<vmem>>, vector<1x16xf32>,
        %get3A_648 = vector.shape_cast %get3A_647 : vector<1x16xf32> to vector<16xf32>
        %mul3A_649 = arith.constant 8.000000e+00 : f32
        %mul3A_650 = vector.broadcast %mul3A_649 : f32 to vector<16xf32>
        %mul3A_651 = arith.mulf %get3A_648, %mul3A_650 : vector<16xf32>
        %add3A_652 = arith.constant 32 : i32
        %add3A_653 = arith.addi %mul3A_610, %add3A_652 : i32
        %get3A_654 = arith.index_cast %add3A_653 : i32 to index
        %get3A_655 = tpu.vector_load %arg11[%get3A_654] {strides = array<i32>} : memref<12800xf32, #tpu.memory_space<vmem>>, vector<16xf32>,
        %get3A_656 = vector.shape_cast %get3A_655 : vector<16xf32> to vector<16xf32>
        %add3A_657 = arith.addf %mul3A_651, %get3A_656 : vector<16xf32>
        %swap3A_658 = arith.index_cast %scan3A_608 : i32 to index
        %swap3A_659 = arith.constant 32 : index
        %swap3A_660 = tpu.vector_load %arg9[%swap3A_658, %swap3A_659] {strides = array<i32>} : memref<200x64xf32, #tpu.memory_space<vmem>>, vector<1x16xf32>,
        %swap3A_661 = vector.shape_cast %swap3A_660 : vector<1x16xf32> to vector<16xf32>
        %swap3A_662 = vector.shape_cast %add3A_657 : vector<16xf32> to vector<1x16xf32>
        tpu.vector_store %arg9[%swap3A_658, %swap3A_659], %swap3A_662 {strides = array<i32>} : memref<200x64xf32, #tpu.memory_space<vmem>>, vector<1x16xf32>,
        %get3A_663 = arith.index_cast %scan3A_608 : i32 to index
        %get3A_664 = arith.constant 48 : index
        %get3A_665 = tpu.vector_load %arg7[%get3A_663, %get3A_664] {strides = array<i32>} : memref<200x128xf32, #tpu.memory_space<vmem>>, vector<1x16xf32>,
        %get3A_666 = vector.shape_cast %get3A_665 : vector<1x16xf32> to vector<16xf32>
        %mul3A_667 = arith.constant 8.000000e+00 : f32
        %mul3A_668 = vector.broadcast %mul3A_667 : f32 to vector<16xf32>
        %mul3A_669 = arith.mulf %get3A_666, %mul3A_668 : vector<16xf32>
        %add3A_670 = arith.constant 48 : i32
        %add3A_671 = arith.addi %mul3A_610, %add3A_670 : i32
        %get3A_672 = arith.index_cast %add3A_671 : i32 to index
        %get3A_673 = tpu.vector_load %arg11[%get3A_672] {strides = array<i32>} : memref<12800xf32, #tpu.memory_space<vmem>>, vector<16xf32>,
        %get3A_674 = vector.shape_cast %get3A_673 : vector<16xf32> to vector<16xf32>
        %add3A_675 = arith.addf %mul3A_669, %get3A_674 : vector<16xf32>
        %swap3A_676 = arith.index_cast %scan3A_608 : i32 to index
        %swap3A_677 = arith.constant 48 : index
        %swap3A_678 = tpu.vector_load %arg9[%swap3A_676, %swap3A_677] {strides = array<i32>} : memref<200x64xf32, #tpu.memory_space<vmem>>, vector<1x16xf32>,
        %swap3A_679 = vector.shape_cast %swap3A_678 : vector<1x16xf32> to vector<16xf32>
        %swap3A_680 = vector.shape_cast %add3A_675 : vector<16xf32> to vector<1x16xf32>
        tpu.vector_store %arg9[%swap3A_676, %swap3A_677], %swap3A_680 {strides = array<i32>} : memref<200x64xf32, #tpu.memory_space<vmem>>, vector<1x16xf32>,
      }
      %scan3A_514 = arith.constant 200 : i32
      %mul3A_515 = arith.constant 200 : i32
      %mul3A_516 = arith.muli %mul3A_479, %mul3A_515 : i32
      %add3A_517 = arith.addi %add3A_4, %mul3A_516 : i32
      %multiple_of3A_518 = tpu.assume_multiple %add3A_517, 200 : i32
      %dma_start3A_519 = arith.constant 0 : i32
      %dma_start3A_520 = tpu.memref_slice %arg5[%multiple_of3A_518, %dma_start3A_519] : memref<819200x64xf32, #tpu.memory_space<hbm>> -> memref<200x64xf32, #tpu.memory_space<hbm>>
      %dma_start3A_521 = arith.constant 0 : i32
      %dma_start3A_522 = tpu.memref_slice %arg5[%multiple_of3A_518, %dma_start3A_521] : memref<819200x64xf32, #tpu.memory_space<hbm>> -> memref<200x64xf32, #tpu.memory_space<hbm>>
      tpu.enqueue_dma source(%arg9 : memref<200x64xf32, #tpu.memory_space<vmem>>) target(%dma_start3A_522 : memref<200x64xf32, #tpu.memory_space<hbm>>) target_semaphore(%arg16 : memref<!tpu.dma_semaphore, #tpu.memory_space<semaphore_mem>>)
      %add3A_523 = arith.constant 2 : i32
      %add3A_524 = arith.addi %mul3A_479, %add3A_523 : i32
      %mul3A_525 = arith.constant 200 : i32
      %mul3A_526 = arith.muli %add3A_524, %mul3A_525 : i32
      %dma_start3A_527 = arith.constant 0 : i32
      %dma_start3A_528 = arith.constant 0 : i32
      %dma_start3A_529 = tpu.memref_slice %arg7[%dma_start3A_527, %dma_start3A_528] : memref<200x128xf32, #tpu.memory_space<vmem>> -> memref<104x128xf32, #tpu.memory_space<vmem>>
      %dma_start3A_530 = tpu.memref_slice %arg6[%mul3A_526] : memref<12800xi32, #tpu.memory_space<vmem>> -> memref<104xi32, #tpu.memory_space<vmem>>
      %dma_start3A_531 = arith.constant 0 : i32
      %dma_start3A_532 = arith.constant 0 : i32
      %dma_start3A_533 = tpu.memref_slice %arg3[%dma_start3A_531, %dma_start3A_532] : memref<1000000x128xf32, #tpu.memory_space<hbm>> -> memref<1000000x128xf32, #tpu.memory_space<hbm>>
      tpu.enqueue_indirect_dma source(%dma_start3A_533 : memref<1000000x128xf32, #tpu.memory_space<hbm>>) target(%dma_start3A_529 : memref<104x128xf32, #tpu.memory_space<vmem>>) offsets(%dma_start3A_530 : memref<104xi32, #tpu.memory_space<vmem>>) semaphore(%arg12 : memref<!tpu.dma_semaphore, #tpu.memory_space<semaphore_mem>>)
      %add3A_534 = arith.constant 104 : i32
      %add3A_535 = arith.addi %mul3A_526, %add3A_534 : i32
      %dma_start3A_536 = arith.constant 104 : i32
      %dma_start3A_537 = arith.constant 0 : i32
      %dma_start3A_538 = tpu.memref_slice %arg7[%dma_start3A_536, %dma_start3A_537] : memref<200x128xf32, #tpu.memory_space<vmem>> -> memref<96x128xf32, #tpu.memory_space<vmem>>
      %dma_start3A_539 = tpu.memref_slice %arg6[%add3A_535] : memref<12800xi32, #tpu.memory_space<vmem>> -> memref<96xi32, #tpu.memory_space<vmem>>
      %dma_start3A_540 = arith.constant 0 : i32
      %dma_start3A_541 = arith.constant 0 : i32
      %dma_start3A_542 = tpu.memref_slice %arg3[%dma_start3A_540, %dma_start3A_541] : memref<1000000x128xf32, #tpu.memory_space<hbm>> -> memref<1000000x128xf32, #tpu.memory_space<hbm>>
      tpu.enqueue_indirect_dma source(%dma_start3A_542 : memref<1000000x128xf32, #tpu.memory_space<hbm>>) target(%dma_start3A_538 : memref<96x128xf32, #tpu.memory_space<vmem>>) offsets(%dma_start3A_539 : memref<96xi32, #tpu.memory_space<vmem>>) semaphore(%arg14 : memref<!tpu.dma_semaphore, #tpu.memory_space<semaphore_mem>>)
      %add3A_543 = arith.constant 1 : i32
      %add3A_544 = arith.addi %mul3A_479, %add3A_543 : i32
      %dma_wait3A_545 = arith.constant 0 : i32
      %dma_wait3A_546 = arith.constant 0 : i32
      %dma_wait3A_547 = tpu.memref_slice %arg8[%dma_wait3A_545, %dma_wait3A_546] : memref<200x128xf32, #tpu.memory_space<vmem>> -> memref<104x128xf32, #tpu.memory_space<vmem>>
      %dma_wait3A_548 = arith.constant 0 : i32
      %dma_wait3A_549 = arith.constant 0 : i32
      %dma_wait3A_550 = tpu.memref_slice %arg3[%dma_wait3A_548, %dma_wait3A_549] : memref<1000000x128xf32, #tpu.memory_space<hbm>> -> memref<104x128xf32, #tpu.memory_space<hbm>>
      %dma_wait3A_551 = arith.constant 0 : i32
      %dma_wait3A_552 = arith.constant 0 : i32
      %dma_wait3A_553 = tpu.memref_slice %arg8[%dma_wait3A_551, %dma_wait3A_552] : memref<200x128xf32, #tpu.memory_space<vmem>> -> memref<104x128xf32, #tpu.memory_space<vmem>>
      %dma_wait3A_554 = arith.constant 0 : i32
      %dma_wait3A_555 = arith.constant 0 : i32
      %dma_wait3A_556 = tpu.memref_slice %arg3[%dma_wait3A_554, %dma_wait3A_555] : memref<1000000x128xf32, #tpu.memory_space<hbm>> -> memref<104x128xf32, #tpu.memory_space<hbm>>
      tpu.wait_dma2 semaphore(%arg13 : memref<!tpu.dma_semaphore, #tpu.memory_space<semaphore_mem>>) src(%dma_wait3A_556 : memref<104x128xf32, #tpu.memory_space<hbm>>) dst(%dma_wait3A_553 : memref<104x128xf32, #tpu.memory_space<vmem>>)
      %dma_wait3A_557 = arith.constant 104 : i32
      %dma_wait3A_558 = arith.constant 0 : i32
      %dma_wait3A_559 = tpu.memref_slice %arg8[%dma_wait3A_557, %dma_wait3A_558] : memref<200x128xf32, #tpu.memory_space<vmem>> -> memref<96x128xf32, #tpu.memory_space<vmem>>
      %dma_wait3A_560 = arith.constant 0 : i32
      %dma_wait3A_561 = arith.constant 0 : i32
      %dma_wait3A_562 = tpu.memref_slice %arg3[%dma_wait3A_560, %dma_wait3A_561] : memref<1000000x128xf32, #tpu.memory_space<hbm>> -> memref<96x128xf32, #tpu.memory_space<hbm>>
      %dma_wait3A_563 = arith.constant 104 : i32
      %dma_wait3A_564 = arith.constant 0 : i32
      %dma_wait3A_565 = tpu.memref_slice %arg8[%dma_wait3A_563, %dma_wait3A_564] : memref<200x128xf32, #tpu.memory_space<vmem>> -> memref<96x128xf32, #tpu.memory_space<vmem>>
      %dma_wait3A_566 = arith.constant 0 : i32
      %dma_wait3A_567 = arith.constant 0 : i32
      %dma_wait3A_568 = tpu.memref_slice %arg3[%dma_wait3A_566, %dma_wait3A_567] : memref<1000000x128xf32, #tpu.memory_space<hbm>> -> memref<96x128xf32, #tpu.memory_space<hbm>>
      tpu.wait_dma2 semaphore(%arg15 : memref<!tpu.dma_semaphore, #tpu.memory_space<semaphore_mem>>) src(%dma_wait3A_568 : memref<96x128xf32, #tpu.memory_space<hbm>>) dst(%dma_wait3A_565 : memref<96x128xf32, #tpu.memory_space<vmem>>)
      %dma_wait3A_569 = arith.constant 0 : i32
      %dma_wait3A_570 = arith.constant 0 : i32
      %dma_wait3A_571 = tpu.memref_slice %arg5[%dma_wait3A_569, %dma_wait3A_570] : memref<819200x64xf32, #tpu.memory_space<hbm>> -> memref<200x64xf32, #tpu.memory_space<hbm>>
      %dma_wait3A_572 = arith.constant 0 : i32
      %dma_wait3A_573 = arith.constant 0 : i32
      %dma_wait3A_574 = tpu.memref_slice %arg5[%dma_wait3A_572, %dma_wait3A_573] : memref<819200x64xf32, #tpu.memory_space<hbm>> -> memref<200x64xf32, #tpu.memory_space<hbm>>
      tpu.wait_dma2 semaphore(%arg17 : memref<!tpu.dma_semaphore, #tpu.memory_space<semaphore_mem>>) src(%arg10 : memref<200x64xf32, #tpu.memory_space<vmem>>) dst(%dma_wait3A_574 : memref<200x64xf32, #tpu.memory_space<hbm>>)
      %scan3A_575 = arith.constant 0 : i32
      %scan3A_576 = arith.constant 200 : i32
      %scan3A_577 = arith.addi %scan3A_575, %scan3A_576 : i32
      %scan3A_578 = arith.constant 1 : i32
      scf.for %scan3A_608 = %scan3A_575 to %scan3A_577 step %scan3A_578  : i32 {
        %mul3A_609 = arith.constant 64 : i32
        %mul3A_610 = arith.muli %scan3A_608, %mul3A_609 : i32
        %get3A = arith.index_cast %scan3A_608 : i32 to index
        %get3A_611 = arith.constant 0 : index
        %get3A_612 = tpu.vector_load %arg8[%get3A, %get3A_611] {strides = array<i32>} : memref<200x128xf32, #tpu.memory_space<vmem>>, vector<1x16xf32>,
        %get3A_613 = vector.shape_cast %get3A_612 : vector<1x16xf32> to vector<16xf32>
        %mul3A_614 = arith.constant 8.000000e+00 : f32
        %mul3A_615 = vector.broadcast %mul3A_614 : f32 to vector<16xf32>
        %mul3A_616 = arith.mulf %get3A_613, %mul3A_615 : vector<16xf32>
        %add3A_617 = arith.constant 0 : i32
        %add3A_618 = arith.addi %mul3A_610, %add3A_617 : i32
        %get3A_619 = arith.index_cast %add3A_618 : i32 to index
        %get3A_620 = tpu.vector_load %arg11[%get3A_619] {strides = array<i32>} : memref<12800xf32, #tpu.memory_space<vmem>>, vector<16xf32>,
        %get3A_621 = vector.shape_cast %get3A_620 : vector<16xf32> to vector<16xf32>
        %add3A_622 = arith.addf %mul3A_616, %get3A_621 : vector<16xf32>
        %swap3A = arith.index_cast %scan3A_608 : i32 to index
        %swap3A_623 = arith.constant 0 : index
        %swap3A_624 = tpu.vector_load %arg10[%swap3A, %swap3A_623] {strides = array<i32>} : memref<200x64xf32, #tpu.memory_space<vmem>>, vector<1x16xf32>,
        %swap3A_625 = vector.shape_cast %swap3A_624 : vector<1x16xf32> to vector<16xf32>
        %swap3A_626 = vector.shape_cast %add3A_622 : vector<16xf32> to vector<1x16xf32>
        tpu.vector_store %arg10[%swap3A, %swap3A_623], %swap3A_626 {strides = array<i32>} : memref<200x64xf32, #tpu.memory_space<vmem>>, vector<1x16xf32>,
        %get3A_627 = arith.index_cast %scan3A_608 : i32 to index
        %get3A_628 = arith.constant 16 : index
        %get3A_629 = tpu.vector_load %arg8[%get3A_627, %get3A_628] {strides = array<i32>} : memref<200x128xf32, #tpu.memory_space<vmem>>, vector<1x16xf32>,
        %get3A_630 = vector.shape_cast %get3A_629 : vector<1x16xf32> to vector<16xf32>
        %mul3A_631 = arith.constant 8.000000e+00 : f32
        %mul3A_632 = vector.broadcast %mul3A_631 : f32 to vector<16xf32>
        %mul3A_633 = arith.mulf %get3A_630, %mul3A_632 : vector<16xf32>
        %add3A_634 = arith.constant 16 : i32
        %add3A_635 = arith.addi %mul3A_610, %add3A_634 : i32
        %get3A_636 = arith.index_cast %add3A_635 : i32 to index
        %get3A_637 = tpu.vector_load %arg11[%get3A_636] {strides = array<i32>} : memref<12800xf32, #tpu.memory_space<vmem>>, vector<16xf32>,
        %get3A_638 = vector.shape_cast %get3A_637 : vector<16xf32> to vector<16xf32>
        %add3A_639 = arith.addf %mul3A_633, %get3A_638 : vector<16xf32>
        %swap3A_640 = arith.index_cast %scan3A_608 : i32 to index
        %swap3A_641 = arith.constant 16 : index
        %swap3A_642 = tpu.vector_load %arg10[%swap3A_640, %swap3A_641] {strides = array<i32>} : memref<200x64xf32, #tpu.memory_space<vmem>>, vector<1x16xf32>,
        %swap3A_643 = vector.shape_cast %swap3A_642 : vector<1x16xf32> to vector<16xf32>
        %swap3A_644 = vector.shape_cast %add3A_639 : vector<16xf32> to vector<1x16xf32>
        tpu.vector_store %arg10[%swap3A_640, %swap3A_641], %swap3A_644 {strides = array<i32>} : memref<200x64xf32, #tpu.memory_space<vmem>>, vector<1x16xf32>,
        %get3A_645 = arith.index_cast %scan3A_608 : i32 to index
        %get3A_646 = arith.constant 32 : index
        %get3A_647 = tpu.vector_load %arg8[%get3A_645, %get3A_646] {strides = array<i32>} : memref<200x128xf32, #tpu.memory_space<vmem>>, vector<1x16xf32>,
        %get3A_648 = vector.shape_cast %get3A_647 : vector<1x16xf32> to vector<16xf32>
        %mul3A_649 = arith.constant 8.000000e+00 : f32
        %mul3A_650 = vector.broadcast %mul3A_649 : f32 to vector<16xf32>
        %mul3A_651 = arith.mulf %get3A_648, %mul3A_650 : vector<16xf32>
        %add3A_652 = arith.constant 32 : i32
        %add3A_653 = arith.addi %mul3A_610, %add3A_652 : i32
        %get3A_654 = arith.index_cast %add3A_653 : i32 to index
        %get3A_655 = tpu.vector_load %arg11[%get3A_654] {strides = array<i32>} : memref<12800xf32, #tpu.memory_space<vmem>>, vector<16xf32>,
        %get3A_656 = vector.shape_cast %get3A_655 : vector<16xf32> to vector<16xf32>
        %add3A_657 = arith.addf %mul3A_651, %get3A_656 : vector<16xf32>
        %swap3A_658 = arith.index_cast %scan3A_608 : i32 to index
        %swap3A_659 = arith.constant 32 : index
        %swap3A_660 = tpu.vector_load %arg10[%swap3A_658, %swap3A_659] {strides = array<i32>} : memref<200x64xf32, #tpu.memory_space<vmem>>, vector<1x16xf32>,
        %swap3A_661 = vector.shape_cast %swap3A_660 : vector<1x16xf32> to vector<16xf32>
        %swap3A_662 = vector.shape_cast %add3A_657 : vector<16xf32> to vector<1x16xf32>
        tpu.vector_store %arg10[%swap3A_658, %swap3A_659], %swap3A_662 {strides = array<i32>} : memref<200x64xf32, #tpu.memory_space<vmem>>, vector<1x16xf32>,
        %get3A_663 = arith.index_cast %scan3A_608 : i32 to index
        %get3A_664 = arith.constant 48 : index
        %get3A_665 = tpu.vector_load %arg8[%get3A_663, %get3A_664] {strides = array<i32>} : memref<200x128xf32, #tpu.memory_space<vmem>>, vector<1x16xf32>,
        %get3A_666 = vector.shape_cast %get3A_665 : vector<1x16xf32> to vector<16xf32>
        %mul3A_667 = arith.constant 8.000000e+00 : f32
        %mul3A_668 = vector.broadcast %mul3A_667 : f32 to vector<16xf32>
        %mul3A_669 = arith.mulf %get3A_666, %mul3A_668 : vector<16xf32>
        %add3A_670 = arith.constant 48 : i32
        %add3A_671 = arith.addi %mul3A_610, %add3A_670 : i32
        %get3A_672 = arith.index_cast %add3A_671 : i32 to index
        %get3A_673 = tpu.vector_load %arg11[%get3A_672] {strides = array<i32>} : memref<12800xf32, #tpu.memory_space<vmem>>, vector<16xf32>,
        %get3A_674 = vector.shape_cast %get3A_673 : vector<16xf32> to vector<16xf32>
        %add3A_675 = arith.addf %mul3A_669, %get3A_674 : vector<16xf32>
        %swap3A_676 = arith.index_cast %scan3A_608 : i32 to index
        %swap3A_677 = arith.constant 48 : index
        %swap3A_678 = tpu.vector_load %arg10[%swap3A_676, %swap3A_677] {strides = array<i32>} : memref<200x64xf32, #tpu.memory_space<vmem>>, vector<1x16xf32>,
        %swap3A_679 = vector.shape_cast %swap3A_678 : vector<1x16xf32> to vector<16xf32>
        %swap3A_680 = vector.shape_cast %add3A_675 : vector<16xf32> to vector<1x16xf32>
        tpu.vector_store %arg10[%swap3A_676, %swap3A_677], %swap3A_680 {strides = array<i32>} : memref<200x64xf32, #tpu.memory_space<vmem>>, vector<1x16xf32>,
      }
      %scan3A_579 = arith.constant 200 : i32
      %mul3A_580 = arith.constant 200 : i32
      %mul3A_581 = arith.muli %add3A_544, %mul3A_580 : i32
      %add3A_582 = arith.addi %add3A_4, %mul3A_581 : i32
      %multiple_of3A_583 = tpu.assume_multiple %add3A_582, 200 : i32
      %dma_start3A_584 = arith.constant 0 : i32
      %dma_start3A_585 = tpu.memref_slice %arg5[%multiple_of3A_583, %dma_start3A_584] : memref<819200x64xf32, #tpu.memory_space<hbm>> -> memref<200x64xf32, #tpu.memory_space<hbm>>
      %dma_start3A_586 = arith.constant 0 : i32
      %dma_start3A_587 = tpu.memref_slice %arg5[%multiple_of3A_583, %dma_start3A_586] : memref<819200x64xf32, #tpu.memory_space<hbm>> -> memref<200x64xf32, #tpu.memory_space<hbm>>
      tpu.enqueue_dma source(%arg10 : memref<200x64xf32, #tpu.memory_space<vmem>>) target(%dma_start3A_587 : memref<200x64xf32, #tpu.memory_space<hbm>>) target_semaphore(%arg17 : memref<!tpu.dma_semaphore, #tpu.memory_space<semaphore_mem>>)
      %add3A_588 = arith.constant 3 : i32
      %add3A_589 = arith.addi %mul3A_479, %add3A_588 : i32
      %mul3A_590 = arith.constant 200 : i32
      %mul3A_591 = arith.muli %add3A_589, %mul3A_590 : i32
      %dma_start3A_592 = arith.constant 0 : i32
      %dma_start3A_593 = arith.constant 0 : i32
      %dma_start3A_594 = tpu.memref_slice %arg8[%dma_start3A_592, %dma_start3A_593] : memref<200x128xf32, #tpu.memory_space<vmem>> -> memref<104x128xf32, #tpu.memory_space<vmem>>
      %dma_start3A_595 = tpu.memref_slice %arg6[%mul3A_591] : memref<12800xi32, #tpu.memory_space<vmem>> -> memref<104xi32, #tpu.memory_space<vmem>>
      %dma_start3A_596 = arith.constant 0 : i32
      %dma_start3A_597 = arith.constant 0 : i32
      %dma_start3A_598 = tpu.memref_slice %arg3[%dma_start3A_596, %dma_start3A_597] : memref<1000000x128xf32, #tpu.memory_space<hbm>> -> memref<1000000x128xf32, #tpu.memory_space<hbm>>
      tpu.enqueue_indirect_dma source(%dma_start3A_598 : memref<1000000x128xf32, #tpu.memory_space<hbm>>) target(%dma_start3A_594 : memref<104x128xf32, #tpu.memory_space<vmem>>) offsets(%dma_start3A_595 : memref<104xi32, #tpu.memory_space<vmem>>) semaphore(%arg13 : memref<!tpu.dma_semaphore, #tpu.memory_space<semaphore_mem>>)
      %add3A_599 = arith.constant 104 : i32
      %add3A_600 = arith.addi %mul3A_591, %add3A_599 : i32
      %dma_start3A_601 = arith.constant 104 : i32
      %dma_start3A_602 = arith.constant 0 : i32
      %dma_start3A_603 = tpu.memref_slice %arg8[%dma_start3A_601, %dma_start3A_602] : memref<200x128xf32, #tpu.memory_space<vmem>> -> memref<96x128xf32, #tpu.memory_space<vmem>>
      %dma_start3A_604 = tpu.memref_slice %arg6[%add3A_600] : memref<12800xi32, #tpu.memory_space<vmem>> -> memref<96xi32, #tpu.memory_space<vmem>>
      %dma_start3A_605 = arith.constant 0 : i32
      %dma_start3A_606 = arith.constant 0 : i32
      %dma_start3A_607 = tpu.memref_slice %arg3[%dma_start3A_605, %dma_start3A_606] : memref<1000000x128xf32, #tpu.memory_space<hbm>> -> memref<1000000x128xf32, #tpu.memory_space<hbm>>
      tpu.enqueue_indirect_dma source(%dma_start3A_607 : memref<1000000x128xf32, #tpu.memory_space<hbm>>) target(%dma_start3A_603 : memref<96x128xf32, #tpu.memory_space<vmem>>) offsets(%dma_start3A_604 : memref<96xi32, #tpu.memory_space<vmem>>) semaphore(%arg15 : memref<!tpu.dma_semaphore, #tpu.memory_space<semaphore_mem>>)
    }
    %scan3A_141 = arith.constant 30 : i32
    %dma_wait3A_142 = arith.constant 0 : i32
    %dma_wait3A_143 = arith.constant 0 : i32
    %dma_wait3A_144 = tpu.memref_slice %arg7[%dma_wait3A_142, %dma_wait3A_143] : memref<200x128xf32, #tpu.memory_space<vmem>> -> memref<104x128xf32, #tpu.memory_space<vmem>>
    %dma_wait3A_145 = arith.constant 0 : i32
    %dma_wait3A_146 = arith.constant 0 : i32
    %dma_wait3A_147 = tpu.memref_slice %arg3[%dma_wait3A_145, %dma_wait3A_146] : memref<1000000x128xf32, #tpu.memory_space<hbm>> -> memref<104x128xf32, #tpu.memory_space<hbm>>
    %dma_wait3A_148 = arith.constant 0 : i32
    %dma_wait3A_149 = arith.constant 0 : i32
    %dma_wait3A_150 = tpu.memref_slice %arg7[%dma_wait3A_148, %dma_wait3A_149] : memref<200x128xf32, #tpu.memory_space<vmem>> -> memref<104x128xf32, #tpu.memory_space<vmem>>
    %dma_wait3A_151 = arith.constant 0 : i32
    %dma_wait3A_152 = arith.constant 0 : i32
    %dma_wait3A_153 = tpu.memref_slice %arg3[%dma_wait3A_151, %dma_wait3A_152] : memref<1000000x128xf32, #tpu.memory_space<hbm>> -> memref<104x128xf32, #tpu.memory_space<hbm>>
    tpu.wait_dma2 semaphore(%arg12 : memref<!tpu.dma_semaphore, #tpu.memory_space<semaphore_mem>>) src(%dma_wait3A_153 : memref<104x128xf32, #tpu.memory_space<hbm>>) dst(%dma_wait3A_150 : memref<104x128xf32, #tpu.memory_space<vmem>>)
    %dma_wait3A_154 = arith.constant 104 : i32
    %dma_wait3A_155 = arith.constant 0 : i32
    %dma_wait3A_156 = tpu.memref_slice %arg7[%dma_wait3A_154, %dma_wait3A_155] : memref<200x128xf32, #tpu.memory_space<vmem>> -> memref<96x128xf32, #tpu.memory_space<vmem>>
    %dma_wait3A_157 = arith.constant 0 : i32
    %dma_wait3A_158 = arith.constant 0 : i32
    %dma_wait3A_159 = tpu.memref_slice %arg3[%dma_wait3A_157, %dma_wait3A_158] : memref<1000000x128xf32, #tpu.memory_space<hbm>> -> memref<96x128xf32, #tpu.memory_space<hbm>>
    %dma_wait3A_160 = arith.constant 104 : i32
    %dma_wait3A_161 = arith.constant 0 : i32
    %dma_wait3A_162 = tpu.memref_slice %arg7[%dma_wait3A_160, %dma_wait3A_161] : memref<200x128xf32, #tpu.memory_space<vmem>> -> memref<96x128xf32, #tpu.memory_space<vmem>>
    %dma_wait3A_163 = arith.constant 0 : i32
    %dma_wait3A_164 = arith.constant 0 : i32
    %dma_wait3A_165 = tpu.memref_slice %arg3[%dma_wait3A_163, %dma_wait3A_164] : memref<1000000x128xf32, #tpu.memory_space<hbm>> -> memref<96x128xf32, #tpu.memory_space<hbm>>
    tpu.wait_dma2 semaphore(%arg14 : memref<!tpu.dma_semaphore, #tpu.memory_space<semaphore_mem>>) src(%dma_wait3A_165 : memref<96x128xf32, #tpu.memory_space<hbm>>) dst(%dma_wait3A_162 : memref<96x128xf32, #tpu.memory_space<vmem>>)
    %dma_wait3A_166 = arith.constant 0 : i32
    %dma_wait3A_167 = arith.constant 0 : i32
    %dma_wait3A_168 = tpu.memref_slice %arg5[%dma_wait3A_166, %dma_wait3A_167] : memref<819200x64xf32, #tpu.memory_space<hbm>> -> memref<200x64xf32, #tpu.memory_space<hbm>>
    %dma_wait3A_169 = arith.constant 0 : i32
    %dma_wait3A_170 = arith.constant 0 : i32
    %dma_wait3A_171 = tpu.memref_slice %arg5[%dma_wait3A_169, %dma_wait3A_170] : memref<819200x64xf32, #tpu.memory_space<hbm>> -> memref<200x64xf32, #tpu.memory_space<hbm>>
    tpu.wait_dma2 semaphore(%arg16 : memref<!tpu.dma_semaphore, #tpu.memory_space<semaphore_mem>>) src(%arg9 : memref<200x64xf32, #tpu.memory_space<vmem>>) dst(%dma_wait3A_171 : memref<200x64xf32, #tpu.memory_space<hbm>>)
    %scan3A_172 = arith.constant 0 : i32
    %scan3A_173 = arith.constant 200 : i32
    %scan3A_174 = arith.addi %scan3A_172, %scan3A_173 : i32
    %scan3A_175 = arith.constant 1 : i32
    scf.for %scan3A_477 = %scan3A_172 to %scan3A_174 step %scan3A_175  : i32 {
      %mul3A_478 = arith.constant 64 : i32
      %mul3A_479 = arith.muli %scan3A_477, %mul3A_478 : i32
      %get3A = arith.index_cast %scan3A_477 : i32 to index
      %get3A_480 = arith.constant 0 : index
      %get3A_481 = tpu.vector_load %arg7[%get3A, %get3A_480] {strides = array<i32>} : memref<200x128xf32, #tpu.memory_space<vmem>>, vector<1x16xf32>,
      %get3A_482 = vector.shape_cast %get3A_481 : vector<1x16xf32> to vector<16xf32>
      %mul3A_483 = arith.constant 8.000000e+00 : f32
      %mul3A_484 = vector.broadcast %mul3A_483 : f32 to vector<16xf32>
      %mul3A_485 = arith.mulf %get3A_482, %mul3A_484 : vector<16xf32>
      %add3A_486 = arith.constant 0 : i32
      %add3A_487 = arith.addi %mul3A_479, %add3A_486 : i32
      %get3A_488 = arith.index_cast %add3A_487 : i32 to index
      %get3A_489 = tpu.vector_load %arg11[%get3A_488] {strides = array<i32>} : memref<12800xf32, #tpu.memory_space<vmem>>, vector<16xf32>,
      %get3A_490 = vector.shape_cast %get3A_489 : vector<16xf32> to vector<16xf32>
      %add3A_491 = arith.addf %mul3A_485, %get3A_490 : vector<16xf32>
      %swap3A = arith.index_cast %scan3A_477 : i32 to index
      %swap3A_492 = arith.constant 0 : index
      %swap3A_493 = tpu.vector_load %arg9[%swap3A, %swap3A_492] {strides = array<i32>} : memref<200x64xf32, #tpu.memory_space<vmem>>, vector<1x16xf32>,
      %swap3A_494 = vector.shape_cast %swap3A_493 : vector<1x16xf32> to vector<16xf32>
      %swap3A_495 = vector.shape_cast %add3A_491 : vector<16xf32> to vector<1x16xf32>
      tpu.vector_store %arg9[%swap3A, %swap3A_492], %swap3A_495 {strides = array<i32>} : memref<200x64xf32, #tpu.memory_space<vmem>>, vector<1x16xf32>,
      %get3A_496 = arith.index_cast %scan3A_477 : i32 to index
      %get3A_497 = arith.constant 16 : index
      %get3A_498 = tpu.vector_load %arg7[%get3A_496, %get3A_497] {strides = array<i32>} : memref<200x128xf32, #tpu.memory_space<vmem>>, vector<1x16xf32>,
      %get3A_499 = vector.shape_cast %get3A_498 : vector<1x16xf32> to vector<16xf32>
      %mul3A_500 = arith.constant 8.000000e+00 : f32
      %mul3A_501 = vector.broadcast %mul3A_500 : f32 to vector<16xf32>
      %mul3A_502 = arith.mulf %get3A_499, %mul3A_501 : vector<16xf32>
      %add3A_503 = arith.constant 16 : i32
      %add3A_504 = arith.addi %mul3A_479, %add3A_503 : i32
      %get3A_505 = arith.index_cast %add3A_504 : i32 to index
      %get3A_506 = tpu.vector_load %arg11[%get3A_505] {strides = array<i32>} : memref<12800xf32, #tpu.memory_space<vmem>>, vector<16xf32>,
      %get3A_507 = vector.shape_cast %get3A_506 : vector<16xf32> to vector<16xf32>
      %add3A_508 = arith.addf %mul3A_502, %get3A_507 : vector<16xf32>
      %swap3A_509 = arith.index_cast %scan3A_477 : i32 to index
      %swap3A_510 = arith.constant 16 : index
      %swap3A_511 = tpu.vector_load %arg9[%swap3A_509, %swap3A_510] {strides = array<i32>} : memref<200x64xf32, #tpu.memory_space<vmem>>, vector<1x16xf32>,
      %swap3A_512 = vector.shape_cast %swap3A_511 : vector<1x16xf32> to vector<16xf32>
      %swap3A_513 = vector.shape_cast %add3A_508 : vector<16xf32> to vector<1x16xf32>
      tpu.vector_store %arg9[%swap3A_509, %swap3A_510], %swap3A_513 {strides = array<i32>} : memref<200x64xf32, #tpu.memory_space<vmem>>, vector<1x16xf32>,
      %get3A_514 = arith.index_cast %scan3A_477 : i32 to index
      %get3A_515 = arith.constant 32 : index
      %get3A_516 = tpu.vector_load %arg7[%get3A_514, %get3A_515] {strides = array<i32>} : memref<200x128xf32, #tpu.memory_space<vmem>>, vector<1x16xf32>,
      %get3A_517 = vector.shape_cast %get3A_516 : vector<1x16xf32> to vector<16xf32>
      %mul3A_518 = arith.constant 8.000000e+00 : f32
      %mul3A_519 = vector.broadcast %mul3A_518 : f32 to vector<16xf32>
      %mul3A_520 = arith.mulf %get3A_517, %mul3A_519 : vector<16xf32>
      %add3A_521 = arith.constant 32 : i32
      %add3A_522 = arith.addi %mul3A_479, %add3A_521 : i32
      %get3A_523 = arith.index_cast %add3A_522 : i32 to index
      %get3A_524 = tpu.vector_load %arg11[%get3A_523] {strides = array<i32>} : memref<12800xf32, #tpu.memory_space<vmem>>, vector<16xf32>,
      %get3A_525 = vector.shape_cast %get3A_524 : vector<16xf32> to vector<16xf32>
      %add3A_526 = arith.addf %mul3A_520, %get3A_525 : vector<16xf32>
      %swap3A_527 = arith.index_cast %scan3A_477 : i32 to index
      %swap3A_528 = arith.constant 32 : index
      %swap3A_529 = tpu.vector_load %arg9[%swap3A_527, %swap3A_528] {strides = array<i32>} : memref<200x64xf32, #tpu.memory_space<vmem>>, vector<1x16xf32>,
      %swap3A_530 = vector.shape_cast %swap3A_529 : vector<1x16xf32> to vector<16xf32>
      %swap3A_531 = vector.shape_cast %add3A_526 : vector<16xf32> to vector<1x16xf32>
      tpu.vector_store %arg9[%swap3A_527, %swap3A_528], %swap3A_531 {strides = array<i32>} : memref<200x64xf32, #tpu.memory_space<vmem>>, vector<1x16xf32>,
      %get3A_532 = arith.index_cast %scan3A_477 : i32 to index
      %get3A_533 = arith.constant 48 : index
      %get3A_534 = tpu.vector_load %arg7[%get3A_532, %get3A_533] {strides = array<i32>} : memref<200x128xf32, #tpu.memory_space<vmem>>, vector<1x16xf32>,
      %get3A_535 = vector.shape_cast %get3A_534 : vector<1x16xf32> to vector<16xf32>
      %mul3A_536 = arith.constant 8.000000e+00 : f32
      %mul3A_537 = vector.broadcast %mul3A_536 : f32 to vector<16xf32>
      %mul3A_538 = arith.mulf %get3A_535, %mul3A_537 : vector<16xf32>
      %add3A_539 = arith.constant 48 : i32
      %add3A_540 = arith.addi %mul3A_479, %add3A_539 : i32
      %get3A_541 = arith.index_cast %add3A_540 : i32 to index
      %get3A_542 = tpu.vector_load %arg11[%get3A_541] {strides = array<i32>} : memref<12800xf32, #tpu.memory_space<vmem>>, vector<16xf32>,
      %get3A_543 = vector.shape_cast %get3A_542 : vector<16xf32> to vector<16xf32>
      %add3A_544 = arith.addf %mul3A_538, %get3A_543 : vector<16xf32>
      %swap3A_545 = arith.index_cast %scan3A_477 : i32 to index
      %swap3A_546 = arith.constant 48 : index
      %swap3A_547 = tpu.vector_load %arg9[%swap3A_545, %swap3A_546] {strides = array<i32>} : memref<200x64xf32, #tpu.memory_space<vmem>>, vector<1x16xf32>,
      %swap3A_548 = vector.shape_cast %swap3A_547 : vector<1x16xf32> to vector<16xf32>
      %swap3A_549 = vector.shape_cast %add3A_544 : vector<16xf32> to vector<1x16xf32>
      tpu.vector_store %arg9[%swap3A_545, %swap3A_546], %swap3A_549 {strides = array<i32>} : memref<200x64xf32, #tpu.memory_space<vmem>>, vector<1x16xf32>,
    }
    %scan3A_176 = arith.constant 200 : i32
    %add3A_177 = arith.constant 12400 : i32
    %add3A_178 = arith.addi %add3A_4, %add3A_177 : i32
    %multiple_of3A_179 = tpu.assume_multiple %add3A_178, 200 : i32
    %dma_start3A_180 = arith.constant 0 : i32
    %dma_start3A_181 = tpu.memref_slice %arg5[%multiple_of3A_179, %dma_start3A_180] : memref<819200x64xf32, #tpu.memory_space<hbm>> -> memref<200x64xf32, #tpu.memory_space<hbm>>
    %dma_start3A_182 = arith.constant 0 : i32
    %dma_start3A_183 = tpu.memref_slice %arg5[%multiple_of3A_179, %dma_start3A_182] : memref<819200x64xf32, #tpu.memory_space<hbm>> -> memref<200x64xf32, #tpu.memory_space<hbm>>
    tpu.enqueue_dma source(%arg9 : memref<200x64xf32, #tpu.memory_space<vmem>>) target(%dma_start3A_183 : memref<200x64xf32, #tpu.memory_space<hbm>>) target_semaphore(%arg16 : memref<!tpu.dma_semaphore, #tpu.memory_space<semaphore_mem>>)
    %dma_wait3A_184 = arith.constant 0 : i32
    %dma_wait3A_185 = arith.constant 0 : i32
    %dma_wait3A_186 = tpu.memref_slice %arg8[%dma_wait3A_184, %dma_wait3A_185] : memref<200x128xf32, #tpu.memory_space<vmem>> -> memref<104x128xf32, #tpu.memory_space<vmem>>
    %dma_wait3A_187 = arith.constant 0 : i32
    %dma_wait3A_188 = arith.constant 0 : i32
    %dma_wait3A_189 = tpu.memref_slice %arg3[%dma_wait3A_187, %dma_wait3A_188] : memref<1000000x128xf32, #tpu.memory_space<hbm>> -> memref<104x128xf32, #tpu.memory_space<hbm>>
    %dma_wait3A_190 = arith.constant 0 : i32
    %dma_wait3A_191 = arith.constant 0 : i32
    %dma_wait3A_192 = tpu.memref_slice %arg8[%dma_wait3A_190, %dma_wait3A_191] : memref<200x128xf32, #tpu.memory_space<vmem>> -> memref<104x128xf32, #tpu.memory_space<vmem>>
    %dma_wait3A_193 = arith.constant 0 : i32
    %dma_wait3A_194 = arith.constant 0 : i32
    %dma_wait3A_195 = tpu.memref_slice %arg3[%dma_wait3A_193, %dma_wait3A_194] : memref<1000000x128xf32, #tpu.memory_space<hbm>> -> memref<104x128xf32, #tpu.memory_space<hbm>>
    tpu.wait_dma2 semaphore(%arg13 : memref<!tpu.dma_semaphore, #tpu.memory_space<semaphore_mem>>) src(%dma_wait3A_195 : memref<104x128xf32, #tpu.memory_space<hbm>>) dst(%dma_wait3A_192 : memref<104x128xf32, #tpu.memory_space<vmem>>)
    %dma_wait3A_196 = arith.constant 104 : i32
    %dma_wait3A_197 = arith.constant 0 : i32
    %dma_wait3A_198 = tpu.memref_slice %arg8[%dma_wait3A_196, %dma_wait3A_197] : memref<200x128xf32, #tpu.memory_space<vmem>> -> memref<96x128xf32, #tpu.memory_space<vmem>>
    %dma_wait3A_199 = arith.constant 0 : i32
    %dma_wait3A_200 = arith.constant 0 : i32
    %dma_wait3A_201 = tpu.memref_slice %arg3[%dma_wait3A_199, %dma_wait3A_200] : memref<1000000x128xf32, #tpu.memory_space<hbm>> -> memref<96x128xf32, #tpu.memory_space<hbm>>
    %dma_wait3A_202 = arith.constant 104 : i32
    %dma_wait3A_203 = arith.constant 0 : i32
    %dma_wait3A_204 = tpu.memref_slice %arg8[%dma_wait3A_202, %dma_wait3A_203] : memref<200x128xf32, #tpu.memory_space<vmem>> -> memref<96x128xf32, #tpu.memory_space<vmem>>
    %dma_wait3A_205 = arith.constant 0 : i32
    %dma_wait3A_206 = arith.constant 0 : i32
    %dma_wait3A_207 = tpu.memref_slice %arg3[%dma_wait3A_205, %dma_wait3A_206] : memref<1000000x128xf32, #tpu.memory_space<hbm>> -> memref<96x128xf32, #tpu.memory_space<hbm>>
    tpu.wait_dma2 semaphore(%arg15 : memref<!tpu.dma_semaphore, #tpu.memory_space<semaphore_mem>>) src(%dma_wait3A_207 : memref<96x128xf32, #tpu.memory_space<hbm>>) dst(%dma_wait3A_204 : memref<96x128xf32, #tpu.memory_space<vmem>>)
    %dma_wait3A_208 = arith.constant 0 : i32
    %dma_wait3A_209 = arith.constant 0 : i32
    %dma_wait3A_210 = tpu.memref_slice %arg5[%dma_wait3A_208, %dma_wait3A_209] : memref<819200x64xf32, #tpu.memory_space<hbm>> -> memref<200x64xf32, #tpu.memory_space<hbm>>
    %dma_wait3A_211 = arith.constant 0 : i32
    %dma_wait3A_212 = arith.constant 0 : i32
    %dma_wait3A_213 = tpu.memref_slice %arg5[%dma_wait3A_211, %dma_wait3A_212] : memref<819200x64xf32, #tpu.memory_space<hbm>> -> memref<200x64xf32, #tpu.memory_space<hbm>>
    tpu.wait_dma2 semaphore(%arg17 : memref<!tpu.dma_semaphore, #tpu.memory_space<semaphore_mem>>) src(%arg10 : memref<200x64xf32, #tpu.memory_space<vmem>>) dst(%dma_wait3A_213 : memref<200x64xf32, #tpu.memory_space<hbm>>)
    %scan3A_214 = arith.constant 0 : i32
    %scan3A_215 = arith.constant 200 : i32
    %scan3A_216 = arith.addi %scan3A_214, %scan3A_215 : i32
    %scan3A_217 = arith.constant 1 : i32
    scf.for %scan3A_477 = %scan3A_214 to %scan3A_216 step %scan3A_217  : i32 {
      %mul3A_478 = arith.constant 64 : i32
      %mul3A_479 = arith.muli %scan3A_477, %mul3A_478 : i32
      %get3A = arith.index_cast %scan3A_477 : i32 to index
      %get3A_480 = arith.constant 0 : index
      %get3A_481 = tpu.vector_load %arg8[%get3A, %get3A_480] {strides = array<i32>} : memref<200x128xf32, #tpu.memory_space<vmem>>, vector<1x16xf32>,
      %get3A_482 = vector.shape_cast %get3A_481 : vector<1x16xf32> to vector<16xf32>
      %mul3A_483 = arith.constant 8.000000e+00 : f32
      %mul3A_484 = vector.broadcast %mul3A_483 : f32 to vector<16xf32>
      %mul3A_485 = arith.mulf %get3A_482, %mul3A_484 : vector<16xf32>
      %add3A_486 = arith.constant 0 : i32
      %add3A_487 = arith.addi %mul3A_479, %add3A_486 : i32
      %get3A_488 = arith.index_cast %add3A_487 : i32 to index
      %get3A_489 = tpu.vector_load %arg11[%get3A_488] {strides = array<i32>} : memref<12800xf32, #tpu.memory_space<vmem>>, vector<16xf32>,
      %get3A_490 = vector.shape_cast %get3A_489 : vector<16xf32> to vector<16xf32>
      %add3A_491 = arith.addf %mul3A_485, %get3A_490 : vector<16xf32>
      %swap3A = arith.index_cast %scan3A_477 : i32 to index
      %swap3A_492 = arith.constant 0 : index
      %swap3A_493 = tpu.vector_load %arg10[%swap3A, %swap3A_492] {strides = array<i32>} : memref<200x64xf32, #tpu.memory_space<vmem>>, vector<1x16xf32>,
      %swap3A_494 = vector.shape_cast %swap3A_493 : vector<1x16xf32> to vector<16xf32>
      %swap3A_495 = vector.shape_cast %add3A_491 : vector<16xf32> to vector<1x16xf32>
      tpu.vector_store %arg10[%swap3A, %swap3A_492], %swap3A_495 {strides = array<i32>} : memref<200x64xf32, #tpu.memory_space<vmem>>, vector<1x16xf32>,
      %get3A_496 = arith.index_cast %scan3A_477 : i32 to index
      %get3A_497 = arith.constant 16 : index
      %get3A_498 = tpu.vector_load %arg8[%get3A_496, %get3A_497] {strides = array<i32>} : memref<200x128xf32, #tpu.memory_space<vmem>>, vector<1x16xf32>,
      %get3A_499 = vector.shape_cast %get3A_498 : vector<1x16xf32> to vector<16xf32>
      %mul3A_500 = arith.constant 8.000000e+00 : f32
      %mul3A_501 = vector.broadcast %mul3A_500 : f32 to vector<16xf32>
      %mul3A_502 = arith.mulf %get3A_499, %mul3A_501 : vector<16xf32>
      %add3A_503 = arith.constant 16 : i32
      %add3A_504 = arith.addi %mul3A_479, %add3A_503 : i32
      %get3A_505 = arith.index_cast %add3A_504 : i32 to index
      %get3A_506 = tpu.vector_load %arg11[%get3A_505] {strides = array<i32>} : memref<12800xf32, #tpu.memory_space<vmem>>, vector<16xf32>,
      %get3A_507 = vector.shape_cast %get3A_506 : vector<16xf32> to vector<16xf32>
      %add3A_508 = arith.addf %mul3A_502, %get3A_507 : vector<16xf32>
      %swap3A_509 = arith.index_cast %scan3A_477 : i32 to index
      %swap3A_510 = arith.constant 16 : index
      %swap3A_511 = tpu.vector_load %arg10[%swap3A_509, %swap3A_510] {strides = array<i32>} : memref<200x64xf32, #tpu.memory_space<vmem>>, vector<1x16xf32>,
      %swap3A_512 = vector.shape_cast %swap3A_511 : vector<1x16xf32> to vector<16xf32>
      %swap3A_513 = vector.shape_cast %add3A_508 : vector<16xf32> to vector<1x16xf32>
      tpu.vector_store %arg10[%swap3A_509, %swap3A_510], %swap3A_513 {strides = array<i32>} : memref<200x64xf32, #tpu.memory_space<vmem>>, vector<1x16xf32>,
      %get3A_514 = arith.index_cast %scan3A_477 : i32 to index
      %get3A_515 = arith.constant 32 : index
      %get3A_516 = tpu.vector_load %arg8[%get3A_514, %get3A_515] {strides = array<i32>} : memref<200x128xf32, #tpu.memory_space<vmem>>, vector<1x16xf32>,
      %get3A_517 = vector.shape_cast %get3A_516 : vector<1x16xf32> to vector<16xf32>
      %mul3A_518 = arith.constant 8.000000e+00 : f32
      %mul3A_519 = vector.broadcast %mul3A_518 : f32 to vector<16xf32>
      %mul3A_520 = arith.mulf %get3A_517, %mul3A_519 : vector<16xf32>
      %add3A_521 = arith.constant 32 : i32
      %add3A_522 = arith.addi %mul3A_479, %add3A_521 : i32
      %get3A_523 = arith.index_cast %add3A_522 : i32 to index
      %get3A_524 = tpu.vector_load %arg11[%get3A_523] {strides = array<i32>} : memref<12800xf32, #tpu.memory_space<vmem>>, vector<16xf32>,
      %get3A_525 = vector.shape_cast %get3A_524 : vector<16xf32> to vector<16xf32>
      %add3A_526 = arith.addf %mul3A_520, %get3A_525 : vector<16xf32>
      %swap3A_527 = arith.index_cast %scan3A_477 : i32 to index
      %swap3A_528 = arith.constant 32 : index
      %swap3A_529 = tpu.vector_load %arg10[%swap3A_527, %swap3A_528] {strides = array<i32>} : memref<200x64xf32, #tpu.memory_space<vmem>>, vector<1x16xf32>,
      %swap3A_530 = vector.shape_cast %swap3A_529 : vector<1x16xf32> to vector<16xf32>
      %swap3A_531 = vector.shape_cast %add3A_526 : vector<16xf32> to vector<1x16xf32>
      tpu.vector_store %arg10[%swap3A_527, %swap3A_528], %swap3A_531 {strides = array<i32>} : memref<200x64xf32, #tpu.memory_space<vmem>>, vector<1x16xf32>,
      %get3A_532 = arith.index_cast %scan3A_477 : i32 to index
      %get3A_533 = arith.constant 48 : index
      %get3A_534 = tpu.vector_load %arg8[%get3A_532, %get3A_533] {strides = array<i32>} : memref<200x128xf32, #tpu.memory_space<vmem>>, vector<1x16xf32>,
      %get3A_535 = vector.shape_cast %get3A_534 : vector<1x16xf32> to vector<16xf32>
      %mul3A_536 = arith.constant 8.000000e+00 : f32
      %mul3A_537 = vector.broadcast %mul3A_536 : f32 to vector<16xf32>
      %mul3A_538 = arith.mulf %get3A_535, %mul3A_537 : vector<16xf32>
      %add3A_539 = arith.constant 48 : i32
      %add3A_540 = arith.addi %mul3A_479, %add3A_539 : i32
      %get3A_541 = arith.index_cast %add3A_540 : i32 to index
      %get3A_542 = tpu.vector_load %arg11[%get3A_541] {strides = array<i32>} : memref<12800xf32, #tpu.memory_space<vmem>>, vector<16xf32>,
      %get3A_543 = vector.shape_cast %get3A_542 : vector<16xf32> to vector<16xf32>
      %add3A_544 = arith.addf %mul3A_538, %get3A_543 : vector<16xf32>
      %swap3A_545 = arith.index_cast %scan3A_477 : i32 to index
      %swap3A_546 = arith.constant 48 : index
      %swap3A_547 = tpu.vector_load %arg10[%swap3A_545, %swap3A_546] {strides = array<i32>} : memref<200x64xf32, #tpu.memory_space<vmem>>, vector<1x16xf32>,
      %swap3A_548 = vector.shape_cast %swap3A_547 : vector<1x16xf32> to vector<16xf32>
      %swap3A_549 = vector.shape_cast %add3A_544 : vector<16xf32> to vector<1x16xf32>
      tpu.vector_store %arg10[%swap3A_545, %swap3A_546], %swap3A_549 {strides = array<i32>} : memref<200x64xf32, #tpu.memory_space<vmem>>, vector<1x16xf32>,
    }
    %scan3A_218 = arith.constant 200 : i32
    %add3A_219 = arith.constant 12600 : i32
    %add3A_220 = arith.addi %add3A_4, %add3A_219 : i32
    %multiple_of3A_221 = tpu.assume_multiple %add3A_220, 200 : i32
    %dma_start3A_222 = arith.constant 0 : i32
    %dma_start3A_223 = tpu.memref_slice %arg5[%multiple_of3A_221, %dma_start3A_222] : memref<819200x64xf32, #tpu.memory_space<hbm>> -> memref<200x64xf32, #tpu.memory_space<hbm>>
    %dma_start3A_224 = arith.constant 0 : i32
    %dma_start3A_225 = tpu.memref_slice %arg5[%multiple_of3A_221, %dma_start3A_224] : memref<819200x64xf32, #tpu.memory_space<hbm>> -> memref<200x64xf32, #tpu.memory_space<hbm>>
    tpu.enqueue_dma source(%arg10 : memref<200x64xf32, #tpu.memory_space<vmem>>) target(%dma_start3A_225 : memref<200x64xf32, #tpu.memory_space<hbm>>) target_semaphore(%arg17 : memref<!tpu.dma_semaphore, #tpu.memory_space<semaphore_mem>>)
    %dma_wait3A_226 = arith.constant 0 : i32
    %dma_wait3A_227 = arith.constant 0 : i32
    %dma_wait3A_228 = tpu.memref_slice %arg5[%dma_wait3A_226, %dma_wait3A_227] : memref<819200x64xf32, #tpu.memory_space<hbm>> -> memref<200x64xf32, #tpu.memory_space<hbm>>
    %dma_wait3A_229 = arith.constant 0 : i32
    %dma_wait3A_230 = arith.constant 0 : i32
    %dma_wait3A_231 = tpu.memref_slice %arg5[%dma_wait3A_229, %dma_wait3A_230] : memref<819200x64xf32, #tpu.memory_space<hbm>> -> memref<200x64xf32, #tpu.memory_space<hbm>>
    tpu.wait_dma2 semaphore(%arg16 : memref<!tpu.dma_semaphore, #tpu.memory_space<semaphore_mem>>) src(%arg9 : memref<200x64xf32, #tpu.memory_space<vmem>>) dst(%dma_wait3A_231 : memref<200x64xf32, #tpu.memory_space<hbm>>)
    %dma_wait3A_232 = arith.constant 0 : i32
    %dma_wait3A_233 = arith.constant 0 : i32
    %dma_wait3A_234 = tpu.memref_slice %arg5[%dma_wait3A_232, %dma_wait3A_233] : memref<819200x64xf32, #tpu.memory_space<hbm>> -> memref<200x64xf32, #tpu.memory_space<hbm>>
    %dma_wait3A_235 = arith.constant 0 : i32
    %dma_wait3A_236 = arith.constant 0 : i32
    %dma_wait3A_237 = tpu.memref_slice %arg5[%dma_wait3A_235, %dma_wait3A_236] : memref<819200x64xf32, #tpu.memory_space<hbm>> -> memref<200x64xf32, #tpu.memory_space<hbm>>
    tpu.wait_dma2 semaphore(%arg17 : memref<!tpu.dma_semaphore, #tpu.memory_space<semaphore_mem>>) src(%arg10 : memref<200x64xf32, #tpu.memory_space<vmem>>) dst(%dma_wait3A_237 : memref<200x64xf32, #tpu.memory_space<hbm>>)
    %add3A_238 = arith.constant 12800 : i32
    %add3A_239 = arith.addi %mul3A_2, %add3A_238 : i32
    "tpu.region"() ({
      %run_scoped3A = tpu.sem_alloc : memref<!tpu.dma_semaphore, #tpu.memory_space<semaphore_mem>>
      %dma_start3A_477 = tpu.memref_slice %arg2[%add3A_239] : memref<819200xi32, #tpu.memory_space<hbm>> -> memref<12800xi32, #tpu.memory_space<hbm>>
      %dma_start3A_478 = tpu.memref_slice %arg2[%add3A_239] : memref<819200xi32, #tpu.memory_space<hbm>> -> memref<12800xi32, #tpu.memory_space<hbm>>
      tpu.enqueue_dma source(%dma_start3A_478 : memref<12800xi32, #tpu.memory_space<hbm>>) target(%arg6 : memref<12800xi32, #tpu.memory_space<vmem>>) target_semaphore(%run_scoped3A : memref<!tpu.dma_semaphore, #tpu.memory_space<semaphore_mem>>)
      %dma_wait3A_479 = tpu.memref_slice %arg2[%add3A_239] : memref<819200xi32, #tpu.memory_space<hbm>> -> memref<12800xi32, #tpu.memory_space<hbm>>
      %dma_wait3A_480 = tpu.memref_slice %arg2[%add3A_239] : memref<819200xi32, #tpu.memory_space<hbm>> -> memref<12800xi32, #tpu.memory_space<hbm>>
      tpu.wait_dma2 semaphore(%run_scoped3A : memref<!tpu.dma_semaphore, #tpu.memory_space<semaphore_mem>>) src(%dma_wait3A_480 : memref<12800xi32, #tpu.memory_space<hbm>>) dst(%arg6 : memref<12800xi32, #tpu.memory_space<vmem>>)
      tpu.yield
    }) : () -> ()
    %dma_start3A_240 = arith.constant 0 : i32
    %dma_start3A_241 = arith.constant 0 : i32
    %dma_start3A_242 = tpu.memref_slice %arg7[%dma_start3A_240, %dma_start3A_241] : memref<200x128xf32, #tpu.memory_space<vmem>> -> memref<104x128xf32, #tpu.memory_space<vmem>>
    %dma_start3A_243 = arith.constant 0 : i32
    %dma_start3A_244 = tpu.memref_slice %arg6[%dma_start3A_243] : memref<12800xi32, #tpu.memory_space<vmem>> -> memref<104xi32, #tpu.memory_space<vmem>>
    %dma_start3A_245 = arith.constant 0 : i32
    %dma_start3A_246 = arith.constant 0 : i32
    %dma_start3A_247 = tpu.memref_slice %arg3[%dma_start3A_245, %dma_start3A_246] : memref<1000000x128xf32, #tpu.memory_space<hbm>> -> memref<1000000x128xf32, #tpu.memory_space<hbm>>
    tpu.enqueue_indirect_dma source(%dma_start3A_247 : memref<1000000x128xf32, #tpu.memory_space<hbm>>) target(%dma_start3A_242 : memref<104x128xf32, #tpu.memory_space<vmem>>) offsets(%dma_start3A_244 : memref<104xi32, #tpu.memory_space<vmem>>) semaphore(%arg12 : memref<!tpu.dma_semaphore, #tpu.memory_space<semaphore_mem>>)
    %dma_start3A_248 = arith.constant 104 : i32
    %dma_start3A_249 = arith.constant 0 : i32
    %dma_start3A_250 = tpu.memref_slice %arg7[%dma_start3A_248, %dma_start3A_249] : memref<200x128xf32, #tpu.memory_space<vmem>> -> memref<96x128xf32, #tpu.memory_space<vmem>>
    %dma_start3A_251 = arith.constant 104 : i32
    %dma_start3A_252 = tpu.memref_slice %arg6[%dma_start3A_251] : memref<12800xi32, #tpu.memory_space<vmem>> -> memref<96xi32, #tpu.memory_space<vmem>>
    %dma_start3A_253 = arith.constant 0 : i32
    %dma_start3A_254 = arith.constant 0 : i32
    %dma_start3A_255 = tpu.memref_slice %arg3[%dma_start3A_253, %dma_start3A_254] : memref<1000000x128xf32, #tpu.memory_space<hbm>> -> memref<1000000x128xf32, #tpu.memory_space<hbm>>
    tpu.enqueue_indirect_dma source(%dma_start3A_255 : memref<1000000x128xf32, #tpu.memory_space<hbm>>) target(%dma_start3A_250 : memref<96x128xf32, #tpu.memory_space<vmem>>) offsets(%dma_start3A_252 : memref<96xi32, #tpu.memory_space<vmem>>) semaphore(%arg14 : memref<!tpu.dma_semaphore, #tpu.memory_space<semaphore_mem>>)
    %dma_start3A_256 = arith.constant 0 : i32
    %dma_start3A_257 = arith.constant 0 : i32
    %dma_start3A_258 = tpu.memref_slice %arg8[%dma_start3A_256, %dma_start3A_257] : memref<200x128xf32, #tpu.memory_space<vmem>> -> memref<104x128xf32, #tpu.memory_space<vmem>>
    %dma_start3A_259 = arith.constant 200 : i32
    %dma_start3A_260 = tpu.memref_slice %arg6[%dma_start3A_259] : memref<12800xi32, #tpu.memory_space<vmem>> -> memref<104xi32, #tpu.memory_space<vmem>>
    %dma_start3A_261 = arith.constant 0 : i32
    %dma_start3A_262 = arith.constant 0 : i32
    %dma_start3A_263 = tpu.memref_slice %arg3[%dma_start3A_261, %dma_start3A_262] : memref<1000000x128xf32, #tpu.memory_space<hbm>> -> memref<1000000x128xf32, #tpu.memory_space<hbm>>
    tpu.enqueue_indirect_dma source(%dma_start3A_263 : memref<1000000x128xf32, #tpu.memory_space<hbm>>) target(%dma_start3A_258 : memref<104x128xf32, #tpu.memory_space<vmem>>) offsets(%dma_start3A_260 : memref<104xi32, #tpu.memory_space<vmem>>) semaphore(%arg13 : memref<!tpu.dma_semaphore, #tpu.memory_space<semaphore_mem>>)
    %dma_start3A_264 = arith.constant 104 : i32
    %dma_start3A_265 = arith.constant 0 : i32
    %dma_start3A_266 = tpu.memref_slice %arg8[%dma_start3A_264, %dma_start3A_265] : memref<200x128xf32, #tpu.memory_space<vmem>> -> memref<96x128xf32, #tpu.memory_space<vmem>>
    %dma_start3A_267 = arith.constant 304 : i32
    %dma_start3A_268 = tpu.memref_slice %arg6[%dma_start3A_267] : memref<12800xi32, #tpu.memory_space<vmem>> -> memref<96xi32, #tpu.memory_space<vmem>>
    %dma_start3A_269 = arith.constant 0 : i32
    %dma_start3A_270 = arith.constant 0 : i32
    %dma_start3A_271 = tpu.memref_slice %arg3[%dma_start3A_269, %dma_start3A_270] : memref<1000000x128xf32, #tpu.memory_space<hbm>> -> memref<1000000x128xf32, #tpu.memory_space<hbm>>
    tpu.enqueue_indirect_dma source(%dma_start3A_271 : memref<1000000x128xf32, #tpu.memory_space<hbm>>) target(%dma_start3A_266 : memref<96x128xf32, #tpu.memory_space<vmem>>) offsets(%dma_start3A_268 : memref<96xi32, #tpu.memory_space<vmem>>) semaphore(%arg15 : memref<!tpu.dma_semaphore, #tpu.memory_space<semaphore_mem>>)
    %dma_wait3A_272 = arith.constant 0 : i32
    %dma_wait3A_273 = arith.constant 0 : i32
    %dma_wait3A_274 = tpu.memref_slice %arg7[%dma_wait3A_272, %dma_wait3A_273] : memref<200x128xf32, #tpu.memory_space<vmem>> -> memref<104x128xf32, #tpu.memory_space<vmem>>
    %dma_wait3A_275 = arith.constant 0 : i32
    %dma_wait3A_276 = arith.constant 0 : i32
    %dma_wait3A_277 = tpu.memref_slice %arg3[%dma_wait3A_275, %dma_wait3A_276] : memref<1000000x128xf32, #tpu.memory_space<hbm>> -> memref<104x128xf32, #tpu.memory_space<hbm>>
    %dma_wait3A_278 = arith.constant 0 : i32
    %dma_wait3A_279 = arith.constant 0 : i32
    %dma_wait3A_280 = tpu.memref_slice %arg7[%dma_wait3A_278, %dma_wait3A_279] : memref<200x128xf32, #tpu.memory_space<vmem>> -> memref<104x128xf32, #tpu.memory_space<vmem>>
    %dma_wait3A_281 = arith.constant 0 : i32
    %dma_wait3A_282 = arith.constant 0 : i32
    %dma_wait3A_283 = tpu.memref_slice %arg3[%dma_wait3A_281, %dma_wait3A_282] : memref<1000000x128xf32, #tpu.memory_space<hbm>> -> memref<104x128xf32, #tpu.memory_space<hbm>>
    tpu.wait_dma2 semaphore(%arg12 : memref<!tpu.dma_semaphore, #tpu.memory_space<semaphore_mem>>) src(%dma_wait3A_283 : memref<104x128xf32, #tpu.memory_space<hbm>>) dst(%dma_wait3A_280 : memref<104x128xf32, #tpu.memory_space<vmem>>)
    %dma_wait3A_284 = arith.constant 104 : i32
    %dma_wait3A_285 = arith.constant 0 : i32
    %dma_wait3A_286 = tpu.memref_slice %arg7[%dma_wait3A_284, %dma_wait3A_285] : memref<200x128xf32, #tpu.memory_space<vmem>> -> memref<96x128xf32, #tpu.memory_space<vmem>>
    %dma_wait3A_287 = arith.constant 0 : i32
    %dma_wait3A_288 = arith.constant 0 : i32
    %dma_wait3A_289 = tpu.memref_slice %arg3[%dma_wait3A_287, %dma_wait3A_288] : memref<1000000x128xf32, #tpu.memory_space<hbm>> -> memref<96x128xf32, #tpu.memory_space<hbm>>
    %dma_wait3A_290 = arith.constant 104 : i32
    %dma_wait3A_291 = arith.constant 0 : i32
    %dma_wait3A_292 = tpu.memref_slice %arg7[%dma_wait3A_290, %dma_wait3A_291] : memref<200x128xf32, #tpu.memory_space<vmem>> -> memref<96x128xf32, #tpu.memory_space<vmem>>
    %dma_wait3A_293 = arith.constant 0 : i32
    %dma_wait3A_294 = arith.constant 0 : i32
    %dma_wait3A_295 = tpu.memref_slice %arg3[%dma_wait3A_293, %dma_wait3A_294] : memref<1000000x128xf32, #tpu.memory_space<hbm>> -> memref<96x128xf32, #tpu.memory_space<hbm>>
    tpu.wait_dma2 semaphore(%arg14 : memref<!tpu.dma_semaphore, #tpu.memory_space<semaphore_mem>>) src(%dma_wait3A_295 : memref<96x128xf32, #tpu.memory_space<hbm>>) dst(%dma_wait3A_292 : memref<96x128xf32, #tpu.memory_space<vmem>>)
    %scan3A_296 = arith.constant 0 : i32
    %scan3A_297 = arith.constant 200 : i32
    %scan3A_298 = arith.addi %scan3A_296, %scan3A_297 : i32
    %scan3A_299 = arith.constant 1 : i32
    scf.for %scan3A_477 = %scan3A_296 to %scan3A_298 step %scan3A_299  : i32 {
      %mul3A_478 = arith.constant 64 : i32
      %mul3A_479 = arith.muli %scan3A_477, %mul3A_478 : i32
      %get3A = arith.index_cast %scan3A_477 : i32 to index
      %get3A_480 = arith.constant 0 : index
      %get3A_481 = tpu.vector_load %arg7[%get3A, %get3A_480] {strides = array<i32>} : memref<200x128xf32, #tpu.memory_space<vmem>>, vector<1x16xf32>,
      %get3A_482 = vector.shape_cast %get3A_481 : vector<1x16xf32> to vector<16xf32>
      %mul3A_483 = arith.constant 8.000000e+00 : f32
      %mul3A_484 = vector.broadcast %mul3A_483 : f32 to vector<16xf32>
      %mul3A_485 = arith.mulf %get3A_482, %mul3A_484 : vector<16xf32>
      %add3A_486 = arith.constant 0 : i32
      %add3A_487 = arith.addi %mul3A_479, %add3A_486 : i32
      %get3A_488 = arith.index_cast %add3A_487 : i32 to index
      %get3A_489 = tpu.vector_load %arg11[%get3A_488] {strides = array<i32>} : memref<12800xf32, #tpu.memory_space<vmem>>, vector<16xf32>,
      %get3A_490 = vector.shape_cast %get3A_489 : vector<16xf32> to vector<16xf32>
      %add3A_491 = arith.addf %mul3A_485, %get3A_490 : vector<16xf32>
      %swap3A = arith.index_cast %scan3A_477 : i32 to index
      %swap3A_492 = arith.constant 0 : index
      %swap3A_493 = tpu.vector_load %arg9[%swap3A, %swap3A_492] {strides = array<i32>} : memref<200x64xf32, #tpu.memory_space<vmem>>, vector<1x16xf32>,
      %swap3A_494 = vector.shape_cast %swap3A_493 : vector<1x16xf32> to vector<16xf32>
      %swap3A_495 = vector.shape_cast %add3A_491 : vector<16xf32> to vector<1x16xf32>
      tpu.vector_store %arg9[%swap3A, %swap3A_492], %swap3A_495 {strides = array<i32>} : memref<200x64xf32, #tpu.memory_space<vmem>>, vector<1x16xf32>,
      %get3A_496 = arith.index_cast %scan3A_477 : i32 to index
      %get3A_497 = arith.constant 16 : index
      %get3A_498 = tpu.vector_load %arg7[%get3A_496, %get3A_497] {strides = array<i32>} : memref<200x128xf32, #tpu.memory_space<vmem>>, vector<1x16xf32>,
      %get3A_499 = vector.shape_cast %get3A_498 : vector<1x16xf32> to vector<16xf32>
      %mul3A_500 = arith.constant 8.000000e+00 : f32
      %mul3A_501 = vector.broadcast %mul3A_500 : f32 to vector<16xf32>
      %mul3A_502 = arith.mulf %get3A_499, %mul3A_501 : vector<16xf32>
      %add3A_503 = arith.constant 16 : i32
      %add3A_504 = arith.addi %mul3A_479, %add3A_503 : i32
      %get3A_505 = arith.index_cast %add3A_504 : i32 to index
      %get3A_506 = tpu.vector_load %arg11[%get3A_505] {strides = array<i32>} : memref<12800xf32, #tpu.memory_space<vmem>>, vector<16xf32>,
      %get3A_507 = vector.shape_cast %get3A_506 : vector<16xf32> to vector<16xf32>
      %add3A_508 = arith.addf %mul3A_502, %get3A_507 : vector<16xf32>
      %swap3A_509 = arith.index_cast %scan3A_477 : i32 to index
      %swap3A_510 = arith.constant 16 : index
      %swap3A_511 = tpu.vector_load %arg9[%swap3A_509, %swap3A_510] {strides = array<i32>} : memref<200x64xf32, #tpu.memory_space<vmem>>, vector<1x16xf32>,
      %swap3A_512 = vector.shape_cast %swap3A_511 : vector<1x16xf32> to vector<16xf32>
      %swap3A_513 = vector.shape_cast %add3A_508 : vector<16xf32> to vector<1x16xf32>
      tpu.vector_store %arg9[%swap3A_509, %swap3A_510], %swap3A_513 {strides = array<i32>} : memref<200x64xf32, #tpu.memory_space<vmem>>, vector<1x16xf32>,
      %get3A_514 = arith.index_cast %scan3A_477 : i32 to index
      %get3A_515 = arith.constant 32 : index
      %get3A_516 = tpu.vector_load %arg7[%get3A_514, %get3A_515] {strides = array<i32>} : memref<200x128xf32, #tpu.memory_space<vmem>>, vector<1x16xf32>,
      %get3A_517 = vector.shape_cast %get3A_516 : vector<1x16xf32> to vector<16xf32>
      %mul3A_518 = arith.constant 8.000000e+00 : f32
      %mul3A_519 = vector.broadcast %mul3A_518 : f32 to vector<16xf32>
      %mul3A_520 = arith.mulf %get3A_517, %mul3A_519 : vector<16xf32>
      %add3A_521 = arith.constant 32 : i32
      %add3A_522 = arith.addi %mul3A_479, %add3A_521 : i32
      %get3A_523 = arith.index_cast %add3A_522 : i32 to index
      %get3A_524 = tpu.vector_load %arg11[%get3A_523] {strides = array<i32>} : memref<12800xf32, #tpu.memory_space<vmem>>, vector<16xf32>,
      %get3A_525 = vector.shape_cast %get3A_524 : vector<16xf32> to vector<16xf32>
      %add3A_526 = arith.addf %mul3A_520, %get3A_525 : vector<16xf32>
      %swap3A_527 = arith.index_cast %scan3A_477 : i32 to index
      %swap3A_528 = arith.constant 32 : index
      %swap3A_529 = tpu.vector_load %arg9[%swap3A_527, %swap3A_528] {strides = array<i32>} : memref<200x64xf32, #tpu.memory_space<vmem>>, vector<1x16xf32>,
      %swap3A_530 = vector.shape_cast %swap3A_529 : vector<1x16xf32> to vector<16xf32>
      %swap3A_531 = vector.shape_cast %add3A_526 : vector<16xf32> to vector<1x16xf32>
      tpu.vector_store %arg9[%swap3A_527, %swap3A_528], %swap3A_531 {strides = array<i32>} : memref<200x64xf32, #tpu.memory_space<vmem>>, vector<1x16xf32>,
      %get3A_532 = arith.index_cast %scan3A_477 : i32 to index
      %get3A_533 = arith.constant 48 : index
      %get3A_534 = tpu.vector_load %arg7[%get3A_532, %get3A_533] {strides = array<i32>} : memref<200x128xf32, #tpu.memory_space<vmem>>, vector<1x16xf32>,
      %get3A_535 = vector.shape_cast %get3A_534 : vector<1x16xf32> to vector<16xf32>
      %mul3A_536 = arith.constant 8.000000e+00 : f32
      %mul3A_537 = vector.broadcast %mul3A_536 : f32 to vector<16xf32>
      %mul3A_538 = arith.mulf %get3A_535, %mul3A_537 : vector<16xf32>
      %add3A_539 = arith.constant 48 : i32
      %add3A_540 = arith.addi %mul3A_479, %add3A_539 : i32
      %get3A_541 = arith.index_cast %add3A_540 : i32 to index
      %get3A_542 = tpu.vector_load %arg11[%get3A_541] {strides = array<i32>} : memref<12800xf32, #tpu.memory_space<vmem>>, vector<16xf32>,
      %get3A_543 = vector.shape_cast %get3A_542 : vector<16xf32> to vector<16xf32>
      %add3A_544 = arith.addf %mul3A_538, %get3A_543 : vector<16xf32>
      %swap3A_545 = arith.index_cast %scan3A_477 : i32 to index
      %swap3A_546 = arith.constant 48 : index
      %swap3A_547 = tpu.vector_load %arg9[%swap3A_545, %swap3A_546] {strides = array<i32>} : memref<200x64xf32, #tpu.memory_space<vmem>>, vector<1x16xf32>,
      %swap3A_548 = vector.shape_cast %swap3A_547 : vector<1x16xf32> to vector<16xf32>
      %swap3A_549 = vector.shape_cast %add3A_544 : vector<16xf32> to vector<1x16xf32>
      tpu.vector_store %arg9[%swap3A_545, %swap3A_546], %swap3A_549 {strides = array<i32>} : memref<200x64xf32, #tpu.memory_space<vmem>>, vector<1x16xf32>,
    }
    %scan3A_300 = arith.constant 200 : i32
    %add3A_301 = arith.constant 0 : i32
    %add3A_302 = arith.addi %add3A_239, %add3A_301 : i32
    %multiple_of3A_303 = tpu.assume_multiple %add3A_302, 200 : i32
    %dma_start3A_304 = arith.constant 0 : i32
    %dma_start3A_305 = tpu.memref_slice %arg5[%multiple_of3A_303, %dma_start3A_304] : memref<819200x64xf32, #tpu.memory_space<hbm>> -> memref<200x64xf32, #tpu.memory_space<hbm>>
    %dma_start3A_306 = arith.constant 0 : i32
    %dma_start3A_307 = tpu.memref_slice %arg5[%multiple_of3A_303, %dma_start3A_306] : memref<819200x64xf32, #tpu.memory_space<hbm>> -> memref<200x64xf32, #tpu.memory_space<hbm>>
    tpu.enqueue_dma source(%arg9 : memref<200x64xf32, #tpu.memory_space<vmem>>) target(%dma_start3A_307 : memref<200x64xf32, #tpu.memory_space<hbm>>) target_semaphore(%arg16 : memref<!tpu.dma_semaphore, #tpu.memory_space<semaphore_mem>>)
    %dma_start3A_308 = arith.constant 0 : i32
    %dma_start3A_309 = arith.constant 0 : i32
    %dma_start3A_310 = tpu.memref_slice %arg7[%dma_start3A_308, %dma_start3A_309] : memref<200x128xf32, #tpu.memory_space<vmem>> -> memref<104x128xf32, #tpu.memory_space<vmem>>
    %dma_start3A_311 = arith.constant 400 : i32
    %dma_start3A_312 = tpu.memref_slice %arg6[%dma_start3A_311] : memref<12800xi32, #tpu.memory_space<vmem>> -> memref<104xi32, #tpu.memory_space<vmem>>
    %dma_start3A_313 = arith.constant 0 : i32
    %dma_start3A_314 = arith.constant 0 : i32
    %dma_start3A_315 = tpu.memref_slice %arg3[%dma_start3A_313, %dma_start3A_314] : memref<1000000x128xf32, #tpu.memory_space<hbm>> -> memref<1000000x128xf32, #tpu.memory_space<hbm>>
    tpu.enqueue_indirect_dma source(%dma_start3A_315 : memref<1000000x128xf32, #tpu.memory_space<hbm>>) target(%dma_start3A_310 : memref<104x128xf32, #tpu.memory_space<vmem>>) offsets(%dma_start3A_312 : memref<104xi32, #tpu.memory_space<vmem>>) semaphore(%arg12 : memref<!tpu.dma_semaphore, #tpu.memory_space<semaphore_mem>>)
    %dma_start3A_316 = arith.constant 104 : i32
    %dma_start3A_317 = arith.constant 0 : i32
    %dma_start3A_318 = tpu.memref_slice %arg7[%dma_start3A_316, %dma_start3A_317] : memref<200x128xf32, #tpu.memory_space<vmem>> -> memref<96x128xf32, #tpu.memory_space<vmem>>
    %dma_start3A_319 = arith.constant 504 : i32
    %dma_start3A_320 = tpu.memref_slice %arg6[%dma_start3A_319] : memref<12800xi32, #tpu.memory_space<vmem>> -> memref<96xi32, #tpu.memory_space<vmem>>
    %dma_start3A_321 = arith.constant 0 : i32
    %dma_start3A_322 = arith.constant 0 : i32
    %dma_start3A_323 = tpu.memref_slice %arg3[%dma_start3A_321, %dma_start3A_322] : memref<1000000x128xf32, #tpu.memory_space<hbm>> -> memref<1000000x128xf32, #tpu.memory_space<hbm>>
    tpu.enqueue_indirect_dma source(%dma_start3A_323 : memref<1000000x128xf32, #tpu.memory_space<hbm>>) target(%dma_start3A_318 : memref<96x128xf32, #tpu.memory_space<vmem>>) offsets(%dma_start3A_320 : memref<96xi32, #tpu.memory_space<vmem>>) semaphore(%arg14 : memref<!tpu.dma_semaphore, #tpu.memory_space<semaphore_mem>>)
    %dma_wait3A_324 = arith.constant 0 : i32
    %dma_wait3A_325 = arith.constant 0 : i32
    %dma_wait3A_326 = tpu.memref_slice %arg8[%dma_wait3A_324, %dma_wait3A_325] : memref<200x128xf32, #tpu.memory_space<vmem>> -> memref<104x128xf32, #tpu.memory_space<vmem>>
    %dma_wait3A_327 = arith.constant 0 : i32
    %dma_wait3A_328 = arith.constant 0 : i32
    %dma_wait3A_329 = tpu.memref_slice %arg3[%dma_wait3A_327, %dma_wait3A_328] : memref<1000000x128xf32, #tpu.memory_space<hbm>> -> memref<104x128xf32, #tpu.memory_space<hbm>>
    %dma_wait3A_330 = arith.constant 0 : i32
    %dma_wait3A_331 = arith.constant 0 : i32
    %dma_wait3A_332 = tpu.memref_slice %arg8[%dma_wait3A_330, %dma_wait3A_331] : memref<200x128xf32, #tpu.memory_space<vmem>> -> memref<104x128xf32, #tpu.memory_space<vmem>>
    %dma_wait3A_333 = arith.constant 0 : i32
    %dma_wait3A_334 = arith.constant 0 : i32
    %dma_wait3A_335 = tpu.memref_slice %arg3[%dma_wait3A_333, %dma_wait3A_334] : memref<1000000x128xf32, #tpu.memory_space<hbm>> -> memref<104x128xf32, #tpu.memory_space<hbm>>
    tpu.wait_dma2 semaphore(%arg13 : memref<!tpu.dma_semaphore, #tpu.memory_space<semaphore_mem>>) src(%dma_wait3A_335 : memref<104x128xf32, #tpu.memory_space<hbm>>) dst(%dma_wait3A_332 : memref<104x128xf32, #tpu.memory_space<vmem>>)
    %dma_wait3A_336 = arith.constant 104 : i32
    %dma_wait3A_337 = arith.constant 0 : i32
    %dma_wait3A_338 = tpu.memref_slice %arg8[%dma_wait3A_336, %dma_wait3A_337] : memref<200x128xf32, #tpu.memory_space<vmem>> -> memref<96x128xf32, #tpu.memory_space<vmem>>
    %dma_wait3A_339 = arith.constant 0 : i32
    %dma_wait3A_340 = arith.constant 0 : i32
    %dma_wait3A_341 = tpu.memref_slice %arg3[%dma_wait3A_339, %dma_wait3A_340] : memref<1000000x128xf32, #tpu.memory_space<hbm>> -> memref<96x128xf32, #tpu.memory_space<hbm>>
    %dma_wait3A_342 = arith.constant 104 : i32
    %dma_wait3A_343 = arith.constant 0 : i32
    %dma_wait3A_344 = tpu.memref_slice %arg8[%dma_wait3A_342, %dma_wait3A_343] : memref<200x128xf32, #tpu.memory_space<vmem>> -> memref<96x128xf32, #tpu.memory_space<vmem>>
    %dma_wait3A_345 = arith.constant 0 : i32
    %dma_wait3A_346 = arith.constant 0 : i32
    %dma_wait3A_347 = tpu.memref_slice %arg3[%dma_wait3A_345, %dma_wait3A_346] : memref<1000000x128xf32, #tpu.memory_space<hbm>> -> memref<96x128xf32, #tpu.memory_space<hbm>>
    tpu.wait_dma2 semaphore(%arg15 : memref<!tpu.dma_semaphore, #tpu.memory_space<semaphore_mem>>) src(%dma_wait3A_347 : memref<96x128xf32, #tpu.memory_space<hbm>>) dst(%dma_wait3A_344 : memref<96x128xf32, #tpu.memory_space<vmem>>)
    %scan3A_348 = arith.constant 0 : i32
    %scan3A_349 = arith.constant 200 : i32
    %scan3A_350 = arith.addi %scan3A_348, %scan3A_349 : i32
    %scan3A_351 = arith.constant 1 : i32
    scf.for %scan3A_477 = %scan3A_348 to %scan3A_350 step %scan3A_351  : i32 {
      %mul3A_478 = arith.constant 64 : i32
      %mul3A_479 = arith.muli %scan3A_477, %mul3A_478 : i32
      %get3A = arith.index_cast %scan3A_477 : i32 to index
      %get3A_480 = arith.constant 0 : index
      %get3A_481 = tpu.vector_load %arg8[%get3A, %get3A_480] {strides = array<i32>} : memref<200x128xf32, #tpu.memory_space<vmem>>, vector<1x16xf32>,
      %get3A_482 = vector.shape_cast %get3A_481 : vector<1x16xf32> to vector<16xf32>
      %mul3A_483 = arith.constant 8.000000e+00 : f32
      %mul3A_484 = vector.broadcast %mul3A_483 : f32 to vector<16xf32>
      %mul3A_485 = arith.mulf %get3A_482, %mul3A_484 : vector<16xf32>
      %add3A_486 = arith.constant 0 : i32
      %add3A_487 = arith.addi %mul3A_479, %add3A_486 : i32
      %get3A_488 = arith.index_cast %add3A_487 : i32 to index
      %get3A_489 = tpu.vector_load %arg11[%get3A_488] {strides = array<i32>} : memref<12800xf32, #tpu.memory_space<vmem>>, vector<16xf32>,
      %get3A_490 = vector.shape_cast %get3A_489 : vector<16xf32> to vector<16xf32>
      %add3A_491 = arith.addf %mul3A_485, %get3A_490 : vector<16xf32>
      %swap3A = arith.index_cast %scan3A_477 : i32 to index
      %swap3A_492 = arith.constant 0 : index
      %swap3A_493 = tpu.vector_load %arg10[%swap3A, %swap3A_492] {strides = array<i32>} : memref<200x64xf32, #tpu.memory_space<vmem>>, vector<1x16xf32>,
      %swap3A_494 = vector.shape_cast %swap3A_493 : vector<1x16xf32> to vector<16xf32>
      %swap3A_495 = vector.shape_cast %add3A_491 : vector<16xf32> to vector<1x16xf32>
      tpu.vector_store %arg10[%swap3A, %swap3A_492], %swap3A_495 {strides = array<i32>} : memref<200x64xf32, #tpu.memory_space<vmem>>, vector<1x16xf32>,
      %get3A_496 = arith.index_cast %scan3A_477 : i32 to index
      %get3A_497 = arith.constant 16 : index
      %get3A_498 = tpu.vector_load %arg8[%get3A_496, %get3A_497] {strides = array<i32>} : memref<200x128xf32, #tpu.memory_space<vmem>>, vector<1x16xf32>,
      %get3A_499 = vector.shape_cast %get3A_498 : vector<1x16xf32> to vector<16xf32>
      %mul3A_500 = arith.constant 8.000000e+00 : f32
      %mul3A_501 = vector.broadcast %mul3A_500 : f32 to vector<16xf32>
      %mul3A_502 = arith.mulf %get3A_499, %mul3A_501 : vector<16xf32>
      %add3A_503 = arith.constant 16 : i32
      %add3A_504 = arith.addi %mul3A_479, %add3A_503 : i32
      %get3A_505 = arith.index_cast %add3A_504 : i32 to index
      %get3A_506 = tpu.vector_load %arg11[%get3A_505] {strides = array<i32>} : memref<12800xf32, #tpu.memory_space<vmem>>, vector<16xf32>,
      %get3A_507 = vector.shape_cast %get3A_506 : vector<16xf32> to vector<16xf32>
      %add3A_508 = arith.addf %mul3A_502, %get3A_507 : vector<16xf32>
      %swap3A_509 = arith.index_cast %scan3A_477 : i32 to index
      %swap3A_510 = arith.constant 16 : index
      %swap3A_511 = tpu.vector_load %arg10[%swap3A_509, %swap3A_510] {strides = array<i32>} : memref<200x64xf32, #tpu.memory_space<vmem>>, vector<1x16xf32>,
      %swap3A_512 = vector.shape_cast %swap3A_511 : vector<1x16xf32> to vector<16xf32>
      %swap3A_513 = vector.shape_cast %add3A_508 : vector<16xf32> to vector<1x16xf32>
      tpu.vector_store %arg10[%swap3A_509, %swap3A_510], %swap3A_513 {strides = array<i32>} : memref<200x64xf32, #tpu.memory_space<vmem>>, vector<1x16xf32>,
      %get3A_514 = arith.index_cast %scan3A_477 : i32 to index
      %get3A_515 = arith.constant 32 : index
      %get3A_516 = tpu.vector_load %arg8[%get3A_514, %get3A_515] {strides = array<i32>} : memref<200x128xf32, #tpu.memory_space<vmem>>, vector<1x16xf32>,
      %get3A_517 = vector.shape_cast %get3A_516 : vector<1x16xf32> to vector<16xf32>
      %mul3A_518 = arith.constant 8.000000e+00 : f32
      %mul3A_519 = vector.broadcast %mul3A_518 : f32 to vector<16xf32>
      %mul3A_520 = arith.mulf %get3A_517, %mul3A_519 : vector<16xf32>
      %add3A_521 = arith.constant 32 : i32
      %add3A_522 = arith.addi %mul3A_479, %add3A_521 : i32
      %get3A_523 = arith.index_cast %add3A_522 : i32 to index
      %get3A_524 = tpu.vector_load %arg11[%get3A_523] {strides = array<i32>} : memref<12800xf32, #tpu.memory_space<vmem>>, vector<16xf32>,
      %get3A_525 = vector.shape_cast %get3A_524 : vector<16xf32> to vector<16xf32>
      %add3A_526 = arith.addf %mul3A_520, %get3A_525 : vector<16xf32>
      %swap3A_527 = arith.index_cast %scan3A_477 : i32 to index
      %swap3A_528 = arith.constant 32 : index
      %swap3A_529 = tpu.vector_load %arg10[%swap3A_527, %swap3A_528] {strides = array<i32>} : memref<200x64xf32, #tpu.memory_space<vmem>>, vector<1x16xf32>,
      %swap3A_530 = vector.shape_cast %swap3A_529 : vector<1x16xf32> to vector<16xf32>
      %swap3A_531 = vector.shape_cast %add3A_526 : vector<16xf32> to vector<1x16xf32>
      tpu.vector_store %arg10[%swap3A_527, %swap3A_528], %swap3A_531 {strides = array<i32>} : memref<200x64xf32, #tpu.memory_space<vmem>>, vector<1x16xf32>,
      %get3A_532 = arith.index_cast %scan3A_477 : i32 to index
      %get3A_533 = arith.constant 48 : index
      %get3A_534 = tpu.vector_load %arg8[%get3A_532, %get3A_533] {strides = array<i32>} : memref<200x128xf32, #tpu.memory_space<vmem>>, vector<1x16xf32>,
      %get3A_535 = vector.shape_cast %get3A_534 : vector<1x16xf32> to vector<16xf32>
      %mul3A_536 = arith.constant 8.000000e+00 : f32
      %mul3A_537 = vector.broadcast %mul3A_536 : f32 to vector<16xf32>
      %mul3A_538 = arith.mulf %get3A_535, %mul3A_537 : vector<16xf32>
      %add3A_539 = arith.constant 48 : i32
      %add3A_540 = arith.addi %mul3A_479, %add3A_539 : i32
      %get3A_541 = arith.index_cast %add3A_540 : i32 to index
      %get3A_542 = tpu.vector_load %arg11[%get3A_541] {strides = array<i32>} : memref<12800xf32, #tpu.memory_space<vmem>>, vector<16xf32>,
      %get3A_543 = vector.shape_cast %get3A_542 : vector<16xf32> to vector<16xf32>
      %add3A_544 = arith.addf %mul3A_538, %get3A_543 : vector<16xf32>
      %swap3A_545 = arith.index_cast %scan3A_477 : i32 to index
      %swap3A_546 = arith.constant 48 : index
      %swap3A_547 = tpu.vector_load %arg10[%swap3A_545, %swap3A_546] {strides = array<i32>} : memref<200x64xf32, #tpu.memory_space<vmem>>, vector<1x16xf32>,
      %swap3A_548 = vector.shape_cast %swap3A_547 : vector<1x16xf32> to vector<16xf32>
      %swap3A_549 = vector.shape_cast %add3A_544 : vector<16xf32> to vector<1x16xf32>
      tpu.vector_store %arg10[%swap3A_545, %swap3A_546], %swap3A_549 {strides = array<i32>} : memref<200x64xf32, #tpu.memory_space<vmem>>, vector<1x16xf32>,
    }
    %scan3A_352 = arith.constant 200 : i32
    %add3A_353 = arith.constant 200 : i32
    %add3A_354 = arith.addi %add3A_239, %add3A_353 : i32
    %multiple_of3A_355 = tpu.assume_multiple %add3A_354, 200 : i32
    %dma_start3A_356 = arith.constant 0 : i32
    %dma_start3A_357 = tpu.memref_slice %arg5[%multiple_of3A_355, %dma_start3A_356] : memref<819200x64xf32, #tpu.memory_space<hbm>> -> memref<200x64xf32, #tpu.memory_space<hbm>>
    %dma_start3A_358 = arith.constant 0 : i32
    %dma_start3A_359 = tpu.memref_slice %arg5[%multiple_of3A_355, %dma_start3A_358] : memref<819200x64xf32, #tpu.memory_space<hbm>> -> memref<200x64xf32, #tpu.memory_space<hbm>>
    tpu.enqueue_dma source(%arg10 : memref<200x64xf32, #tpu.memory_space<vmem>>) target(%dma_start3A_359 : memref<200x64xf32, #tpu.memory_space<hbm>>) target_semaphore(%arg17 : memref<!tpu.dma_semaphore, #tpu.memory_space<semaphore_mem>>)
    %dma_start3A_360 = arith.constant 0 : i32
    %dma_start3A_361 = arith.constant 0 : i32
    %dma_start3A_362 = tpu.memref_slice %arg8[%dma_start3A_360, %dma_start3A_361] : memref<200x128xf32, #tpu.memory_space<vmem>> -> memref<104x128xf32, #tpu.memory_space<vmem>>
    %dma_start3A_363 = arith.constant 600 : i32
    %dma_start3A_364 = tpu.memref_slice %arg6[%dma_start3A_363] : memref<12800xi32, #tpu.memory_space<vmem>> -> memref<104xi32, #tpu.memory_space<vmem>>
    %dma_start3A_365 = arith.constant 0 : i32
    %dma_start3A_366 = arith.constant 0 : i32
    %dma_start3A_367 = tpu.memref_slice %arg3[%dma_start3A_365, %dma_start3A_366] : memref<1000000x128xf32, #tpu.memory_space<hbm>> -> memref<1000000x128xf32, #tpu.memory_space<hbm>>
    tpu.enqueue_indirect_dma source(%dma_start3A_367 : memref<1000000x128xf32, #tpu.memory_space<hbm>>) target(%dma_start3A_362 : memref<104x128xf32, #tpu.memory_space<vmem>>) offsets(%dma_start3A_364 : memref<104xi32, #tpu.memory_space<vmem>>) semaphore(%arg13 : memref<!tpu.dma_semaphore, #tpu.memory_space<semaphore_mem>>)
    %dma_start3A_368 = arith.constant 104 : i32
    %dma_start3A_369 = arith.constant 0 : i32
    %dma_start3A_370 = tpu.memref_slice %arg8[%dma_start3A_368, %dma_start3A_369] : memref<200x128xf32, #tpu.memory_space<vmem>> -> memref<96x128xf32, #tpu.memory_space<vmem>>
    %dma_start3A_371 = arith.constant 704 : i32
    %dma_start3A_372 = tpu.memref_slice %arg6[%dma_start3A_371] : memref<12800xi32, #tpu.memory_space<vmem>> -> memref<96xi32, #tpu.memory_space<vmem>>
    %dma_start3A_373 = arith.constant 0 : i32
    %dma_start3A_374 = arith.constant 0 : i32
    %dma_start3A_375 = tpu.memref_slice %arg3[%dma_start3A_373, %dma_start3A_374] : memref<1000000x128xf32, #tpu.memory_space<hbm>> -> memref<1000000x128xf32, #tpu.memory_space<hbm>>
    tpu.enqueue_indirect_dma source(%dma_start3A_375 : memref<1000000x128xf32, #tpu.memory_space<hbm>>) target(%dma_start3A_370 : memref<96x128xf32, #tpu.memory_space<vmem>>) offsets(%dma_start3A_372 : memref<96xi32, #tpu.memory_space<vmem>>) semaphore(%arg15 : memref<!tpu.dma_semaphore, #tpu.memory_space<semaphore_mem>>)
    %scan3A_376 = arith.constant 1 : i32
    %scan3A_377 = arith.constant 30 : i32
    %scan3A_378 = arith.addi %scan3A_376, %scan3A_377 : i32
    %scan3A_379 = arith.constant 1 : i32
    scf.for %scan3A_477 = %scan3A_376 to %scan3A_378 step %scan3A_379  : i32 {
      %mul3A_478 = arith.constant 2 : i32
      %mul3A_479 = arith.muli %scan3A_477, %mul3A_478 : i32
      %dma_wait3A_480 = arith.constant 0 : i32
      %dma_wait3A_481 = arith.constant 0 : i32
      %dma_wait3A_482 = tpu.memref_slice %arg7[%dma_wait3A_480, %dma_wait3A_481] : memref<200x128xf32, #tpu.memory_space<vmem>> -> memref<104x128xf32, #tpu.memory_space<vmem>>
      %dma_wait3A_483 = arith.constant 0 : i32
      %dma_wait3A_484 = arith.constant 0 : i32
      %dma_wait3A_485 = tpu.memref_slice %arg3[%dma_wait3A_483, %dma_wait3A_484] : memref<1000000x128xf32, #tpu.memory_space<hbm>> -> memref<104x128xf32, #tpu.memory_space<hbm>>
      %dma_wait3A_486 = arith.constant 0 : i32
      %dma_wait3A_487 = arith.constant 0 : i32
      %dma_wait3A_488 = tpu.memref_slice %arg7[%dma_wait3A_486, %dma_wait3A_487] : memref<200x128xf32, #tpu.memory_space<vmem>> -> memref<104x128xf32, #tpu.memory_space<vmem>>
      %dma_wait3A_489 = arith.constant 0 : i32
      %dma_wait3A_490 = arith.constant 0 : i32
      %dma_wait3A_491 = tpu.memref_slice %arg3[%dma_wait3A_489, %dma_wait3A_490] : memref<1000000x128xf32, #tpu.memory_space<hbm>> -> memref<104x128xf32, #tpu.memory_space<hbm>>
      tpu.wait_dma2 semaphore(%arg12 : memref<!tpu.dma_semaphore, #tpu.memory_space<semaphore_mem>>) src(%dma_wait3A_491 : memref<104x128xf32, #tpu.memory_space<hbm>>) dst(%dma_wait3A_488 : memref<104x128xf32, #tpu.memory_space<vmem>>)
      %dma_wait3A_492 = arith.constant 104 : i32
      %dma_wait3A_493 = arith.constant 0 : i32
      %dma_wait3A_494 = tpu.memref_slice %arg7[%dma_wait3A_492, %dma_wait3A_493] : memref<200x128xf32, #tpu.memory_space<vmem>> -> memref<96x128xf32, #tpu.memory_space<vmem>>
      %dma_wait3A_495 = arith.constant 0 : i32
      %dma_wait3A_496 = arith.constant 0 : i32
      %dma_wait3A_497 = tpu.memref_slice %arg3[%dma_wait3A_495, %dma_wait3A_496] : memref<1000000x128xf32, #tpu.memory_space<hbm>> -> memref<96x128xf32, #tpu.memory_space<hbm>>
      %dma_wait3A_498 = arith.constant 104 : i32
      %dma_wait3A_499 = arith.constant 0 : i32
      %dma_wait3A_500 = tpu.memref_slice %arg7[%dma_wait3A_498, %dma_wait3A_499] : memref<200x128xf32, #tpu.memory_space<vmem>> -> memref<96x128xf32, #tpu.memory_space<vmem>>
      %dma_wait3A_501 = arith.constant 0 : i32
      %dma_wait3A_502 = arith.constant 0 : i32
      %dma_wait3A_503 = tpu.memref_slice %arg3[%dma_wait3A_501, %dma_wait3A_502] : memref<1000000x128xf32, #tpu.memory_space<hbm>> -> memref<96x128xf32, #tpu.memory_space<hbm>>
      tpu.wait_dma2 semaphore(%arg14 : memref<!tpu.dma_semaphore, #tpu.memory_space<semaphore_mem>>) src(%dma_wait3A_503 : memref<96x128xf32, #tpu.memory_space<hbm>>) dst(%dma_wait3A_500 : memref<96x128xf32, #tpu.memory_space<vmem>>)
      %dma_wait3A_504 = arith.constant 0 : i32
      %dma_wait3A_505 = arith.constant 0 : i32
      %dma_wait3A_506 = tpu.memref_slice %arg5[%dma_wait3A_504, %dma_wait3A_505] : memref<819200x64xf32, #tpu.memory_space<hbm>> -> memref<200x64xf32, #tpu.memory_space<hbm>>
      %dma_wait3A_507 = arith.constant 0 : i32
      %dma_wait3A_508 = arith.constant 0 : i32
      %dma_wait3A_509 = tpu.memref_slice %arg5[%dma_wait3A_507, %dma_wait3A_508] : memref<819200x64xf32, #tpu.memory_space<hbm>> -> memref<200x64xf32, #tpu.memory_space<hbm>>
      tpu.wait_dma2 semaphore(%arg16 : memref<!tpu.dma_semaphore, #tpu.memory_space<semaphore_mem>>) src(%arg9 : memref<200x64xf32, #tpu.memory_space<vmem>>) dst(%dma_wait3A_509 : memref<200x64xf32, #tpu.memory_space<hbm>>)
      %scan3A_510 = arith.constant 0 : i32
      %scan3A_511 = arith.constant 200 : i32
      %scan3A_512 = arith.addi %scan3A_510, %scan3A_511 : i32
      %scan3A_513 = arith.constant 1 : i32
      scf.for %scan3A_608 = %scan3A_510 to %scan3A_512 step %scan3A_513  : i32 {
        %mul3A_609 = arith.constant 64 : i32
        %mul3A_610 = arith.muli %scan3A_608, %mul3A_609 : i32
        %get3A = arith.index_cast %scan3A_608 : i32 to index
        %get3A_611 = arith.constant 0 : index
        %get3A_612 = tpu.vector_load %arg7[%get3A, %get3A_611] {strides = array<i32>} : memref<200x128xf32, #tpu.memory_space<vmem>>, vector<1x16xf32>,
        %get3A_613 = vector.shape_cast %get3A_612 : vector<1x16xf32> to vector<16xf32>
        %mul3A_614 = arith.constant 8.000000e+00 : f32
        %mul3A_615 = vector.broadcast %mul3A_614 : f32 to vector<16xf32>
        %mul3A_616 = arith.mulf %get3A_613, %mul3A_615 : vector<16xf32>
        %add3A_617 = arith.constant 0 : i32
        %add3A_618 = arith.addi %mul3A_610, %add3A_617 : i32
        %get3A_619 = arith.index_cast %add3A_618 : i32 to index
        %get3A_620 = tpu.vector_load %arg11[%get3A_619] {strides = array<i32>} : memref<12800xf32, #tpu.memory_space<vmem>>, vector<16xf32>,
        %get3A_621 = vector.shape_cast %get3A_620 : vector<16xf32> to vector<16xf32>
        %add3A_622 = arith.addf %mul3A_616, %get3A_621 : vector<16xf32>
        %swap3A = arith.index_cast %scan3A_608 : i32 to index
        %swap3A_623 = arith.constant 0 : index
        %swap3A_624 = tpu.vector_load %arg9[%swap3A, %swap3A_623] {strides = array<i32>} : memref<200x64xf32, #tpu.memory_space<vmem>>, vector<1x16xf32>,
        %swap3A_625 = vector.shape_cast %swap3A_624 : vector<1x16xf32> to vector<16xf32>
        %swap3A_626 = vector.shape_cast %add3A_622 : vector<16xf32> to vector<1x16xf32>
        tpu.vector_store %arg9[%swap3A, %swap3A_623], %swap3A_626 {strides = array<i32>} : memref<200x64xf32, #tpu.memory_space<vmem>>, vector<1x16xf32>,
        %get3A_627 = arith.index_cast %scan3A_608 : i32 to index
        %get3A_628 = arith.constant 16 : index
        %get3A_629 = tpu.vector_load %arg7[%get3A_627, %get3A_628] {strides = array<i32>} : memref<200x128xf32, #tpu.memory_space<vmem>>, vector<1x16xf32>,
        %get3A_630 = vector.shape_cast %get3A_629 : vector<1x16xf32> to vector<16xf32>
        %mul3A_631 = arith.constant 8.000000e+00 : f32
        %mul3A_632 = vector.broadcast %mul3A_631 : f32 to vector<16xf32>
        %mul3A_633 = arith.mulf %get3A_630, %mul3A_632 : vector<16xf32>
        %add3A_634 = arith.constant 16 : i32
        %add3A_635 = arith.addi %mul3A_610, %add3A_634 : i32
        %get3A_636 = arith.index_cast %add3A_635 : i32 to index
        %get3A_637 = tpu.vector_load %arg11[%get3A_636] {strides = array<i32>} : memref<12800xf32, #tpu.memory_space<vmem>>, vector<16xf32>,
        %get3A_638 = vector.shape_cast %get3A_637 : vector<16xf32> to vector<16xf32>
        %add3A_639 = arith.addf %mul3A_633, %get3A_638 : vector<16xf32>
        %swap3A_640 = arith.index_cast %scan3A_608 : i32 to index
        %swap3A_641 = arith.constant 16 : index
        %swap3A_642 = tpu.vector_load %arg9[%swap3A_640, %swap3A_641] {strides = array<i32>} : memref<200x64xf32, #tpu.memory_space<vmem>>, vector<1x16xf32>,
        %swap3A_643 = vector.shape_cast %swap3A_642 : vector<1x16xf32> to vector<16xf32>
        %swap3A_644 = vector.shape_cast %add3A_639 : vector<16xf32> to vector<1x16xf32>
        tpu.vector_store %arg9[%swap3A_640, %swap3A_641], %swap3A_644 {strides = array<i32>} : memref<200x64xf32, #tpu.memory_space<vmem>>, vector<1x16xf32>,
        %get3A_645 = arith.index_cast %scan3A_608 : i32 to index
        %get3A_646 = arith.constant 32 : index
        %get3A_647 = tpu.vector_load %arg7[%get3A_645, %get3A_646] {strides = array<i32>} : memref<200x128xf32, #tpu.memory_space<vmem>>, vector<1x16xf32>,
        %get3A_648 = vector.shape_cast %get3A_647 : vector<1x16xf32> to vector<16xf32>
        %mul3A_649 = arith.constant 8.000000e+00 : f32
        %mul3A_650 = vector.broadcast %mul3A_649 : f32 to vector<16xf32>
        %mul3A_651 = arith.mulf %get3A_648, %mul3A_650 : vector<16xf32>
        %add3A_652 = arith.constant 32 : i32
        %add3A_653 = arith.addi %mul3A_610, %add3A_652 : i32
        %get3A_654 = arith.index_cast %add3A_653 : i32 to index
        %get3A_655 = tpu.vector_load %arg11[%get3A_654] {strides = array<i32>} : memref<12800xf32, #tpu.memory_space<vmem>>, vector<16xf32>,
        %get3A_656 = vector.shape_cast %get3A_655 : vector<16xf32> to vector<16xf32>
        %add3A_657 = arith.addf %mul3A_651, %get3A_656 : vector<16xf32>
        %swap3A_658 = arith.index_cast %scan3A_608 : i32 to index
        %swap3A_659 = arith.constant 32 : index
        %swap3A_660 = tpu.vector_load %arg9[%swap3A_658, %swap3A_659] {strides = array<i32>} : memref<200x64xf32, #tpu.memory_space<vmem>>, vector<1x16xf32>,
        %swap3A_661 = vector.shape_cast %swap3A_660 : vector<1x16xf32> to vector<16xf32>
        %swap3A_662 = vector.shape_cast %add3A_657 : vector<16xf32> to vector<1x16xf32>
        tpu.vector_store %arg9[%swap3A_658, %swap3A_659], %swap3A_662 {strides = array<i32>} : memref<200x64xf32, #tpu.memory_space<vmem>>, vector<1x16xf32>,
        %get3A_663 = arith.index_cast %scan3A_608 : i32 to index
        %get3A_664 = arith.constant 48 : index
        %get3A_665 = tpu.vector_load %arg7[%get3A_663, %get3A_664] {strides = array<i32>} : memref<200x128xf32, #tpu.memory_space<vmem>>, vector<1x16xf32>,
        %get3A_666 = vector.shape_cast %get3A_665 : vector<1x16xf32> to vector<16xf32>
        %mul3A_667 = arith.constant 8.000000e+00 : f32
        %mul3A_668 = vector.broadcast %mul3A_667 : f32 to vector<16xf32>
        %mul3A_669 = arith.mulf %get3A_666, %mul3A_668 : vector<16xf32>
        %add3A_670 = arith.constant 48 : i32
        %add3A_671 = arith.addi %mul3A_610, %add3A_670 : i32
        %get3A_672 = arith.index_cast %add3A_671 : i32 to index
        %get3A_673 = tpu.vector_load %arg11[%get3A_672] {strides = array<i32>} : memref<12800xf32, #tpu.memory_space<vmem>>, vector<16xf32>,
        %get3A_674 = vector.shape_cast %get3A_673 : vector<16xf32> to vector<16xf32>
        %add3A_675 = arith.addf %mul3A_669, %get3A_674 : vector<16xf32>
        %swap3A_676 = arith.index_cast %scan3A_608 : i32 to index
        %swap3A_677 = arith.constant 48 : index
        %swap3A_678 = tpu.vector_load %arg9[%swap3A_676, %swap3A_677] {strides = array<i32>} : memref<200x64xf32, #tpu.memory_space<vmem>>, vector<1x16xf32>,
        %swap3A_679 = vector.shape_cast %swap3A_678 : vector<1x16xf32> to vector<16xf32>
        %swap3A_680 = vector.shape_cast %add3A_675 : vector<16xf32> to vector<1x16xf32>
        tpu.vector_store %arg9[%swap3A_676, %swap3A_677], %swap3A_680 {strides = array<i32>} : memref<200x64xf32, #tpu.memory_space<vmem>>, vector<1x16xf32>,
      }
      %scan3A_514 = arith.constant 200 : i32
      %mul3A_515 = arith.constant 200 : i32
      %mul3A_516 = arith.muli %mul3A_479, %mul3A_515 : i32
      %add3A_517 = arith.addi %add3A_239, %mul3A_516 : i32
      %multiple_of3A_518 = tpu.assume_multiple %add3A_517, 200 : i32
      %dma_start3A_519 = arith.constant 0 : i32
      %dma_start3A_520 = tpu.memref_slice %arg5[%multiple_of3A_518, %dma_start3A_519] : memref<819200x64xf32, #tpu.memory_space<hbm>> -> memref<200x64xf32, #tpu.memory_space<hbm>>
      %dma_start3A_521 = arith.constant 0 : i32
      %dma_start3A_522 = tpu.memref_slice %arg5[%multiple_of3A_518, %dma_start3A_521] : memref<819200x64xf32, #tpu.memory_space<hbm>> -> memref<200x64xf32, #tpu.memory_space<hbm>>
      tpu.enqueue_dma source(%arg9 : memref<200x64xf32, #tpu.memory_space<vmem>>) target(%dma_start3A_522 : memref<200x64xf32, #tpu.memory_space<hbm>>) target_semaphore(%arg16 : memref<!tpu.dma_semaphore, #tpu.memory_space<semaphore_mem>>)
      %add3A_523 = arith.constant 2 : i32
      %add3A_524 = arith.addi %mul3A_479, %add3A_523 : i32
      %mul3A_525 = arith.constant 200 : i32
      %mul3A_526 = arith.muli %add3A_524, %mul3A_525 : i32
      %dma_start3A_527 = arith.constant 0 : i32
      %dma_start3A_528 = arith.constant 0 : i32
      %dma_start3A_529 = tpu.memref_slice %arg7[%dma_start3A_527, %dma_start3A_528] : memref<200x128xf32, #tpu.memory_space<vmem>> -> memref<104x128xf32, #tpu.memory_space<vmem>>
      %dma_start3A_530 = tpu.memref_slice %arg6[%mul3A_526] : memref<12800xi32, #tpu.memory_space<vmem>> -> memref<104xi32, #tpu.memory_space<vmem>>
      %dma_start3A_531 = arith.constant 0 : i32
      %dma_start3A_532 = arith.constant 0 : i32
      %dma_start3A_533 = tpu.memref_slice %arg3[%dma_start3A_531, %dma_start3A_532] : memref<1000000x128xf32, #tpu.memory_space<hbm>> -> memref<1000000x128xf32, #tpu.memory_space<hbm>>
      tpu.enqueue_indirect_dma source(%dma_start3A_533 : memref<1000000x128xf32, #tpu.memory_space<hbm>>) target(%dma_start3A_529 : memref<104x128xf32, #tpu.memory_space<vmem>>) offsets(%dma_start3A_530 : memref<104xi32, #tpu.memory_space<vmem>>) semaphore(%arg12 : memref<!tpu.dma_semaphore, #tpu.memory_space<semaphore_mem>>)
      %add3A_534 = arith.constant 104 : i32
      %add3A_535 = arith.addi %mul3A_526, %add3A_534 : i32
      %dma_start3A_536 = arith.constant 104 : i32
      %dma_start3A_537 = arith.constant 0 : i32
      %dma_start3A_538 = tpu.memref_slice %arg7[%dma_start3A_536, %dma_start3A_537] : memref<200x128xf32, #tpu.memory_space<vmem>> -> memref<96x128xf32, #tpu.memory_space<vmem>>
      %dma_start3A_539 = tpu.memref_slice %arg6[%add3A_535] : memref<12800xi32, #tpu.memory_space<vmem>> -> memref<96xi32, #tpu.memory_space<vmem>>
      %dma_start3A_540 = arith.constant 0 : i32
      %dma_start3A_541 = arith.constant 0 : i32
      %dma_start3A_542 = tpu.memref_slice %arg3[%dma_start3A_540, %dma_start3A_541] : memref<1000000x128xf32, #tpu.memory_space<hbm>> -> memref<1000000x128xf32, #tpu.memory_space<hbm>>
      tpu.enqueue_indirect_dma source(%dma_start3A_542 : memref<1000000x128xf32, #tpu.memory_space<hbm>>) target(%dma_start3A_538 : memref<96x128xf32, #tpu.memory_space<vmem>>) offsets(%dma_start3A_539 : memref<96xi32, #tpu.memory_space<vmem>>) semaphore(%arg14 : memref<!tpu.dma_semaphore, #tpu.memory_space<semaphore_mem>>)
      %add3A_543 = arith.constant 1 : i32
      %add3A_544 = arith.addi %mul3A_479, %add3A_543 : i32
      %dma_wait3A_545 = arith.constant 0 : i32
      %dma_wait3A_546 = arith.constant 0 : i32
      %dma_wait3A_547 = tpu.memref_slice %arg8[%dma_wait3A_545, %dma_wait3A_546] : memref<200x128xf32, #tpu.memory_space<vmem>> -> memref<104x128xf32, #tpu.memory_space<vmem>>
      %dma_wait3A_548 = arith.constant 0 : i32
      %dma_wait3A_549 = arith.constant 0 : i32
      %dma_wait3A_550 = tpu.memref_slice %arg3[%dma_wait3A_548, %dma_wait3A_549] : memref<1000000x128xf32, #tpu.memory_space<hbm>> -> memref<104x128xf32, #tpu.memory_space<hbm>>
      %dma_wait3A_551 = arith.constant 0 : i32
      %dma_wait3A_552 = arith.constant 0 : i32
      %dma_wait3A_553 = tpu.memref_slice %arg8[%dma_wait3A_551, %dma_wait3A_552] : memref<200x128xf32, #tpu.memory_space<vmem>> -> memref<104x128xf32, #tpu.memory_space<vmem>>
      %dma_wait3A_554 = arith.constant 0 : i32
      %dma_wait3A_555 = arith.constant 0 : i32
      %dma_wait3A_556 = tpu.memref_slice %arg3[%dma_wait3A_554, %dma_wait3A_555] : memref<1000000x128xf32, #tpu.memory_space<hbm>> -> memref<104x128xf32, #tpu.memory_space<hbm>>
      tpu.wait_dma2 semaphore(%arg13 : memref<!tpu.dma_semaphore, #tpu.memory_space<semaphore_mem>>) src(%dma_wait3A_556 : memref<104x128xf32, #tpu.memory_space<hbm>>) dst(%dma_wait3A_553 : memref<104x128xf32, #tpu.memory_space<vmem>>)
      %dma_wait3A_557 = arith.constant 104 : i32
      %dma_wait3A_558 = arith.constant 0 : i32
      %dma_wait3A_559 = tpu.memref_slice %arg8[%dma_wait3A_557, %dma_wait3A_558] : memref<200x128xf32, #tpu.memory_space<vmem>> -> memref<96x128xf32, #tpu.memory_space<vmem>>
      %dma_wait3A_560 = arith.constant 0 : i32
      %dma_wait3A_561 = arith.constant 0 : i32
      %dma_wait3A_562 = tpu.memref_slice %arg3[%dma_wait3A_560, %dma_wait3A_561] : memref<1000000x128xf32, #tpu.memory_space<hbm>> -> memref<96x128xf32, #tpu.memory_space<hbm>>
      %dma_wait3A_563 = arith.constant 104 : i32
      %dma_wait3A_564 = arith.constant 0 : i32
      %dma_wait3A_565 = tpu.memref_slice %arg8[%dma_wait3A_563, %dma_wait3A_564] : memref<200x128xf32, #tpu.memory_space<vmem>> -> memref<96x128xf32, #tpu.memory_space<vmem>>
      %dma_wait3A_566 = arith.constant 0 : i32
      %dma_wait3A_567 = arith.constant 0 : i32
      %dma_wait3A_568 = tpu.memref_slice %arg3[%dma_wait3A_566, %dma_wait3A_567] : memref<1000000x128xf32, #tpu.memory_space<hbm>> -> memref<96x128xf32, #tpu.memory_space<hbm>>
      tpu.wait_dma2 semaphore(%arg15 : memref<!tpu.dma_semaphore, #tpu.memory_space<semaphore_mem>>) src(%dma_wait3A_568 : memref<96x128xf32, #tpu.memory_space<hbm>>) dst(%dma_wait3A_565 : memref<96x128xf32, #tpu.memory_space<vmem>>)
      %dma_wait3A_569 = arith.constant 0 : i32
      %dma_wait3A_570 = arith.constant 0 : i32
      %dma_wait3A_571 = tpu.memref_slice %arg5[%dma_wait3A_569, %dma_wait3A_570] : memref<819200x64xf32, #tpu.memory_space<hbm>> -> memref<200x64xf32, #tpu.memory_space<hbm>>
      %dma_wait3A_572 = arith.constant 0 : i32
      %dma_wait3A_573 = arith.constant 0 : i32
      %dma_wait3A_574 = tpu.memref_slice %arg5[%dma_wait3A_572, %dma_wait3A_573] : memref<819200x64xf32, #tpu.memory_space<hbm>> -> memref<200x64xf32, #tpu.memory_space<hbm>>
      tpu.wait_dma2 semaphore(%arg17 : memref<!tpu.dma_semaphore, #tpu.memory_space<semaphore_mem>>) src(%arg10 : memref<200x64xf32, #tpu.memory_space<vmem>>) dst(%dma_wait3A_574 : memref<200x64xf32, #tpu.memory_space<hbm>>)
      %scan3A_575 = arith.constant 0 : i32
      %scan3A_576 = arith.constant 200 : i32
      %scan3A_577 = arith.addi %scan3A_575, %scan3A_576 : i32
      %scan3A_578 = arith.constant 1 : i32
      scf.for %scan3A_608 = %scan3A_575 to %scan3A_577 step %scan3A_578  : i32 {
        %mul3A_609 = arith.constant 64 : i32
        %mul3A_610 = arith.muli %scan3A_608, %mul3A_609 : i32
        %get3A = arith.index_cast %scan3A_608 : i32 to index
        %get3A_611 = arith.constant 0 : index
        %get3A_612 = tpu.vector_load %arg8[%get3A, %get3A_611] {strides = array<i32>} : memref<200x128xf32, #tpu.memory_space<vmem>>, vector<1x16xf32>,
        %get3A_613 = vector.shape_cast %get3A_612 : vector<1x16xf32> to vector<16xf32>
        %mul3A_614 = arith.constant 8.000000e+00 : f32
        %mul3A_615 = vector.broadcast %mul3A_614 : f32 to vector<16xf32>
        %mul3A_616 = arith.mulf %get3A_613, %mul3A_615 : vector<16xf32>
        %add3A_617 = arith.constant 0 : i32
        %add3A_618 = arith.addi %mul3A_610, %add3A_617 : i32
        %get3A_619 = arith.index_cast %add3A_618 : i32 to index
        %get3A_620 = tpu.vector_load %arg11[%get3A_619] {strides = array<i32>} : memref<12800xf32, #tpu.memory_space<vmem>>, vector<16xf32>,
        %get3A_621 = vector.shape_cast %get3A_620 : vector<16xf32> to vector<16xf32>
        %add3A_622 = arith.addf %mul3A_616, %get3A_621 : vector<16xf32>
        %swap3A = arith.index_cast %scan3A_608 : i32 to index
        %swap3A_623 = arith.constant 0 : index
        %swap3A_624 = tpu.vector_load %arg10[%swap3A, %swap3A_623] {strides = array<i32>} : memref<200x64xf32, #tpu.memory_space<vmem>>, vector<1x16xf32>,
        %swap3A_625 = vector.shape_cast %swap3A_624 : vector<1x16xf32> to vector<16xf32>
        %swap3A_626 = vector.shape_cast %add3A_622 : vector<16xf32> to vector<1x16xf32>
        tpu.vector_store %arg10[%swap3A, %swap3A_623], %swap3A_626 {strides = array<i32>} : memref<200x64xf32, #tpu.memory_space<vmem>>, vector<1x16xf32>,
        %get3A_627 = arith.index_cast %scan3A_608 : i32 to index
        %get3A_628 = arith.constant 16 : index
        %get3A_629 = tpu.vector_load %arg8[%get3A_627, %get3A_628] {strides = array<i32>} : memref<200x128xf32, #tpu.memory_space<vmem>>, vector<1x16xf32>,
        %get3A_630 = vector.shape_cast %get3A_629 : vector<1x16xf32> to vector<16xf32>
        %mul3A_631 = arith.constant 8.000000e+00 : f32
        %mul3A_632 = vector.broadcast %mul3A_631 : f32 to vector<16xf32>
        %mul3A_633 = arith.mulf %get3A_630, %mul3A_632 : vector<16xf32>
        %add3A_634 = arith.constant 16 : i32
        %add3A_635 = arith.addi %mul3A_610, %add3A_634 : i32
        %get3A_636 = arith.index_cast %add3A_635 : i32 to index
        %get3A_637 = tpu.vector_load %arg11[%get3A_636] {strides = array<i32>} : memref<12800xf32, #tpu.memory_space<vmem>>, vector<16xf32>,
        %get3A_638 = vector.shape_cast %get3A_637 : vector<16xf32> to vector<16xf32>
        %add3A_639 = arith.addf %mul3A_633, %get3A_638 : vector<16xf32>
        %swap3A_640 = arith.index_cast %scan3A_608 : i32 to index
        %swap3A_641 = arith.constant 16 : index
        %swap3A_642 = tpu.vector_load %arg10[%swap3A_640, %swap3A_641] {strides = array<i32>} : memref<200x64xf32, #tpu.memory_space<vmem>>, vector<1x16xf32>,
        %swap3A_643 = vector.shape_cast %swap3A_642 : vector<1x16xf32> to vector<16xf32>
        %swap3A_644 = vector.shape_cast %add3A_639 : vector<16xf32> to vector<1x16xf32>
        tpu.vector_store %arg10[%swap3A_640, %swap3A_641], %swap3A_644 {strides = array<i32>} : memref<200x64xf32, #tpu.memory_space<vmem>>, vector<1x16xf32>,
        %get3A_645 = arith.index_cast %scan3A_608 : i32 to index
        %get3A_646 = arith.constant 32 : index
        %get3A_647 = tpu.vector_load %arg8[%get3A_645, %get3A_646] {strides = array<i32>} : memref<200x128xf32, #tpu.memory_space<vmem>>, vector<1x16xf32>,
        %get3A_648 = vector.shape_cast %get3A_647 : vector<1x16xf32> to vector<16xf32>
        %mul3A_649 = arith.constant 8.000000e+00 : f32
        %mul3A_650 = vector.broadcast %mul3A_649 : f32 to vector<16xf32>
        %mul3A_651 = arith.mulf %get3A_648, %mul3A_650 : vector<16xf32>
        %add3A_652 = arith.constant 32 : i32
        %add3A_653 = arith.addi %mul3A_610, %add3A_652 : i32
        %get3A_654 = arith.index_cast %add3A_653 : i32 to index
        %get3A_655 = tpu.vector_load %arg11[%get3A_654] {strides = array<i32>} : memref<12800xf32, #tpu.memory_space<vmem>>, vector<16xf32>,
        %get3A_656 = vector.shape_cast %get3A_655 : vector<16xf32> to vector<16xf32>
        %add3A_657 = arith.addf %mul3A_651, %get3A_656 : vector<16xf32>
        %swap3A_658 = arith.index_cast %scan3A_608 : i32 to index
        %swap3A_659 = arith.constant 32 : index
        %swap3A_660 = tpu.vector_load %arg10[%swap3A_658, %swap3A_659] {strides = array<i32>} : memref<200x64xf32, #tpu.memory_space<vmem>>, vector<1x16xf32>,
        %swap3A_661 = vector.shape_cast %swap3A_660 : vector<1x16xf32> to vector<16xf32>
        %swap3A_662 = vector.shape_cast %add3A_657 : vector<16xf32> to vector<1x16xf32>
        tpu.vector_store %arg10[%swap3A_658, %swap3A_659], %swap3A_662 {strides = array<i32>} : memref<200x64xf32, #tpu.memory_space<vmem>>, vector<1x16xf32>,
        %get3A_663 = arith.index_cast %scan3A_608 : i32 to index
        %get3A_664 = arith.constant 48 : index
        %get3A_665 = tpu.vector_load %arg8[%get3A_663, %get3A_664] {strides = array<i32>} : memref<200x128xf32, #tpu.memory_space<vmem>>, vector<1x16xf32>,
        %get3A_666 = vector.shape_cast %get3A_665 : vector<1x16xf32> to vector<16xf32>
        %mul3A_667 = arith.constant 8.000000e+00 : f32
        %mul3A_668 = vector.broadcast %mul3A_667 : f32 to vector<16xf32>
        %mul3A_669 = arith.mulf %get3A_666, %mul3A_668 : vector<16xf32>
        %add3A_670 = arith.constant 48 : i32
        %add3A_671 = arith.addi %mul3A_610, %add3A_670 : i32
        %get3A_672 = arith.index_cast %add3A_671 : i32 to index
        %get3A_673 = tpu.vector_load %arg11[%get3A_672] {strides = array<i32>} : memref<12800xf32, #tpu.memory_space<vmem>>, vector<16xf32>,
        %get3A_674 = vector.shape_cast %get3A_673 : vector<16xf32> to vector<16xf32>
        %add3A_675 = arith.addf %mul3A_669, %get3A_674 : vector<16xf32>
        %swap3A_676 = arith.index_cast %scan3A_608 : i32 to index
        %swap3A_677 = arith.constant 48 : index
        %swap3A_678 = tpu.vector_load %arg10[%swap3A_676, %swap3A_677] {strides = array<i32>} : memref<200x64xf32, #tpu.memory_space<vmem>>, vector<1x16xf32>,
        %swap3A_679 = vector.shape_cast %swap3A_678 : vector<1x16xf32> to vector<16xf32>
        %swap3A_680 = vector.shape_cast %add3A_675 : vector<16xf32> to vector<1x16xf32>
        tpu.vector_store %arg10[%swap3A_676, %swap3A_677], %swap3A_680 {strides = array<i32>} : memref<200x64xf32, #tpu.memory_space<vmem>>, vector<1x16xf32>,
      }
      %scan3A_579 = arith.constant 200 : i32
      %mul3A_580 = arith.constant 200 : i32
      %mul3A_581 = arith.muli %add3A_544, %mul3A_580 : i32
      %add3A_582 = arith.addi %add3A_239, %mul3A_581 : i32
      %multiple_of3A_583 = tpu.assume_multiple %add3A_582, 200 : i32
      %dma_start3A_584 = arith.constant 0 : i32
      %dma_start3A_585 = tpu.memref_slice %arg5[%multiple_of3A_583, %dma_start3A_584] : memref<819200x64xf32, #tpu.memory_space<hbm>> -> memref<200x64xf32, #tpu.memory_space<hbm>>
      %dma_start3A_586 = arith.constant 0 : i32
      %dma_start3A_587 = tpu.memref_slice %arg5[%multiple_of3A_583, %dma_start3A_586] : memref<819200x64xf32, #tpu.memory_space<hbm>> -> memref<200x64xf32, #tpu.memory_space<hbm>>
      tpu.enqueue_dma source(%arg10 : memref<200x64xf32, #tpu.memory_space<vmem>>) target(%dma_start3A_587 : memref<200x64xf32, #tpu.memory_space<hbm>>) target_semaphore(%arg17 : memref<!tpu.dma_semaphore, #tpu.memory_space<semaphore_mem>>)
      %add3A_588 = arith.constant 3 : i32
      %add3A_589 = arith.addi %mul3A_479, %add3A_588 : i32
      %mul3A_590 = arith.constant 200 : i32
      %mul3A_591 = arith.muli %add3A_589, %mul3A_590 : i32
      %dma_start3A_592 = arith.constant 0 : i32
      %dma_start3A_593 = arith.constant 0 : i32
      %dma_start3A_594 = tpu.memref_slice %arg8[%dma_start3A_592, %dma_start3A_593] : memref<200x128xf32, #tpu.memory_space<vmem>> -> memref<104x128xf32, #tpu.memory_space<vmem>>
      %dma_start3A_595 = tpu.memref_slice %arg6[%mul3A_591] : memref<12800xi32, #tpu.memory_space<vmem>> -> memref<104xi32, #tpu.memory_space<vmem>>
      %dma_start3A_596 = arith.constant 0 : i32
      %dma_start3A_597 = arith.constant 0 : i32
      %dma_start3A_598 = tpu.memref_slice %arg3[%dma_start3A_596, %dma_start3A_597] : memref<1000000x128xf32, #tpu.memory_space<hbm>> -> memref<1000000x128xf32, #tpu.memory_space<hbm>>
      tpu.enqueue_indirect_dma source(%dma_start3A_598 : memref<1000000x128xf32, #tpu.memory_space<hbm>>) target(%dma_start3A_594 : memref<104x128xf32, #tpu.memory_space<vmem>>) offsets(%dma_start3A_595 : memref<104xi32, #tpu.memory_space<vmem>>) semaphore(%arg13 : memref<!tpu.dma_semaphore, #tpu.memory_space<semaphore_mem>>)
      %add3A_599 = arith.constant 104 : i32
      %add3A_600 = arith.addi %mul3A_591, %add3A_599 : i32
      %dma_start3A_601 = arith.constant 104 : i32
      %dma_start3A_602 = arith.constant 0 : i32
      %dma_start3A_603 = tpu.memref_slice %arg8[%dma_start3A_601, %dma_start3A_602] : memref<200x128xf32, #tpu.memory_space<vmem>> -> memref<96x128xf32, #tpu.memory_space<vmem>>
      %dma_start3A_604 = tpu.memref_slice %arg6[%add3A_600] : memref<12800xi32, #tpu.memory_space<vmem>> -> memref<96xi32, #tpu.memory_space<vmem>>
      %dma_start3A_605 = arith.constant 0 : i32
      %dma_start3A_606 = arith.constant 0 : i32
      %dma_start3A_607 = tpu.memref_slice %arg3[%dma_start3A_605, %dma_start3A_606] : memref<1000000x128xf32, #tpu.memory_space<hbm>> -> memref<1000000x128xf32, #tpu.memory_space<hbm>>
      tpu.enqueue_indirect_dma source(%dma_start3A_607 : memref<1000000x128xf32, #tpu.memory_space<hbm>>) target(%dma_start3A_603 : memref<96x128xf32, #tpu.memory_space<vmem>>) offsets(%dma_start3A_604 : memref<96xi32, #tpu.memory_space<vmem>>) semaphore(%arg15 : memref<!tpu.dma_semaphore, #tpu.memory_space<semaphore_mem>>)
    }
    %scan3A_380 = arith.constant 30 : i32
    %dma_wait3A_381 = arith.constant 0 : i32
    %dma_wait3A_382 = arith.constant 0 : i32
    %dma_wait3A_383 = tpu.memref_slice %arg7[%dma_wait3A_381, %dma_wait3A_382] : memref<200x128xf32, #tpu.memory_space<vmem>> -> memref<104x128xf32, #tpu.memory_space<vmem>>
    %dma_wait3A_384 = arith.constant 0 : i32
    %dma_wait3A_385 = arith.constant 0 : i32
    %dma_wait3A_386 = tpu.memref_slice %arg3[%dma_wait3A_384, %dma_wait3A_385] : memref<1000000x128xf32, #tpu.memory_space<hbm>> -> memref<104x128xf32, #tpu.memory_space<hbm>>
    %dma_wait3A_387 = arith.constant 0 : i32
    %dma_wait3A_388 = arith.constant 0 : i32
    %dma_wait3A_389 = tpu.memref_slice %arg7[%dma_wait3A_387, %dma_wait3A_388] : memref<200x128xf32, #tpu.memory_space<vmem>> -> memref<104x128xf32, #tpu.memory_space<vmem>>
    %dma_wait3A_390 = arith.constant 0 : i32
    %dma_wait3A_391 = arith.constant 0 : i32
    %dma_wait3A_392 = tpu.memref_slice %arg3[%dma_wait3A_390, %dma_wait3A_391] : memref<1000000x128xf32, #tpu.memory_space<hbm>> -> memref<104x128xf32, #tpu.memory_space<hbm>>
    tpu.wait_dma2 semaphore(%arg12 : memref<!tpu.dma_semaphore, #tpu.memory_space<semaphore_mem>>) src(%dma_wait3A_392 : memref<104x128xf32, #tpu.memory_space<hbm>>) dst(%dma_wait3A_389 : memref<104x128xf32, #tpu.memory_space<vmem>>)
    %dma_wait3A_393 = arith.constant 104 : i32
    %dma_wait3A_394 = arith.constant 0 : i32
    %dma_wait3A_395 = tpu.memref_slice %arg7[%dma_wait3A_393, %dma_wait3A_394] : memref<200x128xf32, #tpu.memory_space<vmem>> -> memref<96x128xf32, #tpu.memory_space<vmem>>
    %dma_wait3A_396 = arith.constant 0 : i32
    %dma_wait3A_397 = arith.constant 0 : i32
    %dma_wait3A_398 = tpu.memref_slice %arg3[%dma_wait3A_396, %dma_wait3A_397] : memref<1000000x128xf32, #tpu.memory_space<hbm>> -> memref<96x128xf32, #tpu.memory_space<hbm>>
    %dma_wait3A_399 = arith.constant 104 : i32
    %dma_wait3A_400 = arith.constant 0 : i32
    %dma_wait3A_401 = tpu.memref_slice %arg7[%dma_wait3A_399, %dma_wait3A_400] : memref<200x128xf32, #tpu.memory_space<vmem>> -> memref<96x128xf32, #tpu.memory_space<vmem>>
    %dma_wait3A_402 = arith.constant 0 : i32
    %dma_wait3A_403 = arith.constant 0 : i32
    %dma_wait3A_404 = tpu.memref_slice %arg3[%dma_wait3A_402, %dma_wait3A_403] : memref<1000000x128xf32, #tpu.memory_space<hbm>> -> memref<96x128xf32, #tpu.memory_space<hbm>>
    tpu.wait_dma2 semaphore(%arg14 : memref<!tpu.dma_semaphore, #tpu.memory_space<semaphore_mem>>) src(%dma_wait3A_404 : memref<96x128xf32, #tpu.memory_space<hbm>>) dst(%dma_wait3A_401 : memref<96x128xf32, #tpu.memory_space<vmem>>)
    %dma_wait3A_405 = arith.constant 0 : i32
    %dma_wait3A_406 = arith.constant 0 : i32
    %dma_wait3A_407 = tpu.memref_slice %arg5[%dma_wait3A_405, %dma_wait3A_406] : memref<819200x64xf32, #tpu.memory_space<hbm>> -> memref<200x64xf32, #tpu.memory_space<hbm>>
    %dma_wait3A_408 = arith.constant 0 : i32
    %dma_wait3A_409 = arith.constant 0 : i32
    %dma_wait3A_410 = tpu.memref_slice %arg5[%dma_wait3A_408, %dma_wait3A_409] : memref<819200x64xf32, #tpu.memory_space<hbm>> -> memref<200x64xf32, #tpu.memory_space<hbm>>
    tpu.wait_dma2 semaphore(%arg16 : memref<!tpu.dma_semaphore, #tpu.memory_space<semaphore_mem>>) src(%arg9 : memref<200x64xf32, #tpu.memory_space<vmem>>) dst(%dma_wait3A_410 : memref<200x64xf32, #tpu.memory_space<hbm>>)
    %scan3A_411 = arith.constant 0 : i32
    %scan3A_412 = arith.constant 200 : i32
    %scan3A_413 = arith.addi %scan3A_411, %scan3A_412 : i32
    %scan3A_414 = arith.constant 1 : i32
    scf.for %scan3A_477 = %scan3A_411 to %scan3A_413 step %scan3A_414  : i32 {
      %mul3A_478 = arith.constant 64 : i32
      %mul3A_479 = arith.muli %scan3A_477, %mul3A_478 : i32
      %get3A = arith.index_cast %scan3A_477 : i32 to index
      %get3A_480 = arith.constant 0 : index
      %get3A_481 = tpu.vector_load %arg7[%get3A, %get3A_480] {strides = array<i32>} : memref<200x128xf32, #tpu.memory_space<vmem>>, vector<1x16xf32>,
      %get3A_482 = vector.shape_cast %get3A_481 : vector<1x16xf32> to vector<16xf32>
      %mul3A_483 = arith.constant 8.000000e+00 : f32
      %mul3A_484 = vector.broadcast %mul3A_483 : f32 to vector<16xf32>
      %mul3A_485 = arith.mulf %get3A_482, %mul3A_484 : vector<16xf32>
      %add3A_486 = arith.constant 0 : i32
      %add3A_487 = arith.addi %mul3A_479, %add3A_486 : i32
      %get3A_488 = arith.index_cast %add3A_487 : i32 to index
      %get3A_489 = tpu.vector_load %arg11[%get3A_488] {strides = array<i32>} : memref<12800xf32, #tpu.memory_space<vmem>>, vector<16xf32>,
      %get3A_490 = vector.shape_cast %get3A_489 : vector<16xf32> to vector<16xf32>
      %add3A_491 = arith.addf %mul3A_485, %get3A_490 : vector<16xf32>
      %swap3A = arith.index_cast %scan3A_477 : i32 to index
      %swap3A_492 = arith.constant 0 : index
      %swap3A_493 = tpu.vector_load %arg9[%swap3A, %swap3A_492] {strides = array<i32>} : memref<200x64xf32, #tpu.memory_space<vmem>>, vector<1x16xf32>,
      %swap3A_494 = vector.shape_cast %swap3A_493 : vector<1x16xf32> to vector<16xf32>
      %swap3A_495 = vector.shape_cast %add3A_491 : vector<16xf32> to vector<1x16xf32>
      tpu.vector_store %arg9[%swap3A, %swap3A_492], %swap3A_495 {strides = array<i32>} : memref<200x64xf32, #tpu.memory_space<vmem>>, vector<1x16xf32>,
      %get3A_496 = arith.index_cast %scan3A_477 : i32 to index
      %get3A_497 = arith.constant 16 : index
      %get3A_498 = tpu.vector_load %arg7[%get3A_496, %get3A_497] {strides = array<i32>} : memref<200x128xf32, #tpu.memory_space<vmem>>, vector<1x16xf32>,
      %get3A_499 = vector.shape_cast %get3A_498 : vector<1x16xf32> to vector<16xf32>
      %mul3A_500 = arith.constant 8.000000e+00 : f32
      %mul3A_501 = vector.broadcast %mul3A_500 : f32 to vector<16xf32>
      %mul3A_502 = arith.mulf %get3A_499, %mul3A_501 : vector<16xf32>
      %add3A_503 = arith.constant 16 : i32
      %add3A_504 = arith.addi %mul3A_479, %add3A_503 : i32
      %get3A_505 = arith.index_cast %add3A_504 : i32 to index
      %get3A_506 = tpu.vector_load %arg11[%get3A_505] {strides = array<i32>} : memref<12800xf32, #tpu.memory_space<vmem>>, vector<16xf32>,
      %get3A_507 = vector.shape_cast %get3A_506 : vector<16xf32> to vector<16xf32>
      %add3A_508 = arith.addf %mul3A_502, %get3A_507 : vector<16xf32>
      %swap3A_509 = arith.index_cast %scan3A_477 : i32 to index
      %swap3A_510 = arith.constant 16 : index
      %swap3A_511 = tpu.vector_load %arg9[%swap3A_509, %swap3A_510] {strides = array<i32>} : memref<200x64xf32, #tpu.memory_space<vmem>>, vector<1x16xf32>,
      %swap3A_512 = vector.shape_cast %swap3A_511 : vector<1x16xf32> to vector<16xf32>
      %swap3A_513 = vector.shape_cast %add3A_508 : vector<16xf32> to vector<1x16xf32>
      tpu.vector_store %arg9[%swap3A_509, %swap3A_510], %swap3A_513 {strides = array<i32>} : memref<200x64xf32, #tpu.memory_space<vmem>>, vector<1x16xf32>,
      %get3A_514 = arith.index_cast %scan3A_477 : i32 to index
      %get3A_515 = arith.constant 32 : index
      %get3A_516 = tpu.vector_load %arg7[%get3A_514, %get3A_515] {strides = array<i32>} : memref<200x128xf32, #tpu.memory_space<vmem>>, vector<1x16xf32>,
      %get3A_517 = vector.shape_cast %get3A_516 : vector<1x16xf32> to vector<16xf32>
      %mul3A_518 = arith.constant 8.000000e+00 : f32
      %mul3A_519 = vector.broadcast %mul3A_518 : f32 to vector<16xf32>
      %mul3A_520 = arith.mulf %get3A_517, %mul3A_519 : vector<16xf32>
      %add3A_521 = arith.constant 32 : i32
      %add3A_522 = arith.addi %mul3A_479, %add3A_521 : i32
      %get3A_523 = arith.index_cast %add3A_522 : i32 to index
      %get3A_524 = tpu.vector_load %arg11[%get3A_523] {strides = array<i32>} : memref<12800xf32, #tpu.memory_space<vmem>>, vector<16xf32>,
      %get3A_525 = vector.shape_cast %get3A_524 : vector<16xf32> to vector<16xf32>
      %add3A_526 = arith.addf %mul3A_520, %get3A_525 : vector<16xf32>
      %swap3A_527 = arith.index_cast %scan3A_477 : i32 to index
      %swap3A_528 = arith.constant 32 : index
      %swap3A_529 = tpu.vector_load %arg9[%swap3A_527, %swap3A_528] {strides = array<i32>} : memref<200x64xf32, #tpu.memory_space<vmem>>, vector<1x16xf32>,
      %swap3A_530 = vector.shape_cast %swap3A_529 : vector<1x16xf32> to vector<16xf32>
      %swap3A_531 = vector.shape_cast %add3A_526 : vector<16xf32> to vector<1x16xf32>
      tpu.vector_store %arg9[%swap3A_527, %swap3A_528], %swap3A_531 {strides = array<i32>} : memref<200x64xf32, #tpu.memory_space<vmem>>, vector<1x16xf32>,
      %get3A_532 = arith.index_cast %scan3A_477 : i32 to index
      %get3A_533 = arith.constant 48 : index
      %get3A_534 = tpu.vector_load %arg7[%get3A_532, %get3A_533] {strides = array<i32>} : memref<200x128xf32, #tpu.memory_space<vmem>>, vector<1x16xf32>,
      %get3A_535 = vector.shape_cast %get3A_534 : vector<1x16xf32> to vector<16xf32>
      %mul3A_536 = arith.constant 8.000000e+00 : f32
      %mul3A_537 = vector.broadcast %mul3A_536 : f32 to vector<16xf32>
      %mul3A_538 = arith.mulf %get3A_535, %mul3A_537 : vector<16xf32>
      %add3A_539 = arith.constant 48 : i32
      %add3A_540 = arith.addi %mul3A_479, %add3A_539 : i32
      %get3A_541 = arith.index_cast %add3A_540 : i32 to index
      %get3A_542 = tpu.vector_load %arg11[%get3A_541] {strides = array<i32>} : memref<12800xf32, #tpu.memory_space<vmem>>, vector<16xf32>,
      %get3A_543 = vector.shape_cast %get3A_542 : vector<16xf32> to vector<16xf32>
      %add3A_544 = arith.addf %mul3A_538, %get3A_543 : vector<16xf32>
      %swap3A_545 = arith.index_cast %scan3A_477 : i32 to index
      %swap3A_546 = arith.constant 48 : index
      %swap3A_547 = tpu.vector_load %arg9[%swap3A_545, %swap3A_546] {strides = array<i32>} : memref<200x64xf32, #tpu.memory_space<vmem>>, vector<1x16xf32>,
      %swap3A_548 = vector.shape_cast %swap3A_547 : vector<1x16xf32> to vector<16xf32>
      %swap3A_549 = vector.shape_cast %add3A_544 : vector<16xf32> to vector<1x16xf32>
      tpu.vector_store %arg9[%swap3A_545, %swap3A_546], %swap3A_549 {strides = array<i32>} : memref<200x64xf32, #tpu.memory_space<vmem>>, vector<1x16xf32>,
    }
    %scan3A_415 = arith.constant 200 : i32
    %add3A_416 = arith.constant 12400 : i32
    %add3A_417 = arith.addi %add3A_239, %add3A_416 : i32
    %multiple_of3A_418 = tpu.assume_multiple %add3A_417, 200 : i32
    %dma_start3A_419 = arith.constant 0 : i32
    %dma_start3A_420 = tpu.memref_slice %arg5[%multiple_of3A_418, %dma_start3A_419] : memref<819200x64xf32, #tpu.memory_space<hbm>> -> memref<200x64xf32, #tpu.memory_space<hbm>>
    %dma_start3A_421 = arith.constant 0 : i32
    %dma_start3A_422 = tpu.memref_slice %arg5[%multiple_of3A_418, %dma_start3A_421] : memref<819200x64xf32, #tpu.memory_space<hbm>> -> memref<200x64xf32, #tpu.memory_space<hbm>>
    tpu.enqueue_dma source(%arg9 : memref<200x64xf32, #tpu.memory_space<vmem>>) target(%dma_start3A_422 : memref<200x64xf32, #tpu.memory_space<hbm>>) target_semaphore(%arg16 : memref<!tpu.dma_semaphore, #tpu.memory_space<semaphore_mem>>)
    %dma_wait3A_423 = arith.constant 0 : i32
    %dma_wait3A_424 = arith.constant 0 : i32
    %dma_wait3A_425 = tpu.memref_slice %arg8[%dma_wait3A_423, %dma_wait3A_424] : memref<200x128xf32, #tpu.memory_space<vmem>> -> memref<104x128xf32, #tpu.memory_space<vmem>>
    %dma_wait3A_426 = arith.constant 0 : i32
    %dma_wait3A_427 = arith.constant 0 : i32
    %dma_wait3A_428 = tpu.memref_slice %arg3[%dma_wait3A_426, %dma_wait3A_427] : memref<1000000x128xf32, #tpu.memory_space<hbm>> -> memref<104x128xf32, #tpu.memory_space<hbm>>
    %dma_wait3A_429 = arith.constant 0 : i32
    %dma_wait3A_430 = arith.constant 0 : i32
    %dma_wait3A_431 = tpu.memref_slice %arg8[%dma_wait3A_429, %dma_wait3A_430] : memref<200x128xf32, #tpu.memory_space<vmem>> -> memref<104x128xf32, #tpu.memory_space<vmem>>
    %dma_wait3A_432 = arith.constant 0 : i32
    %dma_wait3A_433 = arith.constant 0 : i32
    %dma_wait3A_434 = tpu.memref_slice %arg3[%dma_wait3A_432, %dma_wait3A_433] : memref<1000000x128xf32, #tpu.memory_space<hbm>> -> memref<104x128xf32, #tpu.memory_space<hbm>>
    tpu.wait_dma2 semaphore(%arg13 : memref<!tpu.dma_semaphore, #tpu.memory_space<semaphore_mem>>) src(%dma_wait3A_434 : memref<104x128xf32, #tpu.memory_space<hbm>>) dst(%dma_wait3A_431 : memref<104x128xf32, #tpu.memory_space<vmem>>)
    %dma_wait3A_435 = arith.constant 104 : i32
    %dma_wait3A_436 = arith.constant 0 : i32
    %dma_wait3A_437 = tpu.memref_slice %arg8[%dma_wait3A_435, %dma_wait3A_436] : memref<200x128xf32, #tpu.memory_space<vmem>> -> memref<96x128xf32, #tpu.memory_space<vmem>>
    %dma_wait3A_438 = arith.constant 0 : i32
    %dma_wait3A_439 = arith.constant 0 : i32
    %dma_wait3A_440 = tpu.memref_slice %arg3[%dma_wait3A_438, %dma_wait3A_439] : memref<1000000x128xf32, #tpu.memory_space<hbm>> -> memref<96x128xf32, #tpu.memory_space<hbm>>
    %dma_wait3A_441 = arith.constant 104 : i32
    %dma_wait3A_442 = arith.constant 0 : i32
    %dma_wait3A_443 = tpu.memref_slice %arg8[%dma_wait3A_441, %dma_wait3A_442] : memref<200x128xf32, #tpu.memory_space<vmem>> -> memref<96x128xf32, #tpu.memory_space<vmem>>
    %dma_wait3A_444 = arith.constant 0 : i32
    %dma_wait3A_445 = arith.constant 0 : i32
    %dma_wait3A_446 = tpu.memref_slice %arg3[%dma_wait3A_444, %dma_wait3A_445] : memref<1000000x128xf32, #tpu.memory_space<hbm>> -> memref<96x128xf32, #tpu.memory_space<hbm>>
    tpu.wait_dma2 semaphore(%arg15 : memref<!tpu.dma_semaphore, #tpu.memory_space<semaphore_mem>>) src(%dma_wait3A_446 : memref<96x128xf32, #tpu.memory_space<hbm>>) dst(%dma_wait3A_443 : memref<96x128xf32, #tpu.memory_space<vmem>>)
    %dma_wait3A_447 = arith.constant 0 : i32
    %dma_wait3A_448 = arith.constant 0 : i32
    %dma_wait3A_449 = tpu.memref_slice %arg5[%dma_wait3A_447, %dma_wait3A_448] : memref<819200x64xf32, #tpu.memory_space<hbm>> -> memref<200x64xf32, #tpu.memory_space<hbm>>
    %dma_wait3A_450 = arith.constant 0 : i32
    %dma_wait3A_451 = arith.constant 0 : i32
    %dma_wait3A_452 = tpu.memref_slice %arg5[%dma_wait3A_450, %dma_wait3A_451] : memref<819200x64xf32, #tpu.memory_space<hbm>> -> memref<200x64xf32, #tpu.memory_space<hbm>>
    tpu.wait_dma2 semaphore(%arg17 : memref<!tpu.dma_semaphore, #tpu.memory_space<semaphore_mem>>) src(%arg10 : memref<200x64xf32, #tpu.memory_space<vmem>>) dst(%dma_wait3A_452 : memref<200x64xf32, #tpu.memory_space<hbm>>)
    %scan3A_453 = arith.constant 0 : i32
    %scan3A_454 = arith.constant 200 : i32
    %scan3A_455 = arith.addi %scan3A_453, %scan3A_454 : i32
    %scan3A_456 = arith.constant 1 : i32
    scf.for %scan3A_477 = %scan3A_453 to %scan3A_455 step %scan3A_456  : i32 {
      %mul3A_478 = arith.constant 64 : i32
      %mul3A_479 = arith.muli %scan3A_477, %mul3A_478 : i32
      %get3A = arith.index_cast %scan3A_477 : i32 to index
      %get3A_480 = arith.constant 0 : index
      %get3A_481 = tpu.vector_load %arg8[%get3A, %get3A_480] {strides = array<i32>} : memref<200x128xf32, #tpu.memory_space<vmem>>, vector<1x16xf32>,
      %get3A_482 = vector.shape_cast %get3A_481 : vector<1x16xf32> to vector<16xf32>
      %mul3A_483 = arith.constant 8.000000e+00 : f32
      %mul3A_484 = vector.broadcast %mul3A_483 : f32 to vector<16xf32>
      %mul3A_485 = arith.mulf %get3A_482, %mul3A_484 : vector<16xf32>
      %add3A_486 = arith.constant 0 : i32
      %add3A_487 = arith.addi %mul3A_479, %add3A_486 : i32
      %get3A_488 = arith.index_cast %add3A_487 : i32 to index
      %get3A_489 = tpu.vector_load %arg11[%get3A_488] {strides = array<i32>} : memref<12800xf32, #tpu.memory_space<vmem>>, vector<16xf32>,
      %get3A_490 = vector.shape_cast %get3A_489 : vector<16xf32> to vector<16xf32>
      %add3A_491 = arith.addf %mul3A_485, %get3A_490 : vector<16xf32>
      %swap3A = arith.index_cast %scan3A_477 : i32 to index
      %swap3A_492 = arith.constant 0 : index
      %swap3A_493 = tpu.vector_load %arg10[%swap3A, %swap3A_492] {strides = array<i32>} : memref<200x64xf32, #tpu.memory_space<vmem>>, vector<1x16xf32>,
      %swap3A_494 = vector.shape_cast %swap3A_493 : vector<1x16xf32> to vector<16xf32>
      %swap3A_495 = vector.shape_cast %add3A_491 : vector<16xf32> to vector<1x16xf32>
      tpu.vector_store %arg10[%swap3A, %swap3A_492], %swap3A_495 {strides = array<i32>} : memref<200x64xf32, #tpu.memory_space<vmem>>, vector<1x16xf32>,
      %get3A_496 = arith.index_cast %scan3A_477 : i32 to index
      %get3A_497 = arith.constant 16 : index
      %get3A_498 = tpu.vector_load %arg8[%get3A_496, %get3A_497] {strides = array<i32>} : memref<200x128xf32, #tpu.memory_space<vmem>>, vector<1x16xf32>,
      %get3A_499 = vector.shape_cast %get3A_498 : vector<1x16xf32> to vector<16xf32>
      %mul3A_500 = arith.constant 8.000000e+00 : f32
      %mul3A_501 = vector.broadcast %mul3A_500 : f32 to vector<16xf32>
      %mul3A_502 = arith.mulf %get3A_499, %mul3A_501 : vector<16xf32>
      %add3A_503 = arith.constant 16 : i32
      %add3A_504 = arith.addi %mul3A_479, %add3A_503 : i32
      %get3A_505 = arith.index_cast %add3A_504 : i32 to index
      %get3A_506 = tpu.vector_load %arg11[%get3A_505] {strides = array<i32>} : memref<12800xf32, #tpu.memory_space<vmem>>, vector<16xf32>,
      %get3A_507 = vector.shape_cast %get3A_506 : vector<16xf32> to vector<16xf32>
      %add3A_508 = arith.addf %mul3A_502, %get3A_507 : vector<16xf32>
      %swap3A_509 = arith.index_cast %scan3A_477 : i32 to index
      %swap3A_510 = arith.constant 16 : index
      %swap3A_511 = tpu.vector_load %arg10[%swap3A_509, %swap3A_510] {strides = array<i32>} : memref<200x64xf32, #tpu.memory_space<vmem>>, vector<1x16xf32>,
      %swap3A_512 = vector.shape_cast %swap3A_511 : vector<1x16xf32> to vector<16xf32>
      %swap3A_513 = vector.shape_cast %add3A_508 : vector<16xf32> to vector<1x16xf32>
      tpu.vector_store %arg10[%swap3A_509, %swap3A_510], %swap3A_513 {strides = array<i32>} : memref<200x64xf32, #tpu.memory_space<vmem>>, vector<1x16xf32>,
      %get3A_514 = arith.index_cast %scan3A_477 : i32 to index
      %get3A_515 = arith.constant 32 : index
      %get3A_516 = tpu.vector_load %arg8[%get3A_514, %get3A_515] {strides = array<i32>} : memref<200x128xf32, #tpu.memory_space<vmem>>, vector<1x16xf32>,
      %get3A_517 = vector.shape_cast %get3A_516 : vector<1x16xf32> to vector<16xf32>
      %mul3A_518 = arith.constant 8.000000e+00 : f32
      %mul3A_519 = vector.broadcast %mul3A_518 : f32 to vector<16xf32>
      %mul3A_520 = arith.mulf %get3A_517, %mul3A_519 : vector<16xf32>
      %add3A_521 = arith.constant 32 : i32
      %add3A_522 = arith.addi %mul3A_479, %add3A_521 : i32
      %get3A_523 = arith.index_cast %add3A_522 : i32 to index
      %get3A_524 = tpu.vector_load %arg11[%get3A_523] {strides = array<i32>} : memref<12800xf32, #tpu.memory_space<vmem>>, vector<16xf32>,
      %get3A_525 = vector.shape_cast %get3A_524 : vector<16xf32> to vector<16xf32>
      %add3A_526 = arith.addf %mul3A_520, %get3A_525 : vector<16xf32>
      %swap3A_527 = arith.index_cast %scan3A_477 : i32 to index
      %swap3A_528 = arith.constant 32 : index
      %swap3A_529 = tpu.vector_load %arg10[%swap3A_527, %swap3A_528] {strides = array<i32>} : memref<200x64xf32, #tpu.memory_space<vmem>>, vector<1x16xf32>,
      %swap3A_530 = vector.shape_cast %swap3A_529 : vector<1x16xf32> to vector<16xf32>
      %swap3A_531 = vector.shape_cast %add3A_526 : vector<16xf32> to vector<1x16xf32>
      tpu.vector_store %arg10[%swap3A_527, %swap3A_528], %swap3A_531 {strides = array<i32>} : memref<200x64xf32, #tpu.memory_space<vmem>>, vector<1x16xf32>,
      %get3A_532 = arith.index_cast %scan3A_477 : i32 to index
      %get3A_533 = arith.constant 48 : index
      %get3A_534 = tpu.vector_load %arg8[%get3A_532, %get3A_533] {strides = array<i32>} : memref<200x128xf32, #tpu.memory_space<vmem>>, vector<1x16xf32>,
      %get3A_535 = vector.shape_cast %get3A_534 : vector<1x16xf32> to vector<16xf32>
      %mul3A_536 = arith.constant 8.000000e+00 : f32
      %mul3A_537 = vector.broadcast %mul3A_536 : f32 to vector<16xf32>
      %mul3A_538 = arith.mulf %get3A_535, %mul3A_537 : vector<16xf32>
      %add3A_539 = arith.constant 48 : i32
      %add3A_540 = arith.addi %mul3A_479, %add3A_539 : i32
      %get3A_541 = arith.index_cast %add3A_540 : i32 to index
      %get3A_542 = tpu.vector_load %arg11[%get3A_541] {strides = array<i32>} : memref<12800xf32, #tpu.memory_space<vmem>>, vector<16xf32>,
      %get3A_543 = vector.shape_cast %get3A_542 : vector<16xf32> to vector<16xf32>
      %add3A_544 = arith.addf %mul3A_538, %get3A_543 : vector<16xf32>
      %swap3A_545 = arith.index_cast %scan3A_477 : i32 to index
      %swap3A_546 = arith.constant 48 : index
      %swap3A_547 = tpu.vector_load %arg10[%swap3A_545, %swap3A_546] {strides = array<i32>} : memref<200x64xf32, #tpu.memory_space<vmem>>, vector<1x16xf32>,
      %swap3A_548 = vector.shape_cast %swap3A_547 : vector<1x16xf32> to vector<16xf32>
      %swap3A_549 = vector.shape_cast %add3A_544 : vector<16xf32> to vector<1x16xf32>
      tpu.vector_store %arg10[%swap3A_545, %swap3A_546], %swap3A_549 {strides = array<i32>} : memref<200x64xf32, #tpu.memory_space<vmem>>, vector<1x16xf32>,
    }
    %scan3A_457 = arith.constant 200 : i32
    %add3A_458 = arith.constant 12600 : i32
    %add3A_459 = arith.addi %add3A_239, %add3A_458 : i32
    %multiple_of3A_460 = tpu.assume_multiple %add3A_459, 200 : i32
    %dma_start3A_461 = arith.constant 0 : i32
    %dma_start3A_462 = tpu.memref_slice %arg5[%multiple_of3A_460, %dma_start3A_461] : memref<819200x64xf32, #tpu.memory_space<hbm>> -> memref<200x64xf32, #tpu.memory_space<hbm>>
    %dma_start3A_463 = arith.constant 0 : i32
    %dma_start3A_464 = tpu.memref_slice %arg5[%multiple_of3A_460, %dma_start3A_463] : memref<819200x64xf32, #tpu.memory_space<hbm>> -> memref<200x64xf32, #tpu.memory_space<hbm>>
    tpu.enqueue_dma source(%arg10 : memref<200x64xf32, #tpu.memory_space<vmem>>) target(%dma_start3A_464 : memref<200x64xf32, #tpu.memory_space<hbm>>) target_semaphore(%arg17 : memref<!tpu.dma_semaphore, #tpu.memory_space<semaphore_mem>>)
    %dma_wait3A_465 = arith.constant 0 : i32
    %dma_wait3A_466 = arith.constant 0 : i32
    %dma_wait3A_467 = tpu.memref_slice %arg5[%dma_wait3A_465, %dma_wait3A_466] : memref<819200x64xf32, #tpu.memory_space<hbm>> -> memref<200x64xf32, #tpu.memory_space<hbm>>
    %dma_wait3A_468 = arith.constant 0 : i32
    %dma_wait3A_469 = arith.constant 0 : i32
    %dma_wait3A_470 = tpu.memref_slice %arg5[%dma_wait3A_468, %dma_wait3A_469] : memref<819200x64xf32, #tpu.memory_space<hbm>> -> memref<200x64xf32, #tpu.memory_space<hbm>>
    tpu.wait_dma2 semaphore(%arg16 : memref<!tpu.dma_semaphore, #tpu.memory_space<semaphore_mem>>) src(%arg9 : memref<200x64xf32, #tpu.memory_space<vmem>>) dst(%dma_wait3A_470 : memref<200x64xf32, #tpu.memory_space<hbm>>)
    %dma_wait3A_471 = arith.constant 0 : i32
    %dma_wait3A_472 = arith.constant 0 : i32
    %dma_wait3A_473 = tpu.memref_slice %arg5[%dma_wait3A_471, %dma_wait3A_472] : memref<819200x64xf32, #tpu.memory_space<hbm>> -> memref<200x64xf32, #tpu.memory_space<hbm>>
    %dma_wait3A_474 = arith.constant 0 : i32
    %dma_wait3A_475 = arith.constant 0 : i32
    %dma_wait3A_476 = tpu.memref_slice %arg5[%dma_wait3A_474, %dma_wait3A_475] : memref<819200x64xf32, #tpu.memory_space<hbm>> -> memref<200x64xf32, #tpu.memory_space<hbm>>
    tpu.wait_dma2 semaphore(%arg17 : memref<!tpu.dma_semaphore, #tpu.memory_space<semaphore_mem>>) src(%arg10 : memref<200x64xf32, #tpu.memory_space<vmem>>) dst(%dma_wait3A_476 : memref<200x64xf32, #tpu.memory_space<hbm>>)
    return
  }
}

</mosaic_0001>

<sc_bundles>
// kernel: kernel.3.cloned.1.call-start
scs
__scs_entry_jumppad:
0x0: {  	(pc) =	sbr.rel $0x88, $3  }
0x1: {  	(tag) =	ssettag $0x0;
	lr =	simm.s32 $0x1  }
0x2: {  	[smem:$0x3F9F] =	sst lr;
	_ =	strace $0xD0000000  }
0x3: {  	_ = 	snop  }
0x4: {  	_ = 	snop  }
0x5: {  	_ = 	snop  }
0x6: {  	_ = 	snop  }
0x7: {  	_ = 	snop  }
__scs_overlays_trampoline_lowered:
0x8: {  	[smem:$0x3FAE] =	sst s0  }
0x9: {  	[smem:$0x3FAF] =	sst s1  }
0xa: {  	[smem:$0x3FB0] =	sst s2  }
0xb: {  	[smem:$0x3FB1] =	sst s3  }
0xc: {  	[smem:$0x3FB2] =	sst s4  }
0xd: {  	[smem:$0x3FB3] =	sst s5  }
0xe: {  	[smem:$0x3FB4] =	sst s6  }
0xf: {  	[smem:$0x3FB5] =	sst s7  }
0x10: {  	[smem:$0x3FB6] =	sst s8  }
0x11: {  	[smem:$0x3FB7] =	sst s9;
	s0 =	simm.s32 @!p0 $0x0  }
0x12: {  	s1 =	sld [smem:$0x3F9D];
	s0 =	simm.s32 @p0 $0x1  }
0x13: {  	[smem:$0x3FB8] =	sst s0;
	s0 =	simm.s32 @!p1 $0x0  }
0x14: {  	s2 =	sld [smem:$0x3F9C];
	s0 =	simm.s32 @p1 $0x1  }
0x15: {  	[smem:$0x3FB9] =	sst s0;
	s0 =	simm.s32 @!p2 $0x0  }
0x16: {  	s3 =	sld [smem:$0x3FDB];
	s0 =	simm.s32 @p2 $0x1  }
0x17: {  	s4 =	simm.s32 $0x1BF5;
	[smem:$0x3FBB] =	sst s0  }
0x18: {  	s0 =	sld [smem:$0x3F9E];
	_ =	swait.ge [sflag:s4], $0x0  }
0x19: {  	s7 =	sld [smem:$0x3F9F]  }
0x1a: {  	s8 =	sadd.s32 $0xFFFFE003, lr  }
0x1b: {  	s9 =	sadd.s32 $0xFFFFFEF7, lr;
	s5 =	simm.s32 $0xFFFFFFFF;
	p2 =	slt.u32 s8, $0xFFFFF086  }
0x1c: {  	p1 =	slt.u32 s9, $0xF7A;
	s5 =	simm.s32 @!p2 $0x0  }
0x1d: {  	s5 =	simm.s32 @p1 $0x1;
	p0 =	seq.s32 s7, s2  }
0x1e: {  	s7 =	smul.u32 @!p0 $0xF7A, s2;
	p2 =	seq.s32 @!p0 s5, $0x0  }
0x1f: {  	s9 =	smul.u32 $0xF7A, s1;
	s8 =	simm.s32 @!p0 $0x1BF5;
	p2 =	por !p2, p0  }
0x20: {  	[sflag:s8] =	ssyncset.s32 @!p0 $0xFFFFF086;
	s6 =	sadd.s32 @!p0 s3, s7;
	s7 =	simm.s32 @!p0 $0x108  }
0x21: {  	s3 =	sadd.s32 s3, s9;
	s6 =	sadd.s32 @!p0 $0x88, s6;
	s7 =	simm.s32 @p2 $0x1082  }
0x22: {  	[simem:s7], [sflag:s8] =	dma.local @!p0 [hbm:s6], $0xF7A  }
0x23: {  	s9 =	sor.u32 $0xD0000000, s2;
	s6 =	simm.s32 $0x108;
	_ =	swait.ge @!p0 [sflag:s8], $0x0  }
0x24: {  	s3 =	sadd.s32 $0x88, s3;
	s6 =	simm.s32 @!p1 $0x1082;
	[sflag:s4] =	ssyncset.s32 $0xFFFFF086  }
0x25: {  	[simem:s6], [sflag:s4] =	dma.local [hbm:s3], $0xF7A  }
0x26: {  	[smem:$0x3F9F] =	sst s1;
	(tag) =	ssettag s2;
	_ =	strace s9  }
0x27: {  	s1 =	sld [smem:$0x3FAF]  }
0x28: {  	s2 =	sld [smem:$0x3FB0]  }
0x29: {  	s4 =	sld [smem:$0x3FB2]  }
0x2a: {  	p0 =	seq.s32 s5, $0x0;
	s5 =	sld [smem:$0x3FB3]  }
0x2b: {  	s6 =	sld [smem:$0x3FB4]  }
0x2c: {  	s7 =	sld [smem:$0x3FB5]  }
0x2d: {  	s3 =	simm.s32 $0x108;
	s8 =	sld [smem:$0x3FB6]  }
0x2e: {  	s3 =	simm.s32 @!p0 $0x1082;
	s9 =	sld [smem:$0x3FB7]  }
0x2f: {  	lr =	sadd.s32 s0, s3;
	s0 =	sld [smem:$0x3FAE]  }
0x30: {  	s3 =	sld [smem:$0x3FB1]  }
0x31: {  	[smem:$0x3FBA] =	sst s10  }
0x32: {  	s10 =	sld [smem:$0x3FB8];
	_ =	sdelay $0x3  }
0x33: {  	p0 =	seq.s32 s10, $0x1;
	s10 =	sld [smem:$0x3FBA];
	_ =	sdelay $0x3  }
0x34: {  	[smem:$0x3FBA] =	sst s10  }
0x35: {  	s10 =	sld [smem:$0x3FB9];
	_ =	sdelay $0x3  }
0x36: {  	p1 =	seq.s32 s10, $0x1;
	s10 =	sld [smem:$0x3FBA];
	_ =	sdelay $0x3  }
0x37: {  	[smem:$0x3FBA] =	sst s10  }
0x38: {  	s10 =	sld [smem:$0x3FBB]  }
0x39: {  	_ = 	snop;
	(pc) =	sbr.ind lr, $3  }
0x3a: {  	_ = 	snop  }
0x3b: {  	_ = 	snop  }
0x3c: {  	p2 =	seq.s32 s10, $0x1;
	s10 =	sld [smem:$0x3FBA]  }
0x3d: {  	_ =	shalt  }
0x3e: {  	_ =	shalt  }
0x3f: {  	_ =	shalt  }
0x40: {  	_ =	shalt  }
0x41: {  	_ =	shalt  }
0x42: {  	_ =	shalt  }
0x43: {  	_ =	shalt  }
0x44: {  	_ =	shalt  }
0x45: {  	_ =	shalt  }
0x46: {  	_ =	shalt  }
0x47: {  	_ =	shalt  }
0x48: {  	_ =	shalt  }
0x49: {  	_ =	shalt  }
0x4a: {  	_ =	shalt  }
0x4b: {  	_ =	shalt  }
0x4c: {  	_ =	shalt  }
0x4d: {  	_ =	shalt  }
0x4e: {  	_ =	shalt  }
0x4f: {  	_ =	shalt  }
0x50: {  	_ =	shalt  }
0x51: {  	_ =	shalt  }
0x52: {  	_ =	shalt  }
0x53: {  	_ =	shalt  }
0x54: {  	_ =	shalt  }
0x55: {  	_ =	shalt  }
0x56: {  	_ =	shalt  }
0x57: {  	_ =	shalt  }
0x58: {  	_ =	shalt  }
0x59: {  	_ =	shalt  }
0x5a: {  	_ =	shalt  }
0x5b: {  	_ =	shalt  }
0x5c: {  	_ =	shalt  }
0x5d: {  	_ =	shalt  }
0x5e: {  	_ =	shalt  }
0x5f: {  	_ =	shalt  }
0x60: {  	_ =	shalt  }
0x61: {  	_ =	shalt  }
0x62: {  	_ =	shalt  }
0x63: {  	_ =	shalt  }
0x64: {  	_ =	shalt  }
0x65: {  	_ =	shalt  }
0x66: {  	_ =	shalt  }
0x67: {  	_ =	shalt  }
0x68: {  	_ =	shalt  }
0x69: {  	_ =	shalt  }
0x6a: {  	_ =	shalt  }
0x6b: {  	_ =	shalt  }
0x6c: {  	_ =	shalt  }
0x6d: {  	_ =	shalt  }
0x6e: {  	_ =	shalt  }
0x6f: {  	_ =	shalt  }
0x70: {  	_ =	shalt  }
0x71: {  	_ =	shalt  }
0x72: {  	_ =	shalt  }
0x73: {  	_ =	shalt  }
0x74: {  	_ =	shalt  }
0x75: {  	_ =	shalt  }
0x76: {  	_ =	shalt  }
0x77: {  	_ =	shalt  }
0x78: {  	_ =	shalt  }
0x79: {  	_ =	shalt  }
0x7a: {  	_ =	shalt  }
0x7b: {  	_ =	shalt  }
0x7c: {  	_ =	shalt  }
0x7d: {  	_ =	shalt  }
0x7e: {  	_ =	shalt  }
0x7f: {  	_ =	shalt  }
0x80: {  	_ =	shalt  }
0x81: {  	_ =	shalt  }
0x82: {  	_ =	shalt  }
0x83: {  	_ =	shalt  }
0x84: {  	_ =	shalt  }
0x85: {  	_ =	shalt  }
0x86: {  	_ =	shalt  }
0x87: {  	_ =	shalt  }
.Lfunc_end0:
.L_simem_size_0:
called_computation.1_lowered:
.L_overlay_start_0:
0x88: {  	s2 =	sld [smem:$0x3FD9]  }
0x89: {  	s3 =	sld [smem:$0x3FFE];
	_ =	sdelay $0x1  }
0x8a: {  	s1 =	srdreg.scid  }
0x8b: {  	s0 =	sand.u32 $0x1, s1  }
0x8c: {  	s17 =	sshll.u32 s0, $0xA;
	s2 =	sadd.s32 s3, s2  }
0x8d: {  	s2 =	sadd.s32 s2, s17  }
0x8e: {  	[smem:$0x3FC6] =	sst s2  }
0x8f: {  	_ = 	snop  }
0x90: {  	s2 =	sld [smem:$0x3FD0];
	(tm) =	ssettm $0x1  }
0x91: {  	s18 =	sld [smem:$0x3FFB];
	_ =	sdelay $0x3  }
0x92: {  	_ =	strace s18  }
0x93: {  	s3 =	sld [smem:$0x3FFC];
	_ =	sdelay $0x3  }
0x94: {  	_ =	strace s3  }
0x95: {  	s3 =	sld [smem:$0x3FFD];
	_ =	sdelay $0x3  }
0x96: {  	_ =	strace s3  }
0x97: {  	_ =	strace $0x8FFFFFFF  }
0x98: {  	s19 =	sld [smem:$0x3FDB];
	_ =	sdelay $0x1  }
0x99: {  	s4 =	simm.s32 $_scs_section_size  }
0x9a: {  	s5 =	simm.s32 $_size__tile_overlayer_lowered;
	s6 =	simm.s32 $_tile_overlayer_lowered  }
0x9b: {  	s22 =	simm.s32 $0x1BFF;
	s21 =	sshll.u32 s6, $0x1;
	s3 =	sadd.s32 s4, s19  }
0x9c: {  	s7 =	simm.s32 $0x0;
	s20 =	sshll.u32 s5, $0x1;
	s5 =	sadd.s32 s21, s3  }
0x9d: {  	[timem:s7], [sflag:s22] =	dma.local [hbm:s5], s20  }
0x9e: {  	_ =	swait.ge [sflag:s22], s20  }
0x9f: {  	s4 =	ssub.s32 $0x0, s20;
	[sflag:s22] =	ssyncset.done $0x0  }
0xa0: {  	[sflag:s22] =	ssyncadd.s32 s4;
	_ =	sdelay $0x1  }
0xa1: {  	s23 =	simm.s32 $0x1B8B  }
0xa2: {  	_ =	swait.ge [sflag:s23], $0x1  }
0xa3: {  	[sflag:s23] =	ssyncset.done $0x0  }
0xa4: {  	s25 =	simm.s32 $0x1B8E;
	s24 =	sld [smem:$0x3FFE];
	[sflag:s23] =	ssyncadd.s32 $0xFFFFFFFF  }
0xa5: {  	s26 =	simm.s32 $execute0_lowered;
	[smem:$0x3FD2] =	sst s25  }
0xa6: {  	s5 =	sshll.u32 s26, $0x1;
	_ =	strace $0x80000046;
	[dreg:$0x1] =	wrdreg $0xFFFFFFFF  }
0xa7: {  	s28 =	simm.s32 $_size_execute0_lowered;
	s3 =	sadd.s32 s3, s5;
	[dreg:$0x0] =	wrdreg $0x0  }
0xa8: {  	s5 =	sshll.u32 s28, $0x1;
	[dreg:$0x2] =	wrdreg s3  }
0xa9: {  	[dreg:$0x3] =	wrdreg s5  }
0xaa: {  	[dreg:$0x4] =	wrdreg $0xC0  }
0xab: {  	_ =	task [dreg:s7], $0x5FFFF  }
0xac: {  	[dreg:$0x1] =	wrdreg $0xFFFFFFFF  }
0xad: {  	[dreg:$0x0] =	wrdreg $0x60  }
0xae: {  	[dreg:$0x2] =	wrdreg s2  }
0xaf: {  	[dreg:$0x3] =	wrdreg s24  }
0xb0: {  	[dreg:$0x4] =	wrdreg $0x9  }
0xb1: {  	_ =	task.clear_ibuf [dreg:s7], $0x5FFFF;
	_ =	strace $0x90000046  }
0xb2: {  	s29 =	simm.s32 $0x9;
	_ =	strace $0x80000048  }
0xb3: {  	_ =	swait.ge [sflag:s29], $0x1  }
0xb4: {  	[sflag:s29] =	ssyncadd.s32 $0xFFFFFFFF  }
0xb5: {  	_ =	strace $0x90000048  }
0xb6: {  	_ =	sfence  }
0xb7: {  	s30 =	sld [smem:$0x0];
	_ =	sdelay $0x2  }
0xb8: {  	s31 =	sshll.u32 s1, $0xD;
	s1 =	sshrl.u32 s1, $0x2  }
0xb9: {  	s3 =	sand.u32 $0x4000, s31;
	s1 =	sadd.s32 s1, s30  }
0xba: {  	s0 =	sor.u32 s3, s0;
	s1 =	sshll.u32 s1, $0x11  }
0xbb: {  	s0 =	sor.u32 s1, s0  }
0xbc: {  	s0 =	sadd.s32 $0x8F2B, s0  }
0xbd: {  	[sflag:s0] =	ssyncadd.remote.s32 $0x1  }
0xbe: {  	_ =	sfence.sel $0xFFFF  }
0xbf: {  	[dreg:$0x0] =	wrdreg $0xFFFFFFFF;
	(pc) =	sbr.abs _section_cstart, $3  }
0xc0: {  	[dreg:$0x1] =	wrdreg $0xFFFFFFFF  }
0xc1: {  	_ =	task.clear_ibuf [dreg:s7], $0x2FFFF;
	_ =	strace $0x9FFFFFFF  }
0xc2: {  	(tm) =	ssettm $0x7FFFFFFF  }
0xc3: {  	_ =	shalt  }
tec
execute0_lowered:
.L_overlay_start_1:
0x0: {  	(tag) =	ssettag $0x1  }
0x1: {  	s0 =	rddreg [dreg:$0x0]  }
0x2: {  	s1 =	rddreg [dreg:$0x1];
	s3 =	srdreg.scid  }
0x3: {  	s4 =	stileid.u32;
	s2 =	simm.s32 $0x0;
	s29 =	simm.s32 $0x9600  }
0x4: {  	s31 =	simm.s32 $0xCA00;
	s30 =	simm.s32 $0x4;
	s28 =	simm.s32 $0x6  }
0x5: {  	s5 =	sand.u32 $0x1, s3;
	s15 =	sshll.u32 s4, $0x1;
	[smem:$0x7FF] =	sst s2  }
0x6: {  	s3 =	sadd.s32 $0xF43000, s1;
	s6 =	sadd.s32 $0xC00, s1;
	s7 =	sor.u32 s5, s15  }
0x7: {  	_ =	strace $0x80000047;
	s16 =	ssub.s32 $0x2, s5;
	s4 =	smul.u32 $0x6400, s7  }
0x8: {  	[dreg:$0x3] =	wrdreg s6;
	s5 =	sshrl.u32 s16, $0x1;
	s8 =	smul.u32 $0x64000, s7  }
0x9: {  	s6 =	sadd.s32 $0x1400, s1;
	s15 =	simm.s32 $0x0;
	s1 =	ssub.s32 s16, s5  }
0xa: {  	s7 =	sor.u32 $0xC8, s4;
	s17 =	sshrl.u32 s4, $0x3;
	s9 =	sadd.s32 s6, s8  }
0xb: {  	s13 =	sadd.s32 $0x3200, s4;
	s14 =	sadd.s32 $0x32C8, s4;
	s8 =	simm.s32 $0x2  }
0xc: {  	s10 =	sshll.u32 s7, $0x4;
	s5 =	sadd.s32 s0, s17;
	s19 =	sadd.s32 $0x30700, s9  }
0xd: {  	s20 =	sadd.s32 $0x31380, s9;
	s21 =	sshrl.u32 s13, $0x3;
	[dreg:$0x4] =	wrdreg s5  }
0xe: {  	s22 =	sshll.u32 s13, $0x4;
	s24 =	sshll.u32 s14, $0x4;
	[dreg:$0x6] =	wrdreg s19  }
0xf: {  	s25 =	sadd.s32 $0x62700, s9;
	s26 =	sadd.s32 $0x63380, s9;
	[dreg:$0x7] =	wrdreg s20  }
0x10: {  	s18 =	sadd.s32 s6, s10;
	s0 =	sadd.s32 s0, s21;
	[dreg:$0xb] =	wrdreg s25  }
0x11: {  	s23 =	sadd.s32 s6, s22;
	[dreg:$0xc] =	wrdreg s26;
	s20 =	smax.u32 s1, $0x1  }
0x12: {  	s22 =	simm.s32 $0x7;
	s25 =	simm.s32 $0x60;
	s26 =	simm.s32 $0x6600  }
0x13: {  	s1 =	simm.s32 $0x3;
	s21 =	simm.s32 $0xFA00;
	[dreg:$0x5] =	wrdreg s18  }
0x14: {  	s10 =	simm.s32 $0x15E00;
	s5 =	simm.s32 $0x5;
	[dreg:$0x8] =	wrdreg s0  }
0x15: {  	[dreg:$0x9] =	wrdreg s23;
	s0 =	sadd.s32 s6, s24;
	s23 =	simm.s32 $0x68  }
0x16: {  	s24 =	simm.s32 $0x3200;
	[dreg:$0xa] =	wrdreg s0;
	s0 =	simm.s32 $0x1  }
.LBB2_1:
0x17: {  	s11 =	rddreg [dreg:$0x3];
	s12 =	simm.s32 $0x1C200  }
0x18: {  	[tilespmem:s12], [sflag:$0x7] =	stream.linear.gather [hbm4b:s11+s2], $0x3200, $0x38;
	[tilespmem:$0x1F400] =	vst v63  }
0x19: {  	_ =	swait.ge [sflag:s22], $0x3200  }
0x1a: {  	[sflag:s22] =	ssyncset.done $0x0  }
0x1b: {  	s17 =	rddreg [dreg:$0x4];
	[sflag:s22] =	ssyncadd.s32 $0xFFFFCE00  }
0x1c: {  	[tilespmem:s2], [sflag:$0x7] =	stream.linear.gather [hbm4b:s17+s2], $0x3200, $0x38;
	[tilespmem:$0x1F400] =	vst v63  }
0x1d: {  	_ =	swait.ge [sflag:s22], $0x3200  }
0x1e: {  	[sflag:s22] =	ssyncset.done $0x0  }
0x1f: {  	[sflag:s22] =	ssyncadd.s32 $0xFFFFCE00  }
0x20: {  	[tilespmem:s24], [sflag:$0x1] =	stream.indirect.gather [hbm4b:s3+s23], $0x80, s2, s23, $0xb8;
	[tilespmem:$0x1F400] =	vst v63  }
0x21: {  	_ = 	snop  }
0x22: {  	[tilespmem:s26], [sflag:$0x3] =	stream.indirect.gather [hbm4b:s3+s25], $0x80, s23, s25, $0xb8;
	[tilespmem:$0x1F400] =	vst v63  }
0x23: {  	s18 =	simm.s32 $0xC8  }
0x24: {  	[tilespmem:s29], [sflag:$0x2] =	stream.indirect.gather [hbm4b:s3+s23], $0x80, s18, s23, $0xb8;
	[tilespmem:$0x1F400] =	vst v63  }
0x25: {  	s19 =	simm.s32 $0x130  }
0x26: {  	[tilespmem:s31], [sflag:$0x4] =	stream.indirect.gather [hbm4b:s3+s25], $0x80, s19, s25, $0xb8;
	[tilespmem:$0x1F400] =	vst v63  }
0x27: {  	_ =	swait.ge [sflag:s0], $0x3400  }
0x28: {  	[sflag:s0] =	ssyncset.done $0x0  }
0x29: {  	[sflag:s0] =	ssyncadd.s32 $0xFFFFCC00  }
0x2a: {  	_ =	swait.ge [sflag:s1], $0x3000  }
0x2b: {  	[sflag:s1] =	ssyncset.done $0x0  }
0x2c: {  	s12 =	simm.s32 $0x0;
	[sflag:s1] =	ssyncadd.s32 $0xFFFFD000  }
0x2d: {  	v0 =	vld [tilespmem:s12+$0x3200]  }
0x2e: {  	s11 =	simm.s32 $0x1C220  }
0x2f: {  	v1 =	vld [tilespmem:s11+$0xFFFFFFE0];
	_ =	sdelay $0x2  }
0x30: {  	v0 =	vmul.f32 $8.000000000e+00, v0;
	_ =	sdelay $0x1  }
0x31: {  	v0 =	vadd.f32 v1, v0  }
0x32: {  	v1 =	vld [tilespmem:s12+$0x3210]  }
0x33: {  	[tilespmem:s12+$0xFA00] =	vst v0  }
0x34: {  	v0 =	vld [tilespmem:s11+$0xFFFFFFF0];
	_ =	sdelay $0x2  }
0x35: {  	v1 =	vmul.f32 $8.000000000e+00, v1;
	_ =	sdelay $0x1  }
0x36: {  	v0 =	vadd.f32 v0, v1  }
0x37: {  	v1 =	vld [tilespmem:s12+$0x3220]  }
0x38: {  	[tilespmem:s12+$0xFA10] =	vst v0  }
0x39: {  	v0 =	vld [tilespmem:s11+$0x0];
	_ =	sdelay $0x2  }
0x3a: {  	v1 =	vmul.f32 $8.000000000e+00, v1;
	_ =	sdelay $0x1  }
0x3b: {  	v0 =	vadd.f32 v0, v1  }
0x3c: {  	v1 =	vld [tilespmem:s12+$0x3230]  }
0x3d: {  	[tilespmem:s12+$0xFA20] =	vst v0  }
0x3e: {  	v0 =	vld [tilespmem:s11+$0x10];
	_ =	sdelay $0x2  }
0x3f: {  	v1 =	vmul.f32 $8.000000000e+00, v1;
	_ =	sdelay $0x1  }
0x40: {  	s16 =	simm.s32 $0x400;
	s17 =	simm.s32 $0x80;
	v0 =	vadd.f32 v0, v1  }
.LBB2_2:
0x41: {  	p0 =	sne.s32 s16, $0x18E00;
	v1 =	vld [tilespmem:s17+$0x3200]  }
0x42: {  	s11 =	sadd.s32 $0x40, s11;
	[tilespmem:s12+$0xFA30] =	vst v0;
	s12 =	smov.u32 s17  }
0x43: {  	v0 =	vld [tilespmem:s11+$0xFFFFFFE0];
	_ =	sdelay $0x2  }
0x44: {  	v1 =	vmul.f32 $8.000000000e+00, v1;
	_ =	sdelay $0x1  }
0x45: {  	v0 =	vadd.f32 v0, v1  }
0x46: {  	v1 =	vld [tilespmem:s12+$0x3210]  }
0x47: {  	[tilespmem:s12+$0xFA00] =	vst v0  }
0x48: {  	v0 =	vld [tilespmem:s11+$0xFFFFFFF0];
	_ =	sdelay $0x2  }
0x49: {  	v1 =	vmul.f32 $8.000000000e+00, v1;
	_ =	sdelay $0x1  }
0x4a: {  	v0 =	vadd.f32 v0, v1  }
0x4b: {  	v1 =	vld [tilespmem:s12+$0x3220]  }
0x4c: {  	[tilespmem:s12+$0xFA10] =	vst v0  }
0x4d: {  	v0 =	vld [tilespmem:s11+$0x0];
	_ =	sdelay $0x2  }
0x4e: {  	v1 =	vmul.f32 $8.000000000e+00, v1;
	_ =	sdelay $0x1  }
0x4f: {  	v0 =	vadd.f32 v0, v1  }
0x50: {  	v1 =	vld [tilespmem:s12+$0x3230]  }
0x51: {  	[tilespmem:s12+$0xFA20] =	vst v0  }
0x52: {  	v0 =	vld [tilespmem:s11+$0x10]  }
.Ltmp0:
0x53: {  	(pc) =	sbr.rel @p0 .LBB2_2-.Ltmp0, $3  }
0x54: {  	_ = 	snop  }
0x55: {  	v1 =	vmul.f32 $8.000000000e+00, v1;
	_ =	sdelay $0x1  }
0x56: {  	s17 =	sshra.s32 s16, $0x2;
	s16 =	sadd.s32 $0x200, s16;
	v0 =	vadd.f32 v0, v1  }
0x57: {  	v1 =	vld [tilespmem:s17+$0x3200]  }
0x58: {  	s11 =	sadd.s32 $0x40, s11;
	[tilespmem:s12+$0xFA30] =	vst v0  }
0x59: {  	v0 =	vld [tilespmem:s11+$0xFFFFFFE0];
	_ =	sdelay $0x2  }
0x5a: {  	v1 =	vmul.f32 $8.000000000e+00, v1;
	_ =	sdelay $0x1  }
0x5b: {  	v0 =	vadd.f32 v0, v1  }
0x5c: {  	v1 =	vld [tilespmem:s17+$0x3210]  }
0x5d: {  	[tilespmem:s17+$0xFA00] =	vst v0  }
0x5e: {  	v0 =	vld [tilespmem:s11+$0xFFFFFFF0];
	_ =	sdelay $0x2  }
0x5f: {  	v1 =	vmul.f32 $8.000000000e+00, v1;
	_ =	sdelay $0x1  }
0x60: {  	v0 =	vadd.f32 v0, v1  }
0x61: {  	v1 =	vld [tilespmem:s17+$0x3220]  }
0x62: {  	[tilespmem:s17+$0xFA10] =	vst v0  }
0x63: {  	v0 =	vld [tilespmem:s11+$0x0];
	_ =	sdelay $0x2  }
0x64: {  	v1 =	vmul.f32 $8.000000000e+00, v1;
	_ =	sdelay $0x1  }
0x65: {  	v0 =	vadd.f32 v0, v1  }
0x66: {  	v1 =	vld [tilespmem:s17+$0x3230]  }
0x67: {  	[tilespmem:s17+$0xFA20] =	vst v0  }
0x68: {  	v0 =	vld [tilespmem:s11+$0x10];
	_ =	sdelay $0x2  }
0x69: {  	v1 =	vmul.f32 $8.000000000e+00, v1;
	_ =	sdelay $0x1  }
0x6a: {  	v0 =	vadd.f32 v0, v1;
	_ =	sdelay $0x1  }
0x6b: {  	[tilespmem:s17+$0xFA30] =	vst v0;
	s17 =	simm.s32 $0x0  }
0x6c: {  	[hbm4b:s9+s17] =	stream.linear.scatter [tilespmem:s21], [sflag:$0x5], $0x6400, $0x38;
	[tilespmem:$0x1F400] =	vst v63  }
0x6d: {  	s18 =	simm.s32 $0x190  }
0x6e: {  	[tilespmem:s24], [sflag:$0x1] =	stream.indirect.gather [hbm4b:s3+s23], $0x80, s18, s23, $0xb8;
	[tilespmem:$0x1F400] =	vst v63  }
0x6f: {  	s19 =	simm.s32 $0x1F8  }
0x70: {  	[tilespmem:s26], [sflag:$0x3] =	stream.indirect.gather [hbm4b:s3+s25], $0x80, s19, s25, $0xb8;
	[tilespmem:$0x1F400] =	vst v63  }
0x71: {  	_ =	swait.ge [sflag:s8], $0x3400  }
0x72: {  	[sflag:s8] =	ssyncset.done $0x0  }
0x73: {  	[sflag:s8] =	ssyncadd.s32 $0xFFFFCC00  }
0x74: {  	_ =	swait.ge [sflag:s30], $0x3000  }
0x75: {  	[sflag:s30] =	ssyncset.done $0x0  }
0x76: {  	s12 =	simm.s32 $0x0;
	[sflag:s30] =	ssyncadd.s32 $0xFFFFD000  }
0x77: {  	v0 =	vld [tilespmem:s12+$0x9600]  }
0x78: {  	s11 =	simm.s32 $0x1C220  }
0x79: {  	v1 =	vld [tilespmem:s11+$0xFFFFFFE0];
	_ =	sdelay $0x2  }
0x7a: {  	v0 =	vmul.f32 $8.000000000e+00, v0;
	_ =	sdelay $0x1  }
0x7b: {  	v0 =	vadd.f32 v1, v0  }
0x7c: {  	v1 =	vld [tilespmem:s12+$0x9610]  }
0x7d: {  	[tilespmem:s12+$0x15E00] =	vst v0  }
0x7e: {  	v0 =	vld [tilespmem:s11+$0xFFFFFFF0];
	_ =	sdelay $0x2  }
0x7f: {  	v1 =	vmul.f32 $8.000000000e+00, v1;
	_ =	sdelay $0x1  }
0x80: {  	v0 =	vadd.f32 v0, v1  }
0x81: {  	v1 =	vld [tilespmem:s12+$0x9620]  }
0x82: {  	[tilespmem:s12+$0x15E10] =	vst v0  }
0x83: {  	v0 =	vld [tilespmem:s11+$0x0];
	_ =	sdelay $0x2  }
0x84: {  	v1 =	vmul.f32 $8.000000000e+00, v1;
	_ =	sdelay $0x1  }
0x85: {  	v0 =	vadd.f32 v0, v1  }
0x86: {  	v1 =	vld [tilespmem:s12+$0x9630]  }
0x87: {  	[tilespmem:s12+$0x15E20] =	vst v0  }
0x88: {  	v0 =	vld [tilespmem:s11+$0x10];
	_ =	sdelay $0x2  }
0x89: {  	v1 =	vmul.f32 $8.000000000e+00, v1;
	_ =	sdelay $0x1  }
0x8a: {  	s16 =	simm.s32 $0x400;
	s17 =	simm.s32 $0x80;
	v0 =	vadd.f32 v0, v1  }
.LBB2_4:
0x8b: {  	p0 =	sne.s32 s16, $0x18E00;
	v1 =	vld [tilespmem:s17+$0x9600]  }
0x8c: {  	s11 =	sadd.s32 $0x40, s11;
	[tilespmem:s12+$0x15E30] =	vst v0;
	s12 =	smov.u32 s17  }
0x8d: {  	v0 =	vld [tilespmem:s11+$0xFFFFFFE0];
	_ =	sdelay $0x2  }
0x8e: {  	v1 =	vmul.f32 $8.000000000e+00, v1;
	_ =	sdelay $0x1  }
0x8f: {  	v0 =	vadd.f32 v0, v1  }
0x90: {  	v1 =	vld [tilespmem:s12+$0x9610]  }
0x91: {  	[tilespmem:s12+$0x15E00] =	vst v0  }
0x92: {  	v0 =	vld [tilespmem:s11+$0xFFFFFFF0];
	_ =	sdelay $0x2  }
0x93: {  	v1 =	vmul.f32 $8.000000000e+00, v1;
	_ =	sdelay $0x1  }
0x94: {  	v0 =	vadd.f32 v0, v1  }
0x95: {  	v1 =	vld [tilespmem:s12+$0x9620]  }
0x96: {  	[tilespmem:s12+$0x15E10] =	vst v0  }
0x97: {  	v0 =	vld [tilespmem:s11+$0x0];
	_ =	sdelay $0x2  }
0x98: {  	v1 =	vmul.f32 $8.000000000e+00, v1;
	_ =	sdelay $0x1  }
0x99: {  	v0 =	vadd.f32 v0, v1  }
0x9a: {  	v1 =	vld [tilespmem:s12+$0x9630]  }
0x9b: {  	[tilespmem:s12+$0x15E20] =	vst v0  }
0x9c: {  	v0 =	vld [tilespmem:s11+$0x10]  }
.Ltmp1:
0x9d: {  	(pc) =	sbr.rel @p0 .LBB2_4-.Ltmp1, $3  }
0x9e: {  	_ = 	snop  }
0x9f: {  	v1 =	vmul.f32 $8.000000000e+00, v1;
	_ =	sdelay $0x1  }
0xa0: {  	s17 =	sshra.s32 s16, $0x2;
	s16 =	sadd.s32 $0x200, s16;
	v0 =	vadd.f32 v0, v1  }
0xa1: {  	v1 =	vld [tilespmem:s17+$0x9600]  }
0xa2: {  	s11 =	sadd.s32 $0x40, s11;
	[tilespmem:s12+$0x15E30] =	vst v0  }
0xa3: {  	v0 =	vld [tilespmem:s11+$0xFFFFFFE0];
	_ =	sdelay $0x2  }
0xa4: {  	v1 =	vmul.f32 $8.000000000e+00, v1;
	_ =	sdelay $0x1  }
0xa5: {  	v0 =	vadd.f32 v0, v1  }
0xa6: {  	v61 =	vld [tilespmem:s17+$0x9610]  }
0xa7: {  	[tilespmem:s17+$0x15E00] =	vst v0  }
0xa8: {  	v0 =	vld [tilespmem:s11+$0xFFFFFFF0];
	_ =	sdelay $0x2  }
0xa9: {  	v1 =	vmul.f32 $8.000000000e+00, v61;
	_ =	sdelay $0x1  }
0xaa: {  	v0 =	vadd.f32 v0, v1  }
0xab: {  	v62 =	vld [tilespmem:s17+$0x9620]  }
0xac: {  	[tilespmem:s17+$0x15E10] =	vst v0  }
0xad: {  	v0 =	vld [tilespmem:s11+$0x0];
	_ =	sdelay $0x2  }
0xae: {  	v1 =	vmul.f32 $8.000000000e+00, v62;
	_ =	sdelay $0x1  }
0xaf: {  	v0 =	vadd.f32 v0, v1  }
0xb0: {  	v63 =	vld [tilespmem:s17+$0x9630]  }
0xb1: {  	[tilespmem:s17+$0x15E20] =	vst v0  }
0xb2: {  	v0 =	vld [tilespmem:s11+$0x10];
	_ =	sdelay $0x2  }
0xb3: {  	v1 =	vmul.f32 $8.000000000e+00, v63;
	_ =	sdelay $0x1  }
0xb4: {  	v0 =	vadd.f32 v0, v1;
	_ =	sdelay $0x1  }
0xb5: {  	[tilespmem:s17+$0x15E30] =	vst v0;
	s17 =	rddreg [dreg:$0x5]  }
0xb6: {  	[hbm4b:s17+s2] =	stream.linear.scatter [tilespmem:s10], [sflag:$0x6], $0x6400, $0x38;
	[tilespmem:$0x1F400] =	vst v63  }
0xb7: {  	s18 =	simm.s32 $0x258  }
0xb8: {  	[tilespmem:s29], [sflag:$0x2] =	stream.indirect.gather [hbm4b:s3+s23], $0x80, s18, s23, $0xb8;
	[tilespmem:$0x1F400] =	vst v63  }
0xb9: {  	s19 =	simm.s32 $0x2C0;
	s16 =	simm.s32 $0x1  }
0xba: {  	[tilespmem:s31], [sflag:$0x4] =	stream.indirect.gather [hbm4b:s3+s25], $0x80, s19, s25, $0xb8;
	[tilespmem:$0x1F400] =	vst v63  }
.LBB2_6:
0xbb: {  	_ =	swait.ge [sflag:s0], $0x3400  }
0xbc: {  	[sflag:s0] =	ssyncset.done $0x0  }
0xbd: {  	[sflag:s0] =	ssyncadd.s32 $0xFFFFCC00  }
0xbe: {  	_ =	swait.ge [sflag:s1], $0x3000  }
0xbf: {  	[sflag:s1] =	ssyncset.done $0x0  }
0xc0: {  	[sflag:s1] =	ssyncadd.s32 $0xFFFFD000  }
0xc1: {  	_ =	swait.ge [sflag:s5], $0x6400  }
0xc2: {  	[sflag:s5] =	ssyncset.done $0x0  }
0xc3: {  	s12 =	simm.s32 $0x0;
	[sflag:s5] =	ssyncadd.s32 $0xFFFF9C00  }
0xc4: {  	v0 =	vld [tilespmem:s12+$0x3200]  }
0xc5: {  	s11 =	simm.s32 $0x1C220  }
0xc6: {  	v1 =	vld [tilespmem:s11+$0xFFFFFFE0];
	_ =	sdelay $0x2  }
0xc7: {  	v0 =	vmul.f32 $8.000000000e+00, v0;
	_ =	sdelay $0x1  }
0xc8: {  	v0 =	vadd.f32 v1, v0  }
0xc9: {  	v1 =	vld [tilespmem:s12+$0x3210]  }
0xca: {  	[tilespmem:s12+$0xFA00] =	vst v0  }
0xcb: {  	v0 =	vld [tilespmem:s11+$0xFFFFFFF0];
	_ =	sdelay $0x2  }
0xcc: {  	v1 =	vmul.f32 $8.000000000e+00, v1;
	_ =	sdelay $0x1  }
0xcd: {  	v0 =	vadd.f32 v0, v1  }
0xce: {  	v1 =	vld [tilespmem:s12+$0x3220]  }
0xcf: {  	[tilespmem:s12+$0xFA10] =	vst v0  }
0xd0: {  	v0 =	vld [tilespmem:s11+$0x0];
	_ =	sdelay $0x2  }
0xd1: {  	v1 =	vmul.f32 $8.000000000e+00, v1;
	_ =	sdelay $0x1  }
0xd2: {  	v0 =	vadd.f32 v0, v1  }
0xd3: {  	v1 =	vld [tilespmem:s12+$0x3230]  }
0xd4: {  	[tilespmem:s12+$0xFA20] =	vst v0  }
0xd5: {  	v0 =	vld [tilespmem:s11+$0x10];
	_ =	sdelay $0x2  }
0xd6: {  	v1 =	vmul.f32 $8.000000000e+00, v1;
	_ =	sdelay $0x1  }
0xd7: {  	s18 =	simm.s32 $0x80;
	s17 =	simm.s32 $0x400;
	v0 =	vadd.f32 v0, v1  }
.LBB2_7:
0xd8: {  	p0 =	sne.s32 s17, $0x18E00;
	v1 =	vld [tilespmem:s18+$0x3200]  }
0xd9: {  	s11 =	sadd.s32 $0x40, s11;
	[tilespmem:s12+$0xFA30] =	vst v0;
	s12 =	smov.u32 s18  }
0xda: {  	v0 =	vld [tilespmem:s11+$0xFFFFFFE0];
	_ =	sdelay $0x2  }
0xdb: {  	v1 =	vmul.f32 $8.000000000e+00, v1;
	_ =	sdelay $0x1  }
0xdc: {  	v0 =	vadd.f32 v0, v1  }
0xdd: {  	v1 =	vld [tilespmem:s12+$0x3210]  }
0xde: {  	[tilespmem:s12+$0xFA00] =	vst v0  }
0xdf: {  	v0 =	vld [tilespmem:s11+$0xFFFFFFF0];
	_ =	sdelay $0x2  }
0xe0: {  	v1 =	vmul.f32 $8.000000000e+00, v1;
	_ =	sdelay $0x1  }
0xe1: {  	v0 =	vadd.f32 v0, v1  }
0xe2: {  	v1 =	vld [tilespmem:s12+$0x3220]  }
0xe3: {  	[tilespmem:s12+$0xFA10] =	vst v0  }
0xe4: {  	v0 =	vld [tilespmem:s11+$0x0];
	_ =	sdelay $0x2  }
0xe5: {  	v1 =	vmul.f32 $8.000000000e+00, v1;
	_ =	sdelay $0x1  }
0xe6: {  	v0 =	vadd.f32 v0, v1  }
0xe7: {  	v1 =	vld [tilespmem:s12+$0x3230]  }
0xe8: {  	[tilespmem:s12+$0xFA20] =	vst v0  }
0xe9: {  	v0 =	vld [tilespmem:s11+$0x10]  }
.Ltmp2:
0xea: {  	(pc) =	sbr.rel @p0 .LBB2_7-.Ltmp2, $3  }
0xeb: {  	_ = 	snop  }
0xec: {  	v1 =	vmul.f32 $8.000000000e+00, v1;
	_ =	sdelay $0x1  }
0xed: {  	s18 =	sshra.s32 s17, $0x2;
	s17 =	sadd.s32 $0x200, s17;
	v0 =	vadd.f32 v0, v1  }
0xee: {  	v1 =	vld [tilespmem:s18+$0x3200]  }
0xef: {  	s11 =	sadd.s32 $0x40, s11;
	[tilespmem:s12+$0xFA30] =	vst v0  }
0xf0: {  	v0 =	vld [tilespmem:s11+$0xFFFFFFE0];
	_ =	sdelay $0x2  }
0xf1: {  	v1 =	vmul.f32 $8.000000000e+00, v1;
	_ =	sdelay $0x1  }
0xf2: {  	v0 =	vadd.f32 v0, v1  }
0xf3: {  	v1 =	vld [tilespmem:s18+$0x3210]  }
0xf4: {  	[tilespmem:s18+$0xFA00] =	vst v0  }
0xf5: {  	v0 =	vld [tilespmem:s11+$0xFFFFFFF0];
	_ =	sdelay $0x2  }
0xf6: {  	v1 =	vmul.f32 $8.000000000e+00, v1;
	_ =	sdelay $0x1  }
0xf7: {  	v0 =	vadd.f32 v0, v1  }
0xf8: {  	v1 =	vld [tilespmem:s18+$0x3220]  }
0xf9: {  	[tilespmem:s18+$0xFA10] =	vst v0  }
0xfa: {  	v0 =	vld [tilespmem:s11+$0x0];
	_ =	sdelay $0x2  }
0xfb: {  	v1 =	vmul.f32 $8.000000000e+00, v1;
	_ =	sdelay $0x1  }
0xfc: {  	v0 =	vadd.f32 v0, v1  }
0xfd: {  	v1 =	vld [tilespmem:s18+$0x3230]  }
0xfe: {  	[tilespmem:s18+$0xFA20] =	vst v0  }
0xff: {  	v0 =	vld [tilespmem:s11+$0x10];
	_ =	sdelay $0x2  }
0x100: {  	s11 =	smul.u32 $0x190, s16;
	v1 =	vmul.f32 $8.000000000e+00, v1;
	_ =	sdelay $0x1  }
0x101: {  	s17 =	sadd.s32 s4, s11;
	v0 =	vadd.f32 v0, v1  }
0x102: {  	s12 =	sshll.u32 s17, $0x4  }
0x103: {  	s17 =	simm.s32 $0x0;
	s12 =	sadd.s32 s6, s12;
	[tilespmem:s18+$0xFA30] =	vst v0  }
0x104: {  	[hbm4b:s12+s17] =	stream.linear.scatter [tilespmem:s21], [sflag:$0x5], $0x6400, $0x38;
	[tilespmem:$0x1F400] =	vst v63  }
0x105: {  	s18 =	sadd.s32 $0x190, s11  }
0x106: {  	[tilespmem:s24], [sflag:$0x1] =	stream.indirect.gather [hbm4b:s3+s23], $0x80, s18, s23, $0xb8;
	[tilespmem:$0x1F400] =	vst v63  }
0x107: {  	s19 =	sadd.s32 $0x1F8, s11  }
0x108: {  	[tilespmem:s26], [sflag:$0x3] =	stream.indirect.gather [hbm4b:s3+s25], $0x80, s19, s25, $0xb8;
	[tilespmem:$0x1F400] =	vst v63  }
0x109: {  	_ =	swait.ge [sflag:s8], $0x3400  }
0x10a: {  	[sflag:s8] =	ssyncset.done $0x0  }
0x10b: {  	[sflag:s8] =	ssyncadd.s32 $0xFFFFCC00  }
0x10c: {  	_ =	swait.ge [sflag:s30], $0x3000  }
0x10d: {  	[sflag:s30] =	ssyncset.done $0x0  }
0x10e: {  	[sflag:s30] =	ssyncadd.s32 $0xFFFFD000  }
0x10f: {  	_ =	swait.ge [sflag:s28], $0x6400  }
0x110: {  	[sflag:s28] =	ssyncset.done $0x0  }
0x111: {  	s17 =	simm.s32 $0x0;
	[sflag:s28] =	ssyncadd.s32 $0xFFFF9C00  }
0x112: {  	v0 =	vld [tilespmem:s17+$0x9600]  }
0x113: {  	s12 =	simm.s32 $0x1C220  }
0x114: {  	v1 =	vld [tilespmem:s12+$0xFFFFFFE0];
	_ =	sdelay $0x2  }
0x115: {  	v0 =	vmul.f32 $8.000000000e+00, v0;
	_ =	sdelay $0x1  }
0x116: {  	v0 =	vadd.f32 v1, v0  }
0x117: {  	v1 =	vld [tilespmem:s17+$0x9610]  }
0x118: {  	[tilespmem:s17+$0x15E00] =	vst v0  }
0x119: {  	v0 =	vld [tilespmem:s12+$0xFFFFFFF0];
	_ =	sdelay $0x2  }
0x11a: {  	v1 =	vmul.f32 $8.000000000e+00, v1;
	_ =	sdelay $0x1  }
0x11b: {  	v0 =	vadd.f32 v0, v1  }
0x11c: {  	v1 =	vld [tilespmem:s17+$0x9620]  }
0x11d: {  	[tilespmem:s17+$0x15E10] =	vst v0  }
0x11e: {  	v0 =	vld [tilespmem:s12+$0x0];
	_ =	sdelay $0x2  }
0x11f: {  	v1 =	vmul.f32 $8.000000000e+00, v1;
	_ =	sdelay $0x1  }
0x120: {  	v0 =	vadd.f32 v0, v1  }
0x121: {  	v1 =	vld [tilespmem:s17+$0x9630]  }
0x122: {  	[tilespmem:s17+$0x15E20] =	vst v0  }
0x123: {  	v0 =	vld [tilespmem:s12+$0x10];
	_ =	sdelay $0x2  }
0x124: {  	v1 =	vmul.f32 $8.000000000e+00, v1;
	_ =	sdelay $0x1  }
0x125: {  	s18 =	simm.s32 $0x400;
	s19 =	simm.s32 $0x80;
	v0 =	vadd.f32 v0, v1  }
.LBB2_9:
0x126: {  	p0 =	sne.s32 s18, $0x18E00;
	v1 =	vld [tilespmem:s19+$0x9600]  }
0x127: {  	s12 =	sadd.s32 $0x40, s12;
	[tilespmem:s17+$0x15E30] =	vst v0;
	s17 =	smov.u32 s19  }
0x128: {  	v0 =	vld [tilespmem:s12+$0xFFFFFFE0];
	_ =	sdelay $0x2  }
0x129: {  	v1 =	vmul.f32 $8.000000000e+00, v1;
	_ =	sdelay $0x1  }
0x12a: {  	v0 =	vadd.f32 v0, v1  }
0x12b: {  	v1 =	vld [tilespmem:s17+$0x9610]  }
0x12c: {  	[tilespmem:s17+$0x15E00] =	vst v0  }
0x12d: {  	v0 =	vld [tilespmem:s12+$0xFFFFFFF0];
	_ =	sdelay $0x2  }
0x12e: {  	v1 =	vmul.f32 $8.000000000e+00, v1;
	_ =	sdelay $0x1  }
0x12f: {  	v0 =	vadd.f32 v0, v1  }
0x130: {  	v1 =	vld [tilespmem:s17+$0x9620]  }
0x131: {  	[tilespmem:s17+$0x15E10] =	vst v0  }
0x132: {  	v0 =	vld [tilespmem:s12+$0x0];
	_ =	sdelay $0x2  }
0x133: {  	v1 =	vmul.f32 $8.000000000e+00, v1;
	_ =	sdelay $0x1  }
0x134: {  	v0 =	vadd.f32 v0, v1  }
0x135: {  	v1 =	vld [tilespmem:s17+$0x9630]  }
0x136: {  	[tilespmem:s17+$0x15E20] =	vst v0  }
0x137: {  	v0 =	vld [tilespmem:s12+$0x10]  }
.Ltmp3:
0x138: {  	(pc) =	sbr.rel @p0 .LBB2_9-.Ltmp3, $3  }
0x139: {  	_ = 	snop  }
0x13a: {  	v1 =	vmul.f32 $8.000000000e+00, v1;
	_ =	sdelay $0x1  }
0x13b: {  	s19 =	sshra.s32 s18, $0x2;
	s18 =	sadd.s32 $0x200, s18;
	v0 =	vadd.f32 v0, v1  }
0x13c: {  	v1 =	vld [tilespmem:s19+$0x9600]  }
0x13d: {  	s12 =	sadd.s32 $0x40, s12;
	[tilespmem:s17+$0x15E30] =	vst v0  }
0x13e: {  	v0 =	vld [tilespmem:s12+$0xFFFFFFE0];
	_ =	sdelay $0x2  }
0x13f: {  	v1 =	vmul.f32 $8.000000000e+00, v1;
	_ =	sdelay $0x1  }
0x140: {  	v0 =	vadd.f32 v0, v1  }
0x141: {  	v61 =	vld [tilespmem:s19+$0x9610]  }
0x142: {  	[tilespmem:s19+$0x15E00] =	vst v0  }
0x143: {  	v0 =	vld [tilespmem:s12+$0xFFFFFFF0];
	_ =	sdelay $0x2  }
0x144: {  	v1 =	vmul.f32 $8.000000000e+00, v61;
	_ =	sdelay $0x1  }
0x145: {  	v0 =	vadd.f32 v0, v1  }
0x146: {  	v62 =	vld [tilespmem:s19+$0x9620]  }
0x147: {  	[tilespmem:s19+$0x15E10] =	vst v0  }
0x148: {  	v0 =	vld [tilespmem:s12+$0x0];
	_ =	sdelay $0x2  }
0x149: {  	v1 =	vmul.f32 $8.000000000e+00, v62;
	_ =	sdelay $0x1  }
0x14a: {  	v0 =	vadd.f32 v0, v1  }
0x14b: {  	v63 =	vld [tilespmem:s19+$0x9630]  }
0x14c: {  	[tilespmem:s19+$0x15E20] =	vst v0  }
0x14d: {  	v0 =	vld [tilespmem:s12+$0x10];
	_ =	sdelay $0x2  }
0x14e: {  	v1 =	vmul.f32 $8.000000000e+00, v63;
	_ =	sdelay $0x1  }
0x14f: {  	s17 =	sadd.s32 s11, s7;
	v0 =	vadd.f32 v0, v1  }
0x150: {  	s16 =	sadd.s32 $0x1, s16;
	s12 =	sshll.u32 s17, $0x4  }
0x151: {  	p0 =	sne.s32 s16, $0x1F;
	s12 =	sadd.s32 s6, s12;
	[tilespmem:s19+$0x15E30] =	vst v0  }
0x152: {  	[hbm4b:s12+s2] =	stream.linear.scatter [tilespmem:s10], [sflag:$0x6], $0x6400, $0x38;
	[tilespmem:$0x1F400] =	vst v63  }
.Ltmp4:
0x153: {  	_ = 	snop;
	(pc) =	sbr.rel @p0 .LBB2_6-.Ltmp4, $4  }
0x154: {  	s18 =	sadd.s32 $0x258, s11  }
0x155: {  	[tilespmem:s29], [sflag:$0x2] =	stream.indirect.gather [hbm4b:s3+s23], $0x80, s18, s23, $0xb8;
	[tilespmem:$0x1F400] =	vst v63  }
0x156: {  	s19 =	sadd.s32 $0x2C0, s11  }
0x157: {  	[tilespmem:s31], [sflag:$0x4] =	stream.indirect.gather [hbm4b:s3+s25], $0x80, s19, s25, $0xb8;
	[tilespmem:$0x1F400] =	vst v63  }
0x158: {  	_ =	swait.ge [sflag:s0], $0x3400  }
0x159: {  	[sflag:s0] =	ssyncset.done $0x0  }
0x15a: {  	[sflag:s0] =	ssyncadd.s32 $0xFFFFCC00  }
0x15b: {  	_ =	swait.ge [sflag:s1], $0x3000  }
0x15c: {  	[sflag:s1] =	ssyncset.done $0x0  }
0x15d: {  	[sflag:s1] =	ssyncadd.s32 $0xFFFFD000  }
0x15e: {  	_ =	swait.ge [sflag:s5], $0x6400  }
0x15f: {  	[sflag:s5] =	ssyncset.done $0x0  }
0x160: {  	s12 =	simm.s32 $0x0;
	[sflag:s5] =	ssyncadd.s32 $0xFFFF9C00  }
0x161: {  	v0 =	vld [tilespmem:s12+$0x3200]  }
0x162: {  	s11 =	simm.s32 $0x1C220  }
0x163: {  	v1 =	vld [tilespmem:s11+$0xFFFFFFE0];
	_ =	sdelay $0x2  }
0x164: {  	v0 =	vmul.f32 $8.000000000e+00, v0;
	_ =	sdelay $0x1  }
0x165: {  	v0 =	vadd.f32 v1, v0  }
0x166: {  	v1 =	vld [tilespmem:s12+$0x3210]  }
0x167: {  	[tilespmem:s12+$0xFA00] =	vst v0  }
0x168: {  	v0 =	vld [tilespmem:s11+$0xFFFFFFF0];
	_ =	sdelay $0x2  }
0x169: {  	v1 =	vmul.f32 $8.000000000e+00, v1;
	_ =	sdelay $0x1  }
0x16a: {  	v0 =	vadd.f32 v0, v1  }
0x16b: {  	v1 =	vld [tilespmem:s12+$0x3220]  }
0x16c: {  	[tilespmem:s12+$0xFA10] =	vst v0  }
0x16d: {  	v0 =	vld [tilespmem:s11+$0x0];
	_ =	sdelay $0x2  }
0x16e: {  	v1 =	vmul.f32 $8.000000000e+00, v1;
	_ =	sdelay $0x1  }
0x16f: {  	v0 =	vadd.f32 v0, v1  }
0x170: {  	v1 =	vld [tilespmem:s12+$0x3230]  }
0x171: {  	[tilespmem:s12+$0xFA20] =	vst v0  }
0x172: {  	v0 =	vld [tilespmem:s11+$0x10];
	_ =	sdelay $0x2  }
0x173: {  	v1 =	vmul.f32 $8.000000000e+00, v1;
	_ =	sdelay $0x1  }
0x174: {  	s17 =	simm.s32 $0x80;
	s16 =	simm.s32 $0x400;
	v0 =	vadd.f32 v0, v1  }
.LBB2_12:
0x175: {  	p0 =	sne.s32 s16, $0x18E00;
	v1 =	vld [tilespmem:s17+$0x3200]  }
0x176: {  	s11 =	sadd.s32 $0x40, s11;
	[tilespmem:s12+$0xFA30] =	vst v0;
	s12 =	smov.u32 s17  }
0x177: {  	v0 =	vld [tilespmem:s11+$0xFFFFFFE0];
	_ =	sdelay $0x2  }
0x178: {  	v1 =	vmul.f32 $8.000000000e+00, v1;
	_ =	sdelay $0x1  }
0x179: {  	v0 =	vadd.f32 v0, v1  }
0x17a: {  	v1 =	vld [tilespmem:s12+$0x3210]  }
0x17b: {  	[tilespmem:s12+$0xFA00] =	vst v0  }
0x17c: {  	v0 =	vld [tilespmem:s11+$0xFFFFFFF0];
	_ =	sdelay $0x2  }
0x17d: {  	v1 =	vmul.f32 $8.000000000e+00, v1;
	_ =	sdelay $0x1  }
0x17e: {  	v0 =	vadd.f32 v0, v1  }
0x17f: {  	v1 =	vld [tilespmem:s12+$0x3220]  }
0x180: {  	[tilespmem:s12+$0xFA10] =	vst v0  }
0x181: {  	v0 =	vld [tilespmem:s11+$0x0];
	_ =	sdelay $0x2  }
0x182: {  	v1 =	vmul.f32 $8.000000000e+00, v1;
	_ =	sdelay $0x1  }
0x183: {  	v0 =	vadd.f32 v0, v1  }
0x184: {  	v1 =	vld [tilespmem:s12+$0x3230]  }
0x185: {  	[tilespmem:s12+$0xFA20] =	vst v0  }
0x186: {  	v0 =	vld [tilespmem:s11+$0x10]  }
.Ltmp5:
0x187: {  	(pc) =	sbr.rel @p0 .LBB2_12-.Ltmp5, $3  }
0x188: {  	_ = 	snop  }
0x189: {  	v1 =	vmul.f32 $8.000000000e+00, v1;
	_ =	sdelay $0x1  }
0x18a: {  	s17 =	sshra.s32 s16, $0x2;
	s16 =	sadd.s32 $0x200, s16;
	v0 =	vadd.f32 v0, v1  }
0x18b: {  	v1 =	vld [tilespmem:s17+$0x3200]  }
0x18c: {  	s11 =	sadd.s32 $0x40, s11;
	[tilespmem:s12+$0xFA30] =	vst v0  }
0x18d: {  	v0 =	vld [tilespmem:s11+$0xFFFFFFE0];
	_ =	sdelay $0x2  }
0x18e: {  	v1 =	vmul.f32 $8.000000000e+00, v1;
	_ =	sdelay $0x1  }
0x18f: {  	v0 =	vadd.f32 v0, v1  }
0x190: {  	v1 =	vld [tilespmem:s17+$0x3210]  }
0x191: {  	[tilespmem:s17+$0xFA00] =	vst v0  }
0x192: {  	v0 =	vld [tilespmem:s11+$0xFFFFFFF0];
	_ =	sdelay $0x2  }
0x193: {  	v1 =	vmul.f32 $8.000000000e+00, v1;
	_ =	sdelay $0x1  }
0x194: {  	v0 =	vadd.f32 v0, v1  }
0x195: {  	v1 =	vld [tilespmem:s17+$0x3220]  }
0x196: {  	[tilespmem:s17+$0xFA10] =	vst v0  }
0x197: {  	v0 =	vld [tilespmem:s11+$0x0];
	_ =	sdelay $0x2  }
0x198: {  	v1 =	vmul.f32 $8.000000000e+00, v1;
	_ =	sdelay $0x1  }
0x199: {  	v0 =	vadd.f32 v0, v1  }
0x19a: {  	v1 =	vld [tilespmem:s17+$0x3230]  }
0x19b: {  	[tilespmem:s17+$0xFA20] =	vst v0  }
0x19c: {  	v0 =	vld [tilespmem:s11+$0x10];
	_ =	sdelay $0x2  }
0x19d: {  	v1 =	vmul.f32 $8.000000000e+00, v1;
	_ =	sdelay $0x1  }
0x19e: {  	v0 =	vadd.f32 v0, v1;
	_ =	sdelay $0x1  }
0x19f: {  	s18 =	simm.s32 $0x0;
	s19 =	rddreg [dreg:$0x6];
	[tilespmem:s17+$0xFA30] =	vst v0  }
0x1a0: {  	[hbm4b:s19+s18] =	stream.linear.scatter [tilespmem:s21], [sflag:$0x5], $0x6400, $0x38;
	[tilespmem:$0x1F400] =	vst v63  }
0x1a1: {  	_ =	swait.ge [sflag:s8], $0x3400  }
0x1a2: {  	[sflag:s8] =	ssyncset.done $0x0  }
0x1a3: {  	[sflag:s8] =	ssyncadd.s32 $0xFFFFCC00  }
0x1a4: {  	_ =	swait.ge [sflag:s30], $0x3000  }
0x1a5: {  	[sflag:s30] =	ssyncset.done $0x0  }
0x1a6: {  	[sflag:s30] =	ssyncadd.s32 $0xFFFFD000  }
0x1a7: {  	_ =	swait.ge [sflag:s28], $0x6400  }
0x1a8: {  	[sflag:s28] =	ssyncset.done $0x0  }
0x1a9: {  	s12 =	simm.s32 $0x0;
	[sflag:s28] =	ssyncadd.s32 $0xFFFF9C00  }
0x1aa: {  	v0 =	vld [tilespmem:s12+$0x9600]  }
0x1ab: {  	s11 =	simm.s32 $0x1C220  }
0x1ac: {  	v1 =	vld [tilespmem:s11+$0xFFFFFFE0];
	_ =	sdelay $0x2  }
0x1ad: {  	v0 =	vmul.f32 $8.000000000e+00, v0;
	_ =	sdelay $0x1  }
0x1ae: {  	v0 =	vadd.f32 v1, v0  }
0x1af: {  	v1 =	vld [tilespmem:s12+$0x9610]  }
0x1b0: {  	[tilespmem:s12+$0x15E00] =	vst v0  }
0x1b1: {  	v0 =	vld [tilespmem:s11+$0xFFFFFFF0];
	_ =	sdelay $0x2  }
0x1b2: {  	v1 =	vmul.f32 $8.000000000e+00, v1;
	_ =	sdelay $0x1  }
0x1b3: {  	v0 =	vadd.f32 v0, v1  }
0x1b4: {  	v1 =	vld [tilespmem:s12+$0x9620]  }
0x1b5: {  	[tilespmem:s12+$0x15E10] =	vst v0  }
0x1b6: {  	v0 =	vld [tilespmem:s11+$0x0];
	_ =	sdelay $0x2  }
0x1b7: {  	v1 =	vmul.f32 $8.000000000e+00, v1;
	_ =	sdelay $0x1  }
0x1b8: {  	v0 =	vadd.f32 v0, v1  }
0x1b9: {  	v1 =	vld [tilespmem:s12+$0x9630]  }
0x1ba: {  	[tilespmem:s12+$0x15E20] =	vst v0  }
0x1bb: {  	v0 =	vld [tilespmem:s11+$0x10];
	_ =	sdelay $0x2  }
0x1bc: {  	v1 =	vmul.f32 $8.000000000e+00, v1;
	_ =	sdelay $0x1  }
0x1bd: {  	s16 =	simm.s32 $0x400;
	s17 =	simm.s32 $0x80;
	v0 =	vadd.f32 v0, v1  }
.LBB2_14:
0x1be: {  	p0 =	sne.s32 s16, $0x18E00;
	v1 =	vld [tilespmem:s17+$0x9600]  }
0x1bf: {  	s11 =	sadd.s32 $0x40, s11;
	[tilespmem:s12+$0x15E30] =	vst v0;
	s12 =	smov.u32 s17  }
0x1c0: {  	v0 =	vld [tilespmem:s11+$0xFFFFFFE0];
	_ =	sdelay $0x2  }
0x1c1: {  	v1 =	vmul.f32 $8.000000000e+00, v1;
	_ =	sdelay $0x1  }
0x1c2: {  	v0 =	vadd.f32 v0, v1  }
0x1c3: {  	v1 =	vld [tilespmem:s12+$0x9610]  }
0x1c4: {  	[tilespmem:s12+$0x15E00] =	vst v0  }
0x1c5: {  	v0 =	vld [tilespmem:s11+$0xFFFFFFF0];
	_ =	sdelay $0x2  }
0x1c6: {  	v1 =	vmul.f32 $8.000000000e+00, v1;
	_ =	sdelay $0x1  }
0x1c7: {  	v0 =	vadd.f32 v0, v1  }
0x1c8: {  	v1 =	vld [tilespmem:s12+$0x9620]  }
0x1c9: {  	[tilespmem:s12+$0x15E10] =	vst v0  }
0x1ca: {  	v0 =	vld [tilespmem:s11+$0x0];
	_ =	sdelay $0x2  }
0x1cb: {  	v1 =	vmul.f32 $8.000000000e+00, v1;
	_ =	sdelay $0x1  }
0x1cc: {  	v0 =	vadd.f32 v0, v1  }
0x1cd: {  	v1 =	vld [tilespmem:s12+$0x9630]  }
0x1ce: {  	[tilespmem:s12+$0x15E20] =	vst v0  }
0x1cf: {  	v0 =	vld [tilespmem:s11+$0x10]  }
.Ltmp6:
0x1d0: {  	(pc) =	sbr.rel @p0 .LBB2_14-.Ltmp6, $3  }
0x1d1: {  	_ = 	snop  }
0x1d2: {  	v1 =	vmul.f32 $8.000000000e+00, v1;
	_ =	sdelay $0x1  }
0x1d3: {  	s17 =	sshra.s32 s16, $0x2;
	s16 =	sadd.s32 $0x200, s16;
	v0 =	vadd.f32 v0, v1  }
0x1d4: {  	v1 =	vld [tilespmem:s17+$0x9600]  }
0x1d5: {  	s11 =	sadd.s32 $0x40, s11;
	[tilespmem:s12+$0x15E30] =	vst v0  }
0x1d6: {  	v0 =	vld [tilespmem:s11+$0xFFFFFFE0];
	_ =	sdelay $0x2  }
0x1d7: {  	v1 =	vmul.f32 $8.000000000e+00, v1;
	_ =	sdelay $0x1  }
0x1d8: {  	v0 =	vadd.f32 v0, v1  }
0x1d9: {  	v1 =	vld [tilespmem:s17+$0x9610]  }
0x1da: {  	[tilespmem:s17+$0x15E00] =	vst v0  }
0x1db: {  	v0 =	vld [tilespmem:s11+$0xFFFFFFF0];
	_ =	sdelay $0x2  }
0x1dc: {  	v1 =	vmul.f32 $8.000000000e+00, v1;
	_ =	sdelay $0x1  }
0x1dd: {  	v0 =	vadd.f32 v0, v1  }
0x1de: {  	v1 =	vld [tilespmem:s17+$0x9620]  }
0x1df: {  	[tilespmem:s17+$0x15E10] =	vst v0  }
0x1e0: {  	v0 =	vld [tilespmem:s11+$0x0];
	_ =	sdelay $0x2  }
0x1e1: {  	v1 =	vmul.f32 $8.000000000e+00, v1;
	_ =	sdelay $0x1  }
0x1e2: {  	v0 =	vadd.f32 v0, v1  }
0x1e3: {  	v1 =	vld [tilespmem:s17+$0x9630]  }
0x1e4: {  	[tilespmem:s17+$0x15E20] =	vst v0  }
0x1e5: {  	v0 =	vld [tilespmem:s11+$0x10];
	_ =	sdelay $0x2  }
0x1e6: {  	v1 =	vmul.f32 $8.000000000e+00, v1;
	_ =	sdelay $0x1  }
0x1e7: {  	v0 =	vadd.f32 v0, v1;
	_ =	sdelay $0x1  }
0x1e8: {  	s19 =	simm.s32 $0x0;
	s16 =	rddreg [dreg:$0x7];
	[tilespmem:s17+$0x15E30] =	vst v0  }
0x1e9: {  	[hbm4b:s16+s19] =	stream.linear.scatter [tilespmem:s10], [sflag:$0x6], $0x6400, $0x38;
	[tilespmem:$0x1F400] =	vst v63  }
0x1ea: {  	_ =	swait.ge [sflag:s5], $0x6400  }
0x1eb: {  	[sflag:s5] =	ssyncset.done $0x0  }
0x1ec: {  	[sflag:s5] =	ssyncadd.s32 $0xFFFF9C00  }
0x1ed: {  	_ =	swait.ge [sflag:s28], $0x6400  }
0x1ee: {  	[sflag:s28] =	ssyncset.done $0x0  }
0x1ef: {  	s17 =	rddreg [dreg:$0x8];
	[sflag:s28] =	ssyncadd.s32 $0xFFFF9C00  }
0x1f0: {  	[tilespmem:s19], [sflag:$0x7] =	stream.linear.gather [hbm4b:s17+s19], $0x3200, $0x38;
	[tilespmem:$0x1F400] =	vst v63  }
0x1f1: {  	_ =	swait.ge [sflag:s22], $0x3200  }
0x1f2: {  	[sflag:s22] =	ssyncset.done $0x0  }
0x1f3: {  	[sflag:s22] =	ssyncadd.s32 $0xFFFFCE00  }
0x1f4: {  	[tilespmem:s24], [sflag:$0x1] =	stream.indirect.gather [hbm4b:s3+s23], $0x80, s19, s23, $0xb8;
	[tilespmem:$0x1F400] =	vst v63  }
0x1f5: {  	_ = 	snop  }
0x1f6: {  	[tilespmem:s26], [sflag:$0x3] =	stream.indirect.gather [hbm4b:s3+s25], $0x80, s23, s25, $0xb8;
	[tilespmem:$0x1F400] =	vst v63  }
0x1f7: {  	s18 =	simm.s32 $0xC8  }
0x1f8: {  	[tilespmem:s29], [sflag:$0x2] =	stream.indirect.gather [hbm4b:s3+s23], $0x80, s18, s23, $0xb8;
	[tilespmem:$0x1F400] =	vst v63  }
0x1f9: {  	s19 =	simm.s32 $0x130  }
0x1fa: {  	[tilespmem:s31], [sflag:$0x4] =	stream.indirect.gather [hbm4b:s3+s25], $0x80, s19, s25, $0xb8;
	[tilespmem:$0x1F400] =	vst v63  }
0x1fb: {  	_ =	swait.ge [sflag:s0], $0x3400  }
0x1fc: {  	[sflag:s0] =	ssyncset.done $0x0  }
0x1fd: {  	[sflag:s0] =	ssyncadd.s32 $0xFFFFCC00  }
0x1fe: {  	_ =	swait.ge [sflag:s1], $0x3000  }
0x1ff: {  	[sflag:s1] =	ssyncset.done $0x0  }
0x200: {  	s12 =	simm.s32 $0x0;
	[sflag:s1] =	ssyncadd.s32 $0xFFFFD000  }
0x201: {  	v0 =	vld [tilespmem:s12+$0x3200]  }
0x202: {  	s11 =	simm.s32 $0x1C220  }
0x203: {  	v1 =	vld [tilespmem:s11+$0xFFFFFFE0];
	_ =	sdelay $0x2  }
0x204: {  	v0 =	vmul.f32 $8.000000000e+00, v0;
	_ =	sdelay $0x1  }
0x205: {  	v0 =	vadd.f32 v1, v0  }
0x206: {  	v1 =	vld [tilespmem:s12+$0x3210]  }
0x207: {  	[tilespmem:s12+$0xFA00] =	vst v0  }
0x208: {  	v0 =	vld [tilespmem:s11+$0xFFFFFFF0];
	_ =	sdelay $0x2  }
0x209: {  	v1 =	vmul.f32 $8.000000000e+00, v1;
	_ =	sdelay $0x1  }
0x20a: {  	v0 =	vadd.f32 v0, v1  }
0x20b: {  	v1 =	vld [tilespmem:s12+$0x3220]  }
0x20c: {  	[tilespmem:s12+$0xFA10] =	vst v0  }
0x20d: {  	v0 =	vld [tilespmem:s11+$0x0];
	_ =	sdelay $0x2  }
0x20e: {  	v1 =	vmul.f32 $8.000000000e+00, v1;
	_ =	sdelay $0x1  }
0x20f: {  	v0 =	vadd.f32 v0, v1  }
0x210: {  	v1 =	vld [tilespmem:s12+$0x3230]  }
0x211: {  	[tilespmem:s12+$0xFA20] =	vst v0  }
0x212: {  	v0 =	vld [tilespmem:s11+$0x10];
	_ =	sdelay $0x2  }
0x213: {  	v1 =	vmul.f32 $8.000000000e+00, v1;
	_ =	sdelay $0x1  }
0x214: {  	s16 =	simm.s32 $0x400;
	s17 =	simm.s32 $0x80;
	v0 =	vadd.f32 v0, v1  }
.LBB2_16:
0x215: {  	p0 =	sne.s32 s16, $0x18E00;
	v1 =	vld [tilespmem:s17+$0x3200]  }
0x216: {  	s11 =	sadd.s32 $0x40, s11;
	[tilespmem:s12+$0xFA30] =	vst v0;
	s12 =	smov.u32 s17  }
0x217: {  	v0 =	vld [tilespmem:s11+$0xFFFFFFE0];
	_ =	sdelay $0x2  }
0x218: {  	v1 =	vmul.f32 $8.000000000e+00, v1;
	_ =	sdelay $0x1  }
0x219: {  	v0 =	vadd.f32 v0, v1  }
0x21a: {  	v1 =	vld [tilespmem:s12+$0x3210]  }
0x21b: {  	[tilespmem:s12+$0xFA00] =	vst v0  }
0x21c: {  	v0 =	vld [tilespmem:s11+$0xFFFFFFF0];
	_ =	sdelay $0x2  }
0x21d: {  	v1 =	vmul.f32 $8.000000000e+00, v1;
	_ =	sdelay $0x1  }
0x21e: {  	v0 =	vadd.f32 v0, v1  }
0x21f: {  	v1 =	vld [tilespmem:s12+$0x3220]  }
0x220: {  	[tilespmem:s12+$0xFA10] =	vst v0  }
0x221: {  	v0 =	vld [tilespmem:s11+$0x0];
	_ =	sdelay $0x2  }
0x222: {  	v1 =	vmul.f32 $8.000000000e+00, v1;
	_ =	sdelay $0x1  }
0x223: {  	v0 =	vadd.f32 v0, v1  }
0x224: {  	v1 =	vld [tilespmem:s12+$0x3230]  }
0x225: {  	[tilespmem:s12+$0xFA20] =	vst v0  }
0x226: {  	v0 =	vld [tilespmem:s11+$0x10]  }
.Ltmp7:
0x227: {  	(pc) =	sbr.rel @p0 .LBB2_16-.Ltmp7, $3  }
0x228: {  	_ = 	snop  }
0x229: {  	v1 =	vmul.f32 $8.000000000e+00, v1;
	_ =	sdelay $0x1  }
0x22a: {  	s17 =	sshra.s32 s16, $0x2;
	s16 =	sadd.s32 $0x200, s16;
	v0 =	vadd.f32 v0, v1  }
0x22b: {  	v1 =	vld [tilespmem:s17+$0x3200]  }
0x22c: {  	s11 =	sadd.s32 $0x40, s11;
	[tilespmem:s12+$0xFA30] =	vst v0  }
0x22d: {  	v0 =	vld [tilespmem:s11+$0xFFFFFFE0];
	_ =	sdelay $0x2  }
0x22e: {  	v1 =	vmul.f32 $8.000000000e+00, v1;
	_ =	sdelay $0x1  }
0x22f: {  	v0 =	vadd.f32 v0, v1  }
0x230: {  	v1 =	vld [tilespmem:s17+$0x3210]  }
0x231: {  	[tilespmem:s17+$0xFA00] =	vst v0  }
0x232: {  	v0 =	vld [tilespmem:s11+$0xFFFFFFF0];
	_ =	sdelay $0x2  }
0x233: {  	v1 =	vmul.f32 $8.000000000e+00, v1;
	_ =	sdelay $0x1  }
0x234: {  	v0 =	vadd.f32 v0, v1  }
0x235: {  	v1 =	vld [tilespmem:s17+$0x3220]  }
0x236: {  	[tilespmem:s17+$0xFA10] =	vst v0  }
0x237: {  	v0 =	vld [tilespmem:s11+$0x0];
	_ =	sdelay $0x2  }
0x238: {  	v1 =	vmul.f32 $8.000000000e+00, v1;
	_ =	sdelay $0x1  }
0x239: {  	v0 =	vadd.f32 v0, v1  }
0x23a: {  	v1 =	vld [tilespmem:s17+$0x3230]  }
0x23b: {  	[tilespmem:s17+$0xFA20] =	vst v0  }
0x23c: {  	v0 =	vld [tilespmem:s11+$0x10];
	_ =	sdelay $0x2  }
0x23d: {  	v1 =	vmul.f32 $8.000000000e+00, v1;
	_ =	sdelay $0x1  }
0x23e: {  	v0 =	vadd.f32 v0, v1;
	_ =	sdelay $0x1  }
0x23f: {  	s16 =	simm.s32 $0x0;
	[tilespmem:s17+$0xFA30] =	vst v0;
	s17 =	rddreg [dreg:$0x9]  }
0x240: {  	[hbm4b:s17+s16] =	stream.linear.scatter [tilespmem:s21], [sflag:$0x5], $0x6400, $0x38;
	[tilespmem:$0x1F400] =	vst v63  }
0x241: {  	s18 =	simm.s32 $0x190  }
0x242: {  	[tilespmem:s24], [sflag:$0x1] =	stream.indirect.gather [hbm4b:s3+s23], $0x80, s18, s23, $0xb8;
	[tilespmem:$0x1F400] =	vst v63  }
0x243: {  	s19 =	simm.s32 $0x1F8  }
0x244: {  	[tilespmem:s26], [sflag:$0x3] =	stream.indirect.gather [hbm4b:s3+s25], $0x80, s19, s25, $0xb8;
	[tilespmem:$0x1F400] =	vst v63  }
0x245: {  	_ =	swait.ge [sflag:s8], $0x3400  }
0x246: {  	[sflag:s8] =	ssyncset.done $0x0  }
0x247: {  	[sflag:s8] =	ssyncadd.s32 $0xFFFFCC00  }
0x248: {  	_ =	swait.ge [sflag:s30], $0x3000  }
0x249: {  	[sflag:s30] =	ssyncset.done $0x0  }
0x24a: {  	s12 =	simm.s32 $0x0;
	[sflag:s30] =	ssyncadd.s32 $0xFFFFD000  }
0x24b: {  	v0 =	vld [tilespmem:s12+$0x9600]  }
0x24c: {  	s11 =	simm.s32 $0x1C220  }
0x24d: {  	v1 =	vld [tilespmem:s11+$0xFFFFFFE0];
	_ =	sdelay $0x2  }
0x24e: {  	v0 =	vmul.f32 $8.000000000e+00, v0;
	_ =	sdelay $0x1  }
0x24f: {  	v0 =	vadd.f32 v1, v0  }
0x250: {  	v1 =	vld [tilespmem:s12+$0x9610]  }
0x251: {  	[tilespmem:s12+$0x15E00] =	vst v0  }
0x252: {  	v0 =	vld [tilespmem:s11+$0xFFFFFFF0];
	_ =	sdelay $0x2  }
0x253: {  	v1 =	vmul.f32 $8.000000000e+00, v1;
	_ =	sdelay $0x1  }
0x254: {  	v0 =	vadd.f32 v0, v1  }
0x255: {  	v1 =	vld [tilespmem:s12+$0x9620]  }
0x256: {  	[tilespmem:s12+$0x15E10] =	vst v0  }
0x257: {  	v0 =	vld [tilespmem:s11+$0x0];
	_ =	sdelay $0x2  }
0x258: {  	v1 =	vmul.f32 $8.000000000e+00, v1;
	_ =	sdelay $0x1  }
0x259: {  	v0 =	vadd.f32 v0, v1  }
0x25a: {  	v1 =	vld [tilespmem:s12+$0x9630]  }
0x25b: {  	[tilespmem:s12+$0x15E20] =	vst v0  }
0x25c: {  	v0 =	vld [tilespmem:s11+$0x10];
	_ =	sdelay $0x2  }
0x25d: {  	v1 =	vmul.f32 $8.000000000e+00, v1;
	_ =	sdelay $0x1  }
0x25e: {  	s17 =	simm.s32 $0x80;
	s16 =	simm.s32 $0x400;
	v0 =	vadd.f32 v0, v1  }
.LBB2_18:
0x25f: {  	p0 =	sne.s32 s16, $0x18E00;
	v1 =	vld [tilespmem:s17+$0x9600]  }
0x260: {  	s11 =	sadd.s32 $0x40, s11;
	[tilespmem:s12+$0x15E30] =	vst v0;
	s12 =	smov.u32 s17  }
0x261: {  	v0 =	vld [tilespmem:s11+$0xFFFFFFE0];
	_ =	sdelay $0x2  }
0x262: {  	v1 =	vmul.f32 $8.000000000e+00, v1;
	_ =	sdelay $0x1  }
0x263: {  	v0 =	vadd.f32 v0, v1  }
0x264: {  	v1 =	vld [tilespmem:s12+$0x9610]  }
0x265: {  	[tilespmem:s12+$0x15E00] =	vst v0  }
0x266: {  	v0 =	vld [tilespmem:s11+$0xFFFFFFF0];
	_ =	sdelay $0x2  }
0x267: {  	v1 =	vmul.f32 $8.000000000e+00, v1;
	_ =	sdelay $0x1  }
0x268: {  	v0 =	vadd.f32 v0, v1  }
0x269: {  	v1 =	vld [tilespmem:s12+$0x9620]  }
0x26a: {  	[tilespmem:s12+$0x15E10] =	vst v0  }
0x26b: {  	v0 =	vld [tilespmem:s11+$0x0];
	_ =	sdelay $0x2  }
0x26c: {  	v1 =	vmul.f32 $8.000000000e+00, v1;
	_ =	sdelay $0x1  }
0x26d: {  	v0 =	vadd.f32 v0, v1  }
0x26e: {  	v1 =	vld [tilespmem:s12+$0x9630]  }
0x26f: {  	[tilespmem:s12+$0x15E20] =	vst v0  }
0x270: {  	v0 =	vld [tilespmem:s11+$0x10]  }
.Ltmp8:
0x271: {  	(pc) =	sbr.rel @p0 .LBB2_18-.Ltmp8, $3  }
0x272: {  	_ = 	snop  }
0x273: {  	v1 =	vmul.f32 $8.000000000e+00, v1;
	_ =	sdelay $0x1  }
0x274: {  	s17 =	sshra.s32 s16, $0x2;
	s16 =	sadd.s32 $0x200, s16;
	v0 =	vadd.f32 v0, v1  }
0x275: {  	v1 =	vld [tilespmem:s17+$0x9600]  }
0x276: {  	s11 =	sadd.s32 $0x40, s11;
	[tilespmem:s12+$0x15E30] =	vst v0  }
0x277: {  	v0 =	vld [tilespmem:s11+$0xFFFFFFE0];
	_ =	sdelay $0x2  }
0x278: {  	v1 =	vmul.f32 $8.000000000e+00, v1;
	_ =	sdelay $0x1  }
0x279: {  	v0 =	vadd.f32 v0, v1  }
0x27a: {  	v61 =	vld [tilespmem:s17+$0x9610]  }
0x27b: {  	[tilespmem:s17+$0x15E00] =	vst v0  }
0x27c: {  	v0 =	vld [tilespmem:s11+$0xFFFFFFF0];
	_ =	sdelay $0x2  }
0x27d: {  	v1 =	vmul.f32 $8.000000000e+00, v61;
	_ =	sdelay $0x1  }
0x27e: {  	v0 =	vadd.f32 v0, v1  }
0x27f: {  	v62 =	vld [tilespmem:s17+$0x9620]  }
0x280: {  	[tilespmem:s17+$0x15E10] =	vst v0  }
0x281: {  	v0 =	vld [tilespmem:s11+$0x0];
	_ =	sdelay $0x2  }
0x282: {  	v1 =	vmul.f32 $8.000000000e+00, v62;
	_ =	sdelay $0x1  }
0x283: {  	v0 =	vadd.f32 v0, v1  }
0x284: {  	v63 =	vld [tilespmem:s17+$0x9630]  }
0x285: {  	[tilespmem:s17+$0x15E20] =	vst v0  }
0x286: {  	v0 =	vld [tilespmem:s11+$0x10];
	_ =	sdelay $0x2  }
0x287: {  	v1 =	vmul.f32 $8.000000000e+00, v63;
	_ =	sdelay $0x1  }
0x288: {  	v0 =	vadd.f32 v0, v1;
	_ =	sdelay $0x1  }
0x289: {  	[tilespmem:s17+$0x15E30] =	vst v0;
	s17 =	rddreg [dreg:$0xa]  }
0x28a: {  	[hbm4b:s17+s2] =	stream.linear.scatter [tilespmem:s10], [sflag:$0x6], $0x6400, $0x38;
	[tilespmem:$0x1F400] =	vst v63  }
0x28b: {  	s18 =	simm.s32 $0x258  }
0x28c: {  	[tilespmem:s29], [sflag:$0x2] =	stream.indirect.gather [hbm4b:s3+s23], $0x80, s18, s23, $0xb8;
	[tilespmem:$0x1F400] =	vst v63  }
0x28d: {  	s19 =	simm.s32 $0x2C0;
	s16 =	simm.s32 $0x1  }
0x28e: {  	[tilespmem:s31], [sflag:$0x4] =	stream.indirect.gather [hbm4b:s3+s25], $0x80, s19, s25, $0xb8;
	[tilespmem:$0x1F400] =	vst v63  }
.LBB2_20:
0x28f: {  	_ =	swait.ge [sflag:s0], $0x3400  }
0x290: {  	[sflag:s0] =	ssyncset.done $0x0  }
0x291: {  	[sflag:s0] =	ssyncadd.s32 $0xFFFFCC00  }
0x292: {  	_ =	swait.ge [sflag:s1], $0x3000  }
0x293: {  	[sflag:s1] =	ssyncset.done $0x0  }
0x294: {  	[sflag:s1] =	ssyncadd.s32 $0xFFFFD000  }
0x295: {  	_ =	swait.ge [sflag:s5], $0x6400  }
0x296: {  	[sflag:s5] =	ssyncset.done $0x0  }
0x297: {  	s12 =	simm.s32 $0x0;
	[sflag:s5] =	ssyncadd.s32 $0xFFFF9C00  }
0x298: {  	v0 =	vld [tilespmem:s12+$0x3200]  }
0x299: {  	s11 =	simm.s32 $0x1C220  }
0x29a: {  	v1 =	vld [tilespmem:s11+$0xFFFFFFE0];
	_ =	sdelay $0x2  }
0x29b: {  	v0 =	vmul.f32 $8.000000000e+00, v0;
	_ =	sdelay $0x1  }
0x29c: {  	v0 =	vadd.f32 v1, v0  }
0x29d: {  	v1 =	vld [tilespmem:s12+$0x3210]  }
0x29e: {  	[tilespmem:s12+$0xFA00] =	vst v0  }
0x29f: {  	v0 =	vld [tilespmem:s11+$0xFFFFFFF0];
	_ =	sdelay $0x2  }
0x2a0: {  	v1 =	vmul.f32 $8.000000000e+00, v1;
	_ =	sdelay $0x1  }
0x2a1: {  	v0 =	vadd.f32 v0, v1  }
0x2a2: {  	v1 =	vld [tilespmem:s12+$0x3220]  }
0x2a3: {  	[tilespmem:s12+$0xFA10] =	vst v0  }
0x2a4: {  	v0 =	vld [tilespmem:s11+$0x0];
	_ =	sdelay $0x2  }
0x2a5: {  	v1 =	vmul.f32 $8.000000000e+00, v1;
	_ =	sdelay $0x1  }
0x2a6: {  	v0 =	vadd.f32 v0, v1  }
0x2a7: {  	v1 =	vld [tilespmem:s12+$0x3230]  }
0x2a8: {  	[tilespmem:s12+$0xFA20] =	vst v0  }
0x2a9: {  	v0 =	vld [tilespmem:s11+$0x10];
	_ =	sdelay $0x2  }
0x2aa: {  	v1 =	vmul.f32 $8.000000000e+00, v1;
	_ =	sdelay $0x1  }
0x2ab: {  	s18 =	simm.s32 $0x80;
	s17 =	simm.s32 $0x400;
	v0 =	vadd.f32 v0, v1  }
.LBB2_21:
0x2ac: {  	p0 =	sne.s32 s17, $0x18E00;
	v1 =	vld [tilespmem:s18+$0x3200]  }
0x2ad: {  	s11 =	sadd.s32 $0x40, s11;
	[tilespmem:s12+$0xFA30] =	vst v0;
	s12 =	smov.u32 s18  }
0x2ae: {  	v0 =	vld [tilespmem:s11+$0xFFFFFFE0];
	_ =	sdelay $0x2  }
0x2af: {  	v1 =	vmul.f32 $8.000000000e+00, v1;
	_ =	sdelay $0x1  }
0x2b0: {  	v0 =	vadd.f32 v0, v1  }
0x2b1: {  	v1 =	vld [tilespmem:s12+$0x3210]  }
0x2b2: {  	[tilespmem:s12+$0xFA00] =	vst v0  }
0x2b3: {  	v0 =	vld [tilespmem:s11+$0xFFFFFFF0];
	_ =	sdelay $0x2  }
0x2b4: {  	v1 =	vmul.f32 $8.000000000e+00, v1;
	_ =	sdelay $0x1  }
0x2b5: {  	v0 =	vadd.f32 v0, v1  }
0x2b6: {  	v1 =	vld [tilespmem:s12+$0x3220]  }
0x2b7: {  	[tilespmem:s12+$0xFA10] =	vst v0  }
0x2b8: {  	v0 =	vld [tilespmem:s11+$0x0];
	_ =	sdelay $0x2  }
0x2b9: {  	v1 =	vmul.f32 $8.000000000e+00, v1;
	_ =	sdelay $0x1  }
0x2ba: {  	v0 =	vadd.f32 v0, v1  }
0x2bb: {  	v1 =	vld [tilespmem:s12+$0x3230]  }
0x2bc: {  	[tilespmem:s12+$0xFA20] =	vst v0  }
0x2bd: {  	v0 =	vld [tilespmem:s11+$0x10]  }
.Ltmp9:
0x2be: {  	(pc) =	sbr.rel @p0 .LBB2_21-.Ltmp9, $3  }
0x2bf: {  	_ = 	snop  }
0x2c0: {  	v1 =	vmul.f32 $8.000000000e+00, v1;
	_ =	sdelay $0x1  }
0x2c1: {  	s18 =	sshra.s32 s17, $0x2;
	s17 =	sadd.s32 $0x200, s17;
	v0 =	vadd.f32 v0, v1  }
0x2c2: {  	v1 =	vld [tilespmem:s18+$0x3200]  }
0x2c3: {  	s11 =	sadd.s32 $0x40, s11;
	[tilespmem:s12+$0xFA30] =	vst v0  }
0x2c4: {  	v0 =	vld [tilespmem:s11+$0xFFFFFFE0];
	_ =	sdelay $0x2  }
0x2c5: {  	v1 =	vmul.f32 $8.000000000e+00, v1;
	_ =	sdelay $0x1  }
0x2c6: {  	v0 =	vadd.f32 v0, v1  }
0x2c7: {  	v1 =	vld [tilespmem:s18+$0x3210]  }
0x2c8: {  	[tilespmem:s18+$0xFA00] =	vst v0  }
0x2c9: {  	v0 =	vld [tilespmem:s11+$0xFFFFFFF0];
	_ =	sdelay $0x2  }
0x2ca: {  	v1 =	vmul.f32 $8.000000000e+00, v1;
	_ =	sdelay $0x1  }
0x2cb: {  	v0 =	vadd.f32 v0, v1  }
0x2cc: {  	v1 =	vld [tilespmem:s18+$0x3220]  }
0x2cd: {  	[tilespmem:s18+$0xFA10] =	vst v0  }
0x2ce: {  	v0 =	vld [tilespmem:s11+$0x0];
	_ =	sdelay $0x2  }
0x2cf: {  	v1 =	vmul.f32 $8.000000000e+00, v1;
	_ =	sdelay $0x1  }
0x2d0: {  	v0 =	vadd.f32 v0, v1  }
0x2d1: {  	v1 =	vld [tilespmem:s18+$0x3230]  }
0x2d2: {  	[tilespmem:s18+$0xFA20] =	vst v0  }
0x2d3: {  	v0 =	vld [tilespmem:s11+$0x10];
	_ =	sdelay $0x2  }
0x2d4: {  	s11 =	smul.u32 $0x190, s16;
	v1 =	vmul.f32 $8.000000000e+00, v1;
	_ =	sdelay $0x1  }
0x2d5: {  	s17 =	sadd.s32 s13, s11;
	v0 =	vadd.f32 v0, v1  }
0x2d6: {  	s12 =	sshll.u32 s17, $0x4  }
0x2d7: {  	s17 =	simm.s32 $0x0;
	s12 =	sadd.s32 s6, s12;
	[tilespmem:s18+$0xFA30] =	vst v0  }
0x2d8: {  	[hbm4b:s12+s17] =	stream.linear.scatter [tilespmem:s21], [sflag:$0x5], $0x6400, $0x38;
	[tilespmem:$0x1F400] =	vst v63  }
0x2d9: {  	s18 =	sadd.s32 $0x190, s11  }
0x2da: {  	[tilespmem:s24], [sflag:$0x1] =	stream.indirect.gather [hbm4b:s3+s23], $0x80, s18, s23, $0xb8;
	[tilespmem:$0x1F400] =	vst v63  }
0x2db: {  	s19 =	sadd.s32 $0x1F8, s11  }
0x2dc: {  	[tilespmem:s26], [sflag:$0x3] =	stream.indirect.gather [hbm4b:s3+s25], $0x80, s19, s25, $0xb8;
	[tilespmem:$0x1F400] =	vst v63  }
0x2dd: {  	_ =	swait.ge [sflag:s8], $0x3400  }
0x2de: {  	[sflag:s8] =	ssyncset.done $0x0  }
0x2df: {  	[sflag:s8] =	ssyncadd.s32 $0xFFFFCC00  }
0x2e0: {  	_ =	swait.ge [sflag:s30], $0x3000  }
0x2e1: {  	[sflag:s30] =	ssyncset.done $0x0  }
0x2e2: {  	[sflag:s30] =	ssyncadd.s32 $0xFFFFD000  }
0x2e3: {  	_ =	swait.ge [sflag:s28], $0x6400  }
0x2e4: {  	[sflag:s28] =	ssyncset.done $0x0  }
0x2e5: {  	s17 =	simm.s32 $0x0;
	[sflag:s28] =	ssyncadd.s32 $0xFFFF9C00  }
0x2e6: {  	v0 =	vld [tilespmem:s17+$0x9600]  }
0x2e7: {  	s12 =	simm.s32 $0x1C220  }
0x2e8: {  	v1 =	vld [tilespmem:s12+$0xFFFFFFE0];
	_ =	sdelay $0x2  }
0x2e9: {  	v0 =	vmul.f32 $8.000000000e+00, v0;
	_ =	sdelay $0x1  }
0x2ea: {  	v0 =	vadd.f32 v1, v0  }
0x2eb: {  	v1 =	vld [tilespmem:s17+$0x9610]  }
0x2ec: {  	[tilespmem:s17+$0x15E00] =	vst v0  }
0x2ed: {  	v0 =	vld [tilespmem:s12+$0xFFFFFFF0];
	_ =	sdelay $0x2  }
0x2ee: {  	v1 =	vmul.f32 $8.000000000e+00, v1;
	_ =	sdelay $0x1  }
0x2ef: {  	v0 =	vadd.f32 v0, v1  }
0x2f0: {  	v1 =	vld [tilespmem:s17+$0x9620]  }
0x2f1: {  	[tilespmem:s17+$0x15E10] =	vst v0  }
0x2f2: {  	v0 =	vld [tilespmem:s12+$0x0];
	_ =	sdelay $0x2  }
0x2f3: {  	v1 =	vmul.f32 $8.000000000e+00, v1;
	_ =	sdelay $0x1  }
0x2f4: {  	v0 =	vadd.f32 v0, v1  }
0x2f5: {  	v1 =	vld [tilespmem:s17+$0x9630]  }
0x2f6: {  	[tilespmem:s17+$0x15E20] =	vst v0  }
0x2f7: {  	v0 =	vld [tilespmem:s12+$0x10];
	_ =	sdelay $0x2  }
0x2f8: {  	v1 =	vmul.f32 $8.000000000e+00, v1;
	_ =	sdelay $0x1  }
0x2f9: {  	s18 =	simm.s32 $0x400;
	s19 =	simm.s32 $0x80;
	v0 =	vadd.f32 v0, v1  }
.LBB2_23:
0x2fa: {  	p0 =	sne.s32 s18, $0x18E00;
	v1 =	vld [tilespmem:s19+$0x9600]  }
0x2fb: {  	s12 =	sadd.s32 $0x40, s12;
	[tilespmem:s17+$0x15E30] =	vst v0;
	s17 =	smov.u32 s19  }
0x2fc: {  	v0 =	vld [tilespmem:s12+$0xFFFFFFE0];
	_ =	sdelay $0x2  }
0x2fd: {  	v1 =	vmul.f32 $8.000000000e+00, v1;
	_ =	sdelay $0x1  }
0x2fe: {  	v0 =	vadd.f32 v0, v1  }
0x2ff: {  	v1 =	vld [tilespmem:s17+$0x9610]  }
0x300: {  	[tilespmem:s17+$0x15E00] =	vst v0  }
0x301: {  	v0 =	vld [tilespmem:s12+$0xFFFFFFF0];
	_ =	sdelay $0x2  }
0x302: {  	v1 =	vmul.f32 $8.000000000e+00, v1;
	_ =	sdelay $0x1  }
0x303: {  	v0 =	vadd.f32 v0, v1  }
0x304: {  	v1 =	vld [tilespmem:s17+$0x9620]  }
0x305: {  	[tilespmem:s17+$0x15E10] =	vst v0  }
0x306: {  	v0 =	vld [tilespmem:s12+$0x0];
	_ =	sdelay $0x2  }
0x307: {  	v1 =	vmul.f32 $8.000000000e+00, v1;
	_ =	sdelay $0x1  }
0x308: {  	v0 =	vadd.f32 v0, v1  }
0x309: {  	v1 =	vld [tilespmem:s17+$0x9630]  }
0x30a: {  	[tilespmem:s17+$0x15E20] =	vst v0  }
0x30b: {  	v0 =	vld [tilespmem:s12+$0x10]  }
.Ltmp10:
0x30c: {  	(pc) =	sbr.rel @p0 .LBB2_23-.Ltmp10, $3  }
0x30d: {  	_ = 	snop  }
0x30e: {  	v1 =	vmul.f32 $8.000000000e+00, v1;
	_ =	sdelay $0x1  }
0x30f: {  	s19 =	sshra.s32 s18, $0x2;
	s18 =	sadd.s32 $0x200, s18;
	v0 =	vadd.f32 v0, v1  }
0x310: {  	v1 =	vld [tilespmem:s19+$0x9600]  }
0x311: {  	s12 =	sadd.s32 $0x40, s12;
	[tilespmem:s17+$0x15E30] =	vst v0  }
0x312: {  	v0 =	vld [tilespmem:s12+$0xFFFFFFE0];
	_ =	sdelay $0x2  }
0x313: {  	v1 =	vmul.f32 $8.000000000e+00, v1;
	_ =	sdelay $0x1  }
0x314: {  	v0 =	vadd.f32 v0, v1  }
0x315: {  	v61 =	vld [tilespmem:s19+$0x9610]  }
0x316: {  	[tilespmem:s19+$0x15E00] =	vst v0  }
0x317: {  	v0 =	vld [tilespmem:s12+$0xFFFFFFF0];
	_ =	sdelay $0x2  }
0x318: {  	v1 =	vmul.f32 $8.000000000e+00, v61;
	_ =	sdelay $0x1  }
0x319: {  	v0 =	vadd.f32 v0, v1  }
0x31a: {  	v62 =	vld [tilespmem:s19+$0x9620]  }
0x31b: {  	[tilespmem:s19+$0x15E10] =	vst v0  }
0x31c: {  	v0 =	vld [tilespmem:s12+$0x0];
	_ =	sdelay $0x2  }
0x31d: {  	v1 =	vmul.f32 $8.000000000e+00, v62;
	_ =	sdelay $0x1  }
0x31e: {  	v0 =	vadd.f32 v0, v1  }
0x31f: {  	v63 =	vld [tilespmem:s19+$0x9630]  }
0x320: {  	[tilespmem:s19+$0x15E20] =	vst v0  }
0x321: {  	v0 =	vld [tilespmem:s12+$0x10];
	_ =	sdelay $0x2  }
0x322: {  	v1 =	vmul.f32 $8.000000000e+00, v63;
	_ =	sdelay $0x1  }
0x323: {  	s17 =	sadd.s32 s11, s14;
	v0 =	vadd.f32 v0, v1  }
0x324: {  	s16 =	sadd.s32 $0x1, s16;
	s12 =	sshll.u32 s17, $0x4  }
0x325: {  	p0 =	sne.s32 s16, $0x1F;
	s12 =	sadd.s32 s6, s12;
	[tilespmem:s19+$0x15E30] =	vst v0  }
0x326: {  	[hbm4b:s12+s2] =	stream.linear.scatter [tilespmem:s10], [sflag:$0x6], $0x6400, $0x38;
	[tilespmem:$0x1F400] =	vst v63  }
.Ltmp11:
0x327: {  	_ = 	snop;
	(pc) =	sbr.rel @p0 .LBB2_20-.Ltmp11, $4  }
0x328: {  	s18 =	sadd.s32 $0x258, s11  }
0x329: {  	[tilespmem:s29], [sflag:$0x2] =	stream.indirect.gather [hbm4b:s3+s23], $0x80, s18, s23, $0xb8;
	[tilespmem:$0x1F400] =	vst v63  }
0x32a: {  	s19 =	sadd.s32 $0x2C0, s11  }
0x32b: {  	[tilespmem:s31], [sflag:$0x4] =	stream.indirect.gather [hbm4b:s3+s25], $0x80, s19, s25, $0xb8;
	[tilespmem:$0x1F400] =	vst v63  }
0x32c: {  	_ =	swait.ge [sflag:s0], $0x3400  }
0x32d: {  	[sflag:s0] =	ssyncset.done $0x0  }
0x32e: {  	[sflag:s0] =	ssyncadd.s32 $0xFFFFCC00  }
0x32f: {  	_ =	swait.ge [sflag:s1], $0x3000  }
0x330: {  	[sflag:s1] =	ssyncset.done $0x0  }
0x331: {  	[sflag:s1] =	ssyncadd.s32 $0xFFFFD000  }
0x332: {  	_ =	swait.ge [sflag:s5], $0x6400  }
0x333: {  	[sflag:s5] =	ssyncset.done $0x0  }
0x334: {  	s12 =	simm.s32 $0x0;
	[sflag:s5] =	ssyncadd.s32 $0xFFFF9C00  }
0x335: {  	v0 =	vld [tilespmem:s12+$0x3200]  }
0x336: {  	s11 =	simm.s32 $0x1C220  }
0x337: {  	v1 =	vld [tilespmem:s11+$0xFFFFFFE0];
	_ =	sdelay $0x2  }
0x338: {  	v0 =	vmul.f32 $8.000000000e+00, v0;
	_ =	sdelay $0x1  }
0x339: {  	v0 =	vadd.f32 v1, v0  }
0x33a: {  	v1 =	vld [tilespmem:s12+$0x3210]  }
0x33b: {  	[tilespmem:s12+$0xFA00] =	vst v0  }
0x33c: {  	v0 =	vld [tilespmem:s11+$0xFFFFFFF0];
	_ =	sdelay $0x2  }
0x33d: {  	v1 =	vmul.f32 $8.000000000e+00, v1;
	_ =	sdelay $0x1  }
0x33e: {  	v0 =	vadd.f32 v0, v1  }
0x33f: {  	v1 =	vld [tilespmem:s12+$0x3220]  }
0x340: {  	[tilespmem:s12+$0xFA10] =	vst v0  }
0x341: {  	v0 =	vld [tilespmem:s11+$0x0];
	_ =	sdelay $0x2  }
0x342: {  	v1 =	vmul.f32 $8.000000000e+00, v1;
	_ =	sdelay $0x1  }
0x343: {  	v0 =	vadd.f32 v0, v1  }
0x344: {  	v1 =	vld [tilespmem:s12+$0x3230]  }
0x345: {  	[tilespmem:s12+$0xFA20] =	vst v0  }
0x346: {  	v0 =	vld [tilespmem:s11+$0x10];
	_ =	sdelay $0x2  }
0x347: {  	v1 =	vmul.f32 $8.000000000e+00, v1;
	_ =	sdelay $0x1  }
0x348: {  	s17 =	simm.s32 $0x80;
	s16 =	simm.s32 $0x400;
	v0 =	vadd.f32 v0, v1  }
.LBB2_26:
0x349: {  	p0 =	sne.s32 s16, $0x18E00;
	v1 =	vld [tilespmem:s17+$0x3200]  }
0x34a: {  	s11 =	sadd.s32 $0x40, s11;
	[tilespmem:s12+$0xFA30] =	vst v0;
	s12 =	smov.u32 s17  }
0x34b: {  	v0 =	vld [tilespmem:s11+$0xFFFFFFE0];
	_ =	sdelay $0x2  }
0x34c: {  	v1 =	vmul.f32 $8.000000000e+00, v1;
	_ =	sdelay $0x1  }
0x34d: {  	v0 =	vadd.f32 v0, v1  }
0x34e: {  	v1 =	vld [tilespmem:s12+$0x3210]  }
0x34f: {  	[tilespmem:s12+$0xFA00] =	vst v0  }
0x350: {  	v0 =	vld [tilespmem:s11+$0xFFFFFFF0];
	_ =	sdelay $0x2  }
0x351: {  	v1 =	vmul.f32 $8.000000000e+00, v1;
	_ =	sdelay $0x1  }
0x352: {  	v0 =	vadd.f32 v0, v1  }
0x353: {  	v1 =	vld [tilespmem:s12+$0x3220]  }
0x354: {  	[tilespmem:s12+$0xFA10] =	vst v0  }
0x355: {  	v0 =	vld [tilespmem:s11+$0x0];
	_ =	sdelay $0x2  }
0x356: {  	v1 =	vmul.f32 $8.000000000e+00, v1;
	_ =	sdelay $0x1  }
0x357: {  	v0 =	vadd.f32 v0, v1  }
0x358: {  	v1 =	vld [tilespmem:s12+$0x3230]  }
0x359: {  	[tilespmem:s12+$0xFA20] =	vst v0  }
0x35a: {  	v0 =	vld [tilespmem:s11+$0x10]  }
.Ltmp12:
0x35b: {  	(pc) =	sbr.rel @p0 .LBB2_26-.Ltmp12, $3  }
0x35c: {  	_ = 	snop  }
0x35d: {  	v1 =	vmul.f32 $8.000000000e+00, v1;
	_ =	sdelay $0x1  }
0x35e: {  	s17 =	sshra.s32 s16, $0x2;
	s16 =	sadd.s32 $0x200, s16;
	v0 =	vadd.f32 v0, v1  }
0x35f: {  	v1 =	vld [tilespmem:s17+$0x3200]  }
0x360: {  	s11 =	sadd.s32 $0x40, s11;
	[tilespmem:s12+$0xFA30] =	vst v0  }
0x361: {  	v0 =	vld [tilespmem:s11+$0xFFFFFFE0];
	_ =	sdelay $0x2  }
0x362: {  	v1 =	vmul.f32 $8.000000000e+00, v1;
	_ =	sdelay $0x1  }
0x363: {  	v0 =	vadd.f32 v0, v1  }
0x364: {  	v1 =	vld [tilespmem:s17+$0x3210]  }
0x365: {  	[tilespmem:s17+$0xFA00] =	vst v0  }
0x366: {  	v0 =	vld [tilespmem:s11+$0xFFFFFFF0];
	_ =	sdelay $0x2  }
0x367: {  	v1 =	vmul.f32 $8.000000000e+00, v1;
	_ =	sdelay $0x1  }
0x368: {  	v0 =	vadd.f32 v0, v1  }
0x369: {  	v1 =	vld [tilespmem:s17+$0x3220]  }
0x36a: {  	[tilespmem:s17+$0xFA10] =	vst v0  }
0x36b: {  	v0 =	vld [tilespmem:s11+$0x0];
	_ =	sdelay $0x2  }
0x36c: {  	v1 =	vmul.f32 $8.000000000e+00, v1;
	_ =	sdelay $0x1  }
0x36d: {  	v0 =	vadd.f32 v0, v1  }
0x36e: {  	v1 =	vld [tilespmem:s17+$0x3230]  }
0x36f: {  	[tilespmem:s17+$0xFA20] =	vst v0  }
0x370: {  	v0 =	vld [tilespmem:s11+$0x10];
	_ =	sdelay $0x2  }
0x371: {  	v1 =	vmul.f32 $8.000000000e+00, v1;
	_ =	sdelay $0x1  }
0x372: {  	v0 =	vadd.f32 v0, v1;
	_ =	sdelay $0x1  }
0x373: {  	s18 =	simm.s32 $0x0;
	s19 =	rddreg [dreg:$0xb];
	[tilespmem:s17+$0xFA30] =	vst v0  }
0x374: {  	[hbm4b:s19+s18] =	stream.linear.scatter [tilespmem:s21], [sflag:$0x5], $0x6400, $0x38;
	[tilespmem:$0x1F400] =	vst v63  }
0x375: {  	_ =	swait.ge [sflag:s8], $0x3400  }
0x376: {  	[sflag:s8] =	ssyncset.done $0x0  }
0x377: {  	[sflag:s8] =	ssyncadd.s32 $0xFFFFCC00  }
0x378: {  	_ =	swait.ge [sflag:s30], $0x3000  }
0x379: {  	[sflag:s30] =	ssyncset.done $0x0  }
0x37a: {  	[sflag:s30] =	ssyncadd.s32 $0xFFFFD000  }
0x37b: {  	_ =	swait.ge [sflag:s28], $0x6400  }
0x37c: {  	[sflag:s28] =	ssyncset.done $0x0  }
0x37d: {  	s12 =	simm.s32 $0x0;
	[sflag:s28] =	ssyncadd.s32 $0xFFFF9C00  }
0x37e: {  	v0 =	vld [tilespmem:s12+$0x9600]  }
0x37f: {  	s11 =	simm.s32 $0x1C220  }
0x380: {  	v1 =	vld [tilespmem:s11+$0xFFFFFFE0];
	_ =	sdelay $0x2  }
0x381: {  	v0 =	vmul.f32 $8.000000000e+00, v0;
	_ =	sdelay $0x1  }
0x382: {  	v0 =	vadd.f32 v1, v0  }
0x383: {  	v1 =	vld [tilespmem:s12+$0x9610]  }
0x384: {  	[tilespmem:s12+$0x15E00] =	vst v0  }
0x385: {  	v0 =	vld [tilespmem:s11+$0xFFFFFFF0];
	_ =	sdelay $0x2  }
0x386: {  	v1 =	vmul.f32 $8.000000000e+00, v1;
	_ =	sdelay $0x1  }
0x387: {  	v0 =	vadd.f32 v0, v1  }
0x388: {  	v1 =	vld [tilespmem:s12+$0x9620]  }
0x389: {  	[tilespmem:s12+$0x15E10] =	vst v0  }
0x38a: {  	v0 =	vld [tilespmem:s11+$0x0];
	_ =	sdelay $0x2  }
0x38b: {  	v1 =	vmul.f32 $8.000000000e+00, v1;
	_ =	sdelay $0x1  }
0x38c: {  	v0 =	vadd.f32 v0, v1  }
0x38d: {  	v1 =	vld [tilespmem:s12+$0x9630]  }
0x38e: {  	[tilespmem:s12+$0x15E20] =	vst v0  }
0x38f: {  	v0 =	vld [tilespmem:s11+$0x10];
	_ =	sdelay $0x2  }
0x390: {  	v1 =	vmul.f32 $8.000000000e+00, v1;
	_ =	sdelay $0x1  }
0x391: {  	s16 =	simm.s32 $0x400;
	s17 =	simm.s32 $0x80;
	v0 =	vadd.f32 v0, v1  }
.LBB2_28:
0x392: {  	p0 =	sne.s32 s16, $0x18E00;
	v1 =	vld [tilespmem:s17+$0x9600]  }
0x393: {  	s11 =	sadd.s32 $0x40, s11;
	[tilespmem:s12+$0x15E30] =	vst v0;
	s12 =	smov.u32 s17  }
0x394: {  	v0 =	vld [tilespmem:s11+$0xFFFFFFE0];
	_ =	sdelay $0x2  }
0x395: {  	v1 =	vmul.f32 $8.000000000e+00, v1;
	_ =	sdelay $0x1  }
0x396: {  	v0 =	vadd.f32 v0, v1  }
0x397: {  	v1 =	vld [tilespmem:s12+$0x9610]  }
0x398: {  	[tilespmem:s12+$0x15E00] =	vst v0  }
0x399: {  	v0 =	vld [tilespmem:s11+$0xFFFFFFF0];
	_ =	sdelay $0x2  }
0x39a: {  	v1 =	vmul.f32 $8.000000000e+00, v1;
	_ =	sdelay $0x1  }
0x39b: {  	v0 =	vadd.f32 v0, v1  }
0x39c: {  	v1 =	vld [tilespmem:s12+$0x9620]  }
0x39d: {  	[tilespmem:s12+$0x15E10] =	vst v0  }
0x39e: {  	v0 =	vld [tilespmem:s11+$0x0];
	_ =	sdelay $0x2  }
0x39f: {  	v1 =	vmul.f32 $8.000000000e+00, v1;
	_ =	sdelay $0x1  }
0x3a0: {  	v0 =	vadd.f32 v0, v1  }
0x3a1: {  	v1 =	vld [tilespmem:s12+$0x9630]  }
0x3a2: {  	[tilespmem:s12+$0x15E20] =	vst v0  }
0x3a3: {  	v0 =	vld [tilespmem:s11+$0x10]  }
.Ltmp13:
0x3a4: {  	(pc) =	sbr.rel @p0 .LBB2_28-.Ltmp13, $3  }
0x3a5: {  	_ = 	snop  }
0x3a6: {  	v1 =	vmul.f32 $8.000000000e+00, v1;
	_ =	sdelay $0x1  }
0x3a7: {  	s17 =	sshra.s32 s16, $0x2;
	s16 =	sadd.s32 $0x200, s16;
	v0 =	vadd.f32 v0, v1  }
0x3a8: {  	v1 =	vld [tilespmem:s17+$0x9600]  }
0x3a9: {  	s11 =	sadd.s32 $0x40, s11;
	[tilespmem:s12+$0x15E30] =	vst v0  }
0x3aa: {  	v0 =	vld [tilespmem:s11+$0xFFFFFFE0];
	_ =	sdelay $0x2  }
0x3ab: {  	v1 =	vmul.f32 $8.000000000e+00, v1;
	_ =	sdelay $0x1  }
0x3ac: {  	v0 =	vadd.f32 v0, v1  }
0x3ad: {  	v61 =	vld [tilespmem:s17+$0x9610]  }
0x3ae: {  	[tilespmem:s17+$0x15E00] =	vst v0  }
0x3af: {  	v0 =	vld [tilespmem:s11+$0xFFFFFFF0];
	_ =	sdelay $0x2  }
0x3b0: {  	v1 =	vmul.f32 $8.000000000e+00, v61;
	_ =	sdelay $0x1  }
0x3b1: {  	v0 =	vadd.f32 v0, v1  }
0x3b2: {  	v62 =	vld [tilespmem:s17+$0x9620]  }
0x3b3: {  	[tilespmem:s17+$0x15E10] =	vst v0  }
0x3b4: {  	v0 =	vld [tilespmem:s11+$0x0];
	_ =	sdelay $0x2  }
0x3b5: {  	v1 =	vmul.f32 $8.000000000e+00, v62;
	_ =	sdelay $0x1  }
0x3b6: {  	v0 =	vadd.f32 v0, v1  }
0x3b7: {  	v63 =	vld [tilespmem:s17+$0x9630]  }
0x3b8: {  	[tilespmem:s17+$0x15E20] =	vst v0  }
0x3b9: {  	v0 =	vld [tilespmem:s11+$0x10];
	_ =	sdelay $0x2  }
0x3ba: {  	v1 =	vmul.f32 $8.000000000e+00, v63;
	_ =	sdelay $0x1  }
0x3bb: {  	v0 =	vadd.f32 v0, v1;
	_ =	sdelay $0x1  }
0x3bc: {  	s19 =	rddreg [dreg:$0xc];
	s15 =	sadd.s32 $0x1, s15;
	[tilespmem:s17+$0x15E30] =	vst v0  }
0x3bd: {  	[hbm4b:s19+s2] =	stream.linear.scatter [tilespmem:s10], [sflag:$0x6], $0x6400, $0x38;
	[tilespmem:$0x1F400] =	vst v63  }
0x3be: {  	p0 =	sne.s32 s15, s20;
	_ =	swait.ge [sflag:s5], $0x6400  }
.Ltmp14:
0x3bf: {  	[sflag:s5] =	ssyncset.done $0x0;
	(pc) =	sbr.rel @p0 .LBB2_1-.Ltmp14, $4  }
0x3c0: {  	[sflag:s5] =	ssyncadd.s32 $0xFFFF9C00  }
0x3c1: {  	_ =	swait.ge [sflag:s28], $0x6400  }
0x3c2: {  	[sflag:s28] =	ssyncset.done $0x0  }
0x3c3: {  	[sflag:s28] =	ssyncadd.s32 $0xFFFF9C00  }
0x3c4: {  	_ =	sfence.sel $0x180000  }
0x3c5: {  	[bflag:$0x0] =	sbarrier.arrive $0xFFFF  }
0x3c6: {  	_ =	strace $0x90000047  }
0x3c7: {  	s0 =	stileid.u32;
	[bflag:$0x2] =	sbarrier.arrive $0xFFFF  }
0x3c8: {  	p0 =	sne.s32 s0, $0x0;
	s0 =	rddreg [dreg:$0x2]  }
0x3c9: {  	s0 =	sadd.s32 @!p0 $0x100000, s0  }
0x3ca: {  	[sflag:s0] =	ssyncadd.tile.s32 @!p0 $0x1;
	_ =	shalt  }
.Lfunc_end2:
_tile_overlayer_lowered:
.L_overlay_start_2:
0x3cb: {  	(tag) =	ssettag $0x2  }
0x3cc: {  	s0 =	rddreg [dreg:$0x0];
	s2 =	stileid.u32  }
0x3cd: {  	s1 =	rddreg [dreg:$0x1];
	p0 =	sne.s32 s2, $0x0  }
0x3ce: {  	s3 =	rddreg [dreg:$0x2];
	[bflag:$0x3] =	sbarrier.arrive $0xFFFF;
	s2 =	simm.s32 @!p0 $0x1C07  }
0x3cf: {  	[timem:s3], [sflag:s2] =	dma.local @!p0 [hbm:s0], s1  }
0x3d0: {  	s0 =	simm.s32 @!p0 $0x7  }
0x3d1: {  	_ =	swait.ge @!p0 [sflag:s0], s1  }
0x3d2: {  	s1 =	ssub.s32 @!p0 $0x0, s1;
	[sflag:s0] =	ssyncset.done @!p0 $0x0  }
0x3d3: {  	[sflag:s0] =	ssyncadd.s32 @!p0 s1  }
0x3d4: {  	[bflag:$0x3] =	sbarrier.arrive $0xFFFF  }
0x3d5: {  	_ =	shalt  }

// kernel: sparse-core-data-format-call.cloned.1.call-start
scs
called_computation_lowered:
.L_overlay_start_0:
0x0: {  	s2 =	sld [smem:$0x3FD9]  }
0x1: {  	s3 =	sld [smem:$0x3FFE];
	_ =	sdelay $0x1  }
0x2: {  	s1 =	srdreg.scid  }
0x3: {  	s0 =	sand.u32 $0x1, s1  }
0x4: {  	s18 =	sshll.u32 s0, $0xA;
	s2 =	sadd.s32 s3, s2  }
0x5: {  	s2 =	sadd.s32 s2, s18  }
0x6: {  	[smem:$0x3FC6] =	sst s2  }
0x7: {  	_ = 	snop  }
0x8: {  	s2 =	sld [smem:$0x3FD0];
	(tm) =	ssettm $0x1  }
0x9: {  	s19 =	sld [smem:$0x3FFB];
	_ =	sdelay $0x3  }
0xa: {  	_ =	strace s19  }
0xb: {  	s3 =	sld [smem:$0x3FFC];
	_ =	sdelay $0x3  }
0xc: {  	_ =	strace s3  }
0xd: {  	s3 =	sld [smem:$0x3FFD];
	_ =	sdelay $0x3  }
0xe: {  	_ =	strace s3  }
0xf: {  	_ =	strace $0x8FFFFFFF  }
0x10: {  	s20 =	sld [smem:$0x3FDB];
	_ =	sdelay $0x1  }
0x11: {  	s4 =	simm.s32 $_scs_section_size  }
0x12: {  	s5 =	simm.s32 $_size__tile_overlayer_lowered;
	s6 =	simm.s32 $_tile_overlayer_lowered  }
0x13: {  	s23 =	simm.s32 $0x1BFF;
	s22 =	sshll.u32 s6, $0x1;
	s3 =	sadd.s32 s4, s20  }
0x14: {  	s7 =	simm.s32 $0x0;
	s21 =	sshll.u32 s5, $0x1;
	s5 =	sadd.s32 s22, s3  }
0x15: {  	[timem:s7], [sflag:s23] =	dma.local [hbm:s5], s21  }
0x16: {  	_ =	swait.ge [sflag:s23], s21  }
0x17: {  	s4 =	ssub.s32 $0x0, s21;
	[sflag:s23] =	ssyncset.done $0x0  }
0x18: {  	[sflag:s23] =	ssyncadd.s32 s4;
	_ =	sdelay $0x1  }
0x19: {  	s24 =	simm.s32 $0x1B8B  }
0x1a: {  	_ =	swait.ge [sflag:s24], $0x1  }
0x1b: {  	[sflag:s24] =	ssyncset.done $0x0  }
0x1c: {  	s26 =	simm.s32 $0x1B8E;
	s25 =	sld [smem:$0x3FFE];
	[sflag:s24] =	ssyncadd.s32 $0xFFFFFFFF  }
0x1d: {  	s27 =	simm.s32 $execute0_lowered;
	[smem:$0x3FD2] =	sst s26  }
0x1e: {  	s5 =	sshll.u32 s27, $0x1;
	_ =	strace $0x80000049;
	[dreg:$0x1] =	wrdreg $0xFFFFFFFF  }
0x1f: {  	s28 =	simm.s32 $_size_execute0_lowered;
	s3 =	sadd.s32 s3, s5;
	[dreg:$0x0] =	wrdreg $0x0  }
0x20: {  	s5 =	sshll.u32 s28, $0x1;
	[dreg:$0x2] =	wrdreg s3  }
0x21: {  	[dreg:$0x3] =	wrdreg s5  }
0x22: {  	[dreg:$0x4] =	wrdreg $0xC0  }
0x23: {  	_ =	task [dreg:s7], $0x5FFFF  }
0x24: {  	[dreg:$0x1] =	wrdreg $0xFFFFFFFF  }
0x25: {  	[dreg:$0x0] =	wrdreg $0x60  }
0x26: {  	[dreg:$0x2] =	wrdreg s25  }
0x27: {  	[dreg:$0x3] =	wrdreg s2  }
0x28: {  	[dreg:$0x4] =	wrdreg $0x9  }
0x29: {  	_ =	task.clear_ibuf [dreg:s7], $0x5FFFF;
	_ =	strace $0x90000049  }
0x2a: {  	s29 =	simm.s32 $0x9;
	_ =	strace $0x8000004B  }
0x2b: {  	_ =	swait.ge [sflag:s29], $0x1  }
0x2c: {  	[sflag:s29] =	ssyncadd.s32 $0xFFFFFFFF  }
0x2d: {  	_ =	strace $0x9000004B  }
0x2e: {  	_ =	sfence  }
0x2f: {  	s30 =	sld [smem:$0x0];
	_ =	sdelay $0x2  }
0x30: {  	s31 =	sshll.u32 s1, $0xD;
	s1 =	sshrl.u32 s1, $0x2  }
0x31: {  	s3 =	sand.u32 $0x4000, s31;
	s1 =	sadd.s32 s1, s30  }
0x32: {  	s0 =	sor.u32 s3, s0;
	s1 =	sshll.u32 s1, $0x11  }
0x33: {  	s0 =	sor.u32 s1, s0  }
0x34: {  	s0 =	sadd.s32 $0x8F2B, s0  }
0x35: {  	[sflag:s0] =	ssyncadd.remote.s32 $0x1  }
0x36: {  	_ =	sfence.sel $0xFFFF  }
0x37: {  	[dreg:$0x0] =	wrdreg $0xFFFFFFFF;
	(pc) =	sbr.abs _section_cstart, $3  }
0x38: {  	[dreg:$0x1] =	wrdreg $0xFFFFFFFF  }
0x39: {  	_ =	task.clear_ibuf [dreg:s7], $0x2FFFF;
	_ =	strace $0x9FFFFFFF  }
0x3a: {  	(tm) =	ssettm $0x7FFFFFFF  }
0x3b: {  	_ =	shalt  }
tec
execute0_lowered:
.L_overlay_start_1:
0x0: {  	(tag) =	ssettag $0x1  }
0x1: {  	s0 =	srdreg.scid  }
0x2: {  	s1 =	sshll.u32 s0, $0x4  }
0x3: {  	s0 =	stileid.u32;
	s1 =	sand.u32 $0x10, s1  }
0x4: {  	s1 =	sor.u32 s0, s1  }
0x5: {  	s6 =	rddreg [dreg:$0x0];
	s4 =	simm.s32 $0x1;
	s2 =	sshll.u32 s1, $0x7  }
0x6: {  	s7 =	simm.s32 $0x2;
	s12 =	simm.s32 $0x0;
	s1 =	ssub.s32 $0x1000, s2  }
0x7: {  	s8 =	simm.s32 $0x8000;
	s13 =	simm.s32 $0x0;
	s3 =	sand.u32 $0xF80, s1  }
0x8: {  	s9 =	simm.s32 $0x0;
	s5 =	sshrl.u32 s1, $0xC;
	p0 =	sne.s32 s3, $0x0  }
.Ltmp0:
0x9: {  	s1 =	rddreg [dreg:$0x2];
	s4 =	simm.s32 @!p0 $0x0;
	(pc) =	sbr.rel .LBB1_1-.Ltmp0, $4  }
0xa: {  	s11 =	simm.s32 $0x0;
	s3 =	rddreg [dreg:$0x1];
	s5 =	sadd.s32 s4, s5  }
0xb: {  	_ =	strace $0x8000004A;
	s4 =	simm.s32 $0x1;
	s5 =	smul.u32 $0xC8, s5  }
0xc: {  	s6 =	sadd.s32 $0x1400, s6;
	s10 =	smov.u32 s2;
	[sflag:s4] =	ssyncpa.u1 $0x0  }
0xd: {  	p0 =	por $0x0, $0x0;
	[sflag:s7] =	ssyncpa.u1 $0x0;
	s7 =	sor.u32 $0x1, s5  }
.LBB1_4:
0xe: {  	s16 =	sshll.u32 s13, $0x3;
	s17 =	sand.u32 $0x78, s13  }
0xf: {  	s30 =	sand.u32 $0x7E00, s13;
	s12 =	sshll.u32 s12, $0xF;
	s16 =	sand.u32 $0xC00, s16  }
0x10: {  	[tilespmem:s15+$0x810 ss:$0x81] =	vst.msk $0xffff, v2;
	s31 =	sand.u32 $0x7, s13;
	s16 =	sor.u32 s17, s16;
	s17 =	sadd.s32 s3, s30  }
0x11: {  	[tilespmem:s15+$0x1020 ss:$0x81] =	vst.msk $0xffff, v0;
	s13 =	sshll.u32 s31, $0x12;
	s12 =	sadd.s32 s12, s17;
	s16 =	sshrl.u32 s16, $0x3  }
0x12: {  	[tilespmem:s15+$0x0 ss:$0x81] =	vst.msk $0xffff, v1;
	s13 =	sor.u32 $0x400, s13;
	s12 =	sadd.s32 s16, s12  }
0x13: {  	[hbm4b:s12+s13] =	stream.strided.scatter [tilespmem:s14], [sflag:$0x2], $0x2000, s8, s13, $0x20;
	[tilespmem:$0x8080] =	vst v63  }
.LBB1_5:
0x14: {  	s14 =	sadd.s32 $0x1, s9  }
0x15: {  	s12 =	sadd.s32 $0x1000, s10;
	s16 =	smov.u32 s10;
	p2 =	sgt.s32 s14, $0xC7  }
0x16: {  	s16 =	smov.u32 @p2 s12  }
0x17: {  	s14 =	simm.s32 @p2 $0x0;
	p2 =	sgt.s32 s16, $0xFFF  }
0x18: {  	s16 =	smov.u32 @p2 s2;
	p2 =	sne.s32 s11, s7  }
.Ltmp1:
0x19: {  	p1 =	slt.u32 s11, $0x2;
	(pc) =	sbr.rel @!p2 .LBB1_6-.Ltmp1, $4  }
0x1a: {  	s15 =	simm.s32 @!p1 $0x2  }
0x1b: {  	s13 =	smov.u32 s10;
	p0 =	por !p0, !p0;
	_ =	swait.ge @!p1 [sflag:s15], $0x2000  }
0x1c: {  	s12 =	smov.u32 s9;
	[sflag:s15] =	ssyncset.done @!p1 $0x0;
	s9 =	smov.u32 s14  }
0x1d: {  	s11 =	sadd.s32 $0x1, s11;
	[sflag:s15] =	ssyncadd.s32 @!p1 $0xFFFFE000;
	s10 =	smov.u32 s16  }
.LBB1_1:
0x1e: {  	p1 =	sge.u32 s11, s5  }
0x1f: {  	s14 =	sand.u32 @!p1 $0x1FFFFFF, s9  }
0x20: {  	s15 =	smulhi.u32 @!p1 $0x147AE15, s14;
	_ =	sdelay $0x1  }
0x21: {  	s15 =	smul.u32 @!p1 $0xC8, s15  }
0x22: {  	s16 =	sxor.u32 @!p1 $0xFFFFFFFF, s11;
	s17 =	smul.u32 @!p1 $0xC80, s10  }
0x23: {  	s31 =	sadd.s32 $0xFFFFFFFF, s11;
	s16 =	sshll.u32 @!p1 s16, $0xD;
	s14 =	ssub.s32 @!p1 s14, s15  }
0x24: {  	s15 =	sand.u32 @!p1 $0x2000, s16;
	s16 =	sadd.s32 @!p1 s6, s17;
	s14 =	sshll.u32 @!p1 s14, $0x4  }
0x25: {  	s17 =	simm.s32 @!p1 $0x6400;
	s14 =	sadd.s32 @!p1 s14, s16;
	s16 =	simm.s32 @!p1 $0x40  }
0x26: {  	[tilespmem:s15], [sflag:$0x1] =	stream.strided.gather @!p1 [hbm4b:s14+s16], $0x2000, s17, s16, $0x38;
	[tilespmem:$0x8080] =	vst v63  }
0x27: {  	p1 =	sge.u32 s31, s5  }
.Ltmp2:
0x28: {  	_ = 	snop;
	(pc) =	sbr.rel @p1 .LBB1_5-.Ltmp2, $1  }
0x29: {  	_ =	sdelay $0x3  }
0x2a: {  	s14 =	simm.s32 $0x1  }
0x2b: {  	_ =	swait.ge [sflag:s4], $0x2000;
	s14 =	simm.s32 @!p0 $0x0  }
0x2c: {  	[sflag:s4] =	ssyncset.done $0x0;
	s15 =	sshll.u32 s14, $0xD  }
0x2d: {  	[sflag:s4] =	ssyncadd.s32 $0xFFFFE000;
	s18 =	sor.u32 $0x20, s15  }
0x2e: {  	s14 =	smul.u32 $0x8100, s14;
	v3 =	vld [tilespmem:s18+$0x10]  }
0x2f: {  	s30 =	sand.u32 $0x1, s11;
	v2 =	vld [tilespmem:s18+$0xFFFFFFF0]  }
0x30: {  	s15 =	smul.u32 $0x8100, s30;
	s14 =	sshrl.u32 s14, $0x2;
	v0 =	vld [tilespmem:s18+$0x0]  }
0x31: {  	v1 =	vld [tilespmem:s18+$0xFFFFFFE0];
	s16 =	sor.u32 $0x4000, s14  }
0x32: {  	s31 =	sshrl.u32 s15, $0x2;
	s15 =	sadd.s32 $0x0, s16  }
0x33: {  	s17 =	simm.s32 $0x4;
	s18 =	sadd.s32 $0x40, s18;
	s14 =	sor.u32 $0x4000, s31;
	[tilespmem:s15+$0x1830 ss:$0x81] =	vst.msk $0xffff, v3  }
.LBB1_3:
0x34: {  	v3 =	vld [tilespmem:s18+$0x10];
	p1 =	sne.s32 s17, $0x1FC;
	[tilespmem:s15+$0x810 ss:$0x81] =	vst.msk $0xffff, v2;
	s19 =	smov.u32 s17;
	s17 =	sadd.s32 $0x4, s17  }
.Ltmp3:
0x35: {  	v2 =	vld [tilespmem:s18+$0xFFFFFFF0];
	[tilespmem:s15+$0x1020 ss:$0x81] =	vst.msk $0xffff, v0;
	(pc) =	sbr.rel @p1 .LBB1_3-.Ltmp3, $4  }
0x36: {  	v0 =	vld [tilespmem:s18+$0x0];
	[tilespmem:s15+$0x0 ss:$0x81] =	vst.msk $0xffff, v1  }
0x37: {  	s15 =	sshra.s32 s19, $0x2;
	v1 =	vld [tilespmem:s18+$0xFFFFFFE0]  }
0x38: {  	s15 =	sadd.s32 s15, s16  }
0x39: {  	s18 =	sadd.s32 $0x40, s18;
	[tilespmem:s15+$0x1830 ss:$0x81] =	vst.msk $0xffff, v3  }
.Ltmp4:
0x3a: {  	_ = 	snop;
	(pc) =	sbr.rel .LBB1_4-.Ltmp4, $1  }
0x3b: {  	_ =	sdelay $0x3  }
.LBB1_6:
0x3c: {  	_ =	sfence.sel $0x180000  }
0x3d: {  	s2 =	simm.s32 $0x1;
	[bflag:$0x0] =	sbarrier.arrive $0xFFFF  }
0x3e: {  	s31 =	simm.s32 $0x2;
	[sflag:s2] =	ssyncpa.u1 $0x1  }
0x3f: {  	[sflag:s31] =	ssyncpa.u1 $0x1  }
0x40: {  	p0 =	sne.s32 s0, $0x0;
	_ =	strace $0x9000004A  }
0x41: {  	s0 =	sadd.s32 @!p0 $0x100000, s1;
	[bflag:$0x2] =	sbarrier.arrive $0xFFFF  }
0x42: {  	[sflag:s0] =	ssyncadd.tile.s32 @!p0 $0x1;
	_ =	shalt  }
.Lfunc_end1:
_tile_overlayer_lowered:
.L_overlay_start_2:
0x43: {  	(tag) =	ssettag $0x2  }
0x44: {  	s0 =	rddreg [dreg:$0x0];
	s2 =	stileid.u32  }
0x45: {  	s1 =	rddreg [dreg:$0x1];
	p0 =	sne.s32 s2, $0x0  }
0x46: {  	s3 =	rddreg [dreg:$0x2];
	[bflag:$0x3] =	sbarrier.arrive $0xFFFF;
	s2 =	simm.s32 @!p0 $0x1C01  }
0x47: {  	[timem:s3], [sflag:s2] =	dma.local @!p0 [hbm:s0], s1  }
0x48: {  	s0 =	simm.s32 @!p0 $0x1  }
0x49: {  	_ =	swait.ge @!p0 [sflag:s0], s1  }
0x4a: {  	s1 =	ssub.s32 @!p0 $0x0, s1;
	[sflag:s0] =	ssyncset.done @!p0 $0x0  }
0x4b: {  	[sflag:s0] =	ssyncadd.s32 @!p0 s1  }
0x4c: {  	[bflag:$0x3] =	sbarrier.arrive $0xFFFF  }
0x4d: {  	_ =	shalt  }

</sc_bundles>
